<compile_context>
chip_gen: v7x
topology: tpu7x:2x2x1
jax: 0.10.2.dev20260603
libtpu: 0.0.44.dev20260713+nightly
codegen_flags: <defaults>
</compile_context>

<pallas_src>
import functools

import jax
import jax.numpy as jnp
from jax import lax
from jax.experimental import pallas as pl
from jax.experimental.pallas import tpu as pltpu
from jax.experimental.pallas import tpu_sc as plsc


def _sc_gather(input_ids, table_flat, V, D):
    B = input_ids.shape[0]
    L = 16
    info = plsc.get_sparse_core_info()
    NC, NS = info.num_cores, info.num_subcores
    NW = NC * NS
    assert B % (8 * NW) == 0 and D % L == 0
    b_per_w = B // NW
    n_flat = b_per_w * D
    n_chunks = n_flat // 128

    mesh = plsc.VectorSubcoreMesh(core_axis_name="c", subcore_axis_name="s")

    @functools.partial(
        pl.kernel,
        mesh=mesh,
        compiler_params=pltpu.CompilerParams(needs_layout_passes=False),
        out_type=jax.ShapeDtypeStruct((B * D // 128, 128), jnp.float32),
        scratch_types=[
            pltpu.VMEM((b_per_w + 8,), jnp.int32),
            pltpu.VMEM((n_chunks, 128), jnp.int32),
            pltpu.VMEM((n_chunks, 128), jnp.float32),
            pltpu.SemaphoreType.DMA,
        ],
    )
    def gather_kernel(idx_hbm, table_hbm, out_hbm, idx_v, flat_v, rows_v, sem):
        wid = lax.axis_index("s") * NC + lax.axis_index("c")
        base = wid * b_per_w
        pltpu.sync_copy(idx_hbm.at[pl.ds(base, b_per_w)], idx_v.at[pl.ds(8, b_per_w)])
        lane = lax.iota(jnp.int32, L)
        for j in range(b_per_w):
            rj = plsc.load_gather(idx_v, [jnp.full((L,), j + 8, jnp.int32)])
            for k in range(D // L):
                p = j * D + k * L
                flat_v[p // 128, pl.ds(p % 128, L)] = (lane + k * L) * V + rj
        for c in range(n_chunks):
            pltpu.async_copy(
                table_hbm.at[flat_v.at[c]],
                rows_v.at[c],
                sem,
            ).start()
        for c in range(n_chunks):
            pltpu.async_copy(
                table_hbm.at[flat_v.at[c]],
                rows_v.at[c],
                sem,
            ).wait()
        pltpu.sync_copy(rows_v, out_hbm.at[pl.ds(wid * n_chunks, n_chunks)])

    return gather_kernel(input_ids, table_flat)


def _tc_project_t(emb, w_t, lin_b):
    B, D = emb.shape
    V = w_t.shape[1]
    BV = 2048

    def body(w_ref, emb_ref, b_ref, out_ref):
        out_ref[...] = lax.dot_general(
            w_ref[...], emb_ref[...],
            (((0,), (1,)), ((), ())),
            preferred_element_type=jnp.float32,
        ) + b_ref[...]

    return pl.pallas_call(
        body,
        grid=(pl.cdiv(V, BV),),
        in_specs=[
            pl.BlockSpec((D, BV), lambda i: (0, i)),
            pl.BlockSpec((B, D), lambda i: (0, 0)),
            pl.BlockSpec((BV, 1), lambda i: (i, 0)),
        ],
        out_specs=pl.BlockSpec((BV, B), lambda i: (i, 0)),
        out_shape=jax.ShapeDtypeStruct((V, B), jnp.float32),
    )(w_t, emb, lin_b.reshape(V, 1))


def kernel(input_ids, emb_table, lin_w, lin_b):
    V, D = emb_table.shape
    emb_2d = _sc_gather(
        input_ids.astype(jnp.int32),
        lax.reshape(emb_table, (V * D,), dimensions=(1, 0)), V, D
    )
    emb = emb_2d.reshape(input_ids.shape[0], D)
    return _tc_project_t(emb, lin_w.T, lin_b).T

# --- scband reference (transcript-rebuilt; emitter-appended) ---
"""Pipeline reference for scband-vanilla-skipgram-10883447128417 (READ-ONLY COPY).

The authoritative reference and input builder live on the scoring server;
editing this copy changes nothing except your own understanding.
"""

import jax, jax.numpy as jnp
import numpy as np

VOCAB = 100000
EMB = 64
BATCH = 1024

def setup_inputs(seed: int = 0) -> dict:
    key = jax.random.key(seed)
    k1, k2, k3, k4 = jax.random.split(key, 4)
    input_ids = jax.random.randint(k1, (BATCH,), 0, VOCAB, dtype=jnp.int64 if jax.config.jax_enable_x64 else jnp.int32)
    emb_table = jax.random.normal(k2, (VOCAB, EMB), dtype=jnp.float32) * 0.02
    lin_w = jax.random.normal(k3, (VOCAB, EMB), dtype=jnp.float32) * 0.02
    lin_b = jnp.zeros((VOCAB,), dtype=jnp.float32)
    return {"input_ids": input_ids, "emb_table": emb_table, "lin_w": lin_w, "lin_b": lin_b}

def reference(input_ids, emb_table, lin_w, lin_b):
    # embedding lookup (gather)
    embeddings = jnp.take(emb_table, input_ids, axis=0)  # [B, EMB]
    # linear projection to vocab logits: y = x W^T + b
    output = embeddings @ lin_w.T + lin_b  # [B, VOCAB]
    return output

if __name__ == "__main__":
    import jax
    _d = setup_inputs()
    print(jax.jit(kernel)(*tuple(_d.values())))

</pallas_src>

<mosaic_0001>
#map = affine_map<(d0, d1) -> (0)>
#map1 = affine_map<(d0, d1) -> (0, 0)>
module attributes {stable_mosaic.version = 14 : i64} {
  func.func @gather_kernel(%arg0: i32, %arg1: i32, %arg2: memref<1024xi32, #tpu.memory_space<hbm>>, %arg3: memref<6400000xf32, #tpu.memory_space<hbm>>, %arg4: memref<512x128xf32, #tpu.memory_space<hbm>>, %arg5: memref<40xi32, #tpu.memory_space<vmem>>, %arg6: memref<16x128xi32, #tpu.memory_space<vmem>>, %arg7: memref<16x128xf32, #tpu.memory_space<vmem>>, %arg8: memref<!tpu.dma_semaphore, #tpu.memory_space<semaphore_mem>>) attributes {dimension_semantics = [#tpu.dimension_semantics<core_parallel>, #tpu.dimension_semantics<subcore_parallel>], iteration_bounds = array<i64: 2, 16>, scalar_prefetch = 0 : i64, scratch_operands = 4 : i64, tpu.core_type = #tpu.core_type<sc_vector_subcore>, window_params = [{transform_indices = #map}, {transform_indices = #map}, {transform_indices = #map1}]} {
    %mul3A = arith.constant 2 : i32
    %mul3A_0 = arith.muli %arg1, %mul3A : i32
    %add3A = arith.addi %mul3A_0, %arg0 : i32
    %mul3A_1 = arith.constant 32 : i32
    %mul3A_2 = arith.muli %add3A, %mul3A_1 : i32
    "tpu.region"() ({
      %run_scoped3A = tpu.sem_alloc : memref<!tpu.dma_semaphore, #tpu.memory_space<semaphore_mem>>
      %dma_start3A_2144 = arith.constant 8 : i32
      %dma_start3A_2145 = tpu.memref_slice %arg5[%dma_start3A_2144] : memref<40xi32, #tpu.memory_space<vmem>> -> memref<32xi32, #tpu.memory_space<vmem>>
      %dma_start3A_2146 = tpu.memref_slice %arg2[%mul3A_2] : memref<1024xi32, #tpu.memory_space<hbm>> -> memref<32xi32, #tpu.memory_space<hbm>>
      %dma_start3A_2147 = arith.constant 8 : i32
      %dma_start3A_2148 = tpu.memref_slice %arg5[%dma_start3A_2147] : memref<40xi32, #tpu.memory_space<vmem>> -> memref<32xi32, #tpu.memory_space<vmem>>
      %dma_start3A_2149 = tpu.memref_slice %arg2[%mul3A_2] : memref<1024xi32, #tpu.memory_space<hbm>> -> memref<32xi32, #tpu.memory_space<hbm>>
      tpu.enqueue_dma source(%dma_start3A_2149 : memref<32xi32, #tpu.memory_space<hbm>>) target(%dma_start3A_2148 : memref<32xi32, #tpu.memory_space<vmem>>) target_semaphore(%run_scoped3A : memref<!tpu.dma_semaphore, #tpu.memory_space<semaphore_mem>>)
      %dma_wait3A_2150 = arith.constant 8 : i32
      %dma_wait3A_2151 = tpu.memref_slice %arg5[%dma_wait3A_2150] : memref<40xi32, #tpu.memory_space<vmem>> -> memref<32xi32, #tpu.memory_space<vmem>>
      %dma_wait3A_2152 = tpu.memref_slice %arg2[%mul3A_2] : memref<1024xi32, #tpu.memory_space<hbm>> -> memref<32xi32, #tpu.memory_space<hbm>>
      %dma_wait3A_2153 = arith.constant 8 : i32
      %dma_wait3A_2154 = tpu.memref_slice %arg5[%dma_wait3A_2153] : memref<40xi32, #tpu.memory_space<vmem>> -> memref<32xi32, #tpu.memory_space<vmem>>
      %dma_wait3A_2155 = tpu.memref_slice %arg2[%mul3A_2] : memref<1024xi32, #tpu.memory_space<hbm>> -> memref<32xi32, #tpu.memory_space<hbm>>
      tpu.wait_dma2 semaphore(%run_scoped3A : memref<!tpu.dma_semaphore, #tpu.memory_space<semaphore_mem>>) src(%dma_wait3A_2155 : memref<32xi32, #tpu.memory_space<hbm>>) dst(%dma_wait3A_2154 : memref<32xi32, #tpu.memory_space<vmem>>)
      tpu.yield
    }) : () -> ()
    %iota3A = tpu.iota {dimensions = array<i32: 0>} : vector<16xi32>
    %broadcast_in_dim3A = arith.constant 8 : i32
    %broadcast_in_dim3A_3 = vector.broadcast %broadcast_in_dim3A : i32 to vector<16xi32>
    %gather3A = tpu.vector_load_idx %arg5[%broadcast_in_dim3A_3] : memref<40xi32, #tpu.memory_space<vmem>>[vector<16xi32>], vector<16xi32>,
    %add3A_4 = arith.constant 0 : i32
    %add3A_5 = vector.broadcast %add3A_4 : i32 to vector<16xi32>
    %add3A_6 = arith.addi %iota3A, %add3A_5 : vector<16xi32>
    %mul3A_7 = arith.constant 100000 : i32
    %mul3A_8 = vector.broadcast %mul3A_7 : i32 to vector<16xi32>
    %mul3A_9 = arith.muli %add3A_6, %mul3A_8 : vector<16xi32>
    %add3A_10 = arith.addi %mul3A_9, %gather3A : vector<16xi32>
    %swap3A = arith.constant 0 : i32
    %swap3A_11 = arith.index_cast %swap3A : i32 to index
    %swap3A_12 = arith.constant 0 : index
    %swap3A_13 = tpu.vector_load %arg6[%swap3A_11, %swap3A_12] {strides = array<i32>} : memref<16x128xi32, #tpu.memory_space<vmem>>, vector<16xi32>,
    tpu.vector_store %arg6[%swap3A_11, %swap3A_12], %add3A_10 {strides = array<i32>} : memref<16x128xi32, #tpu.memory_space<vmem>>, vector<16xi32>,
    %add3A_14 = arith.constant 16 : i32
    %add3A_15 = vector.broadcast %add3A_14 : i32 to vector<16xi32>
    %add3A_16 = arith.addi %iota3A, %add3A_15 : vector<16xi32>
    %mul3A_17 = arith.constant 100000 : i32
    %mul3A_18 = vector.broadcast %mul3A_17 : i32 to vector<16xi32>
    %mul3A_19 = arith.muli %add3A_16, %mul3A_18 : vector<16xi32>
    %add3A_20 = arith.addi %mul3A_19, %gather3A : vector<16xi32>
    %swap3A_21 = arith.constant 0 : i32
    %swap3A_22 = arith.index_cast %swap3A_21 : i32 to index
    %swap3A_23 = arith.constant 16 : index
    %swap3A_24 = tpu.vector_load %arg6[%swap3A_22, %swap3A_23] {strides = array<i32>} : memref<16x128xi32, #tpu.memory_space<vmem>>, vector<16xi32>,
    tpu.vector_store %arg6[%swap3A_22, %swap3A_23], %add3A_20 {strides = array<i32>} : memref<16x128xi32, #tpu.memory_space<vmem>>, vector<16xi32>,
    %add3A_25 = arith.constant 32 : i32
    %add3A_26 = vector.broadcast %add3A_25 : i32 to vector<16xi32>
    %add3A_27 = arith.addi %iota3A, %add3A_26 : vector<16xi32>
    %mul3A_28 = arith.constant 100000 : i32
    %mul3A_29 = vector.broadcast %mul3A_28 : i32 to vector<16xi32>
    %mul3A_30 = arith.muli %add3A_27, %mul3A_29 : vector<16xi32>
    %add3A_31 = arith.addi %mul3A_30, %gather3A : vector<16xi32>
    %swap3A_32 = arith.constant 0 : i32
    %swap3A_33 = arith.index_cast %swap3A_32 : i32 to index
    %swap3A_34 = arith.constant 32 : index
    %swap3A_35 = tpu.vector_load %arg6[%swap3A_33, %swap3A_34] {strides = array<i32>} : memref<16x128xi32, #tpu.memory_space<vmem>>, vector<16xi32>,
    tpu.vector_store %arg6[%swap3A_33, %swap3A_34], %add3A_31 {strides = array<i32>} : memref<16x128xi32, #tpu.memory_space<vmem>>, vector<16xi32>,
    %add3A_36 = arith.constant 48 : i32
    %add3A_37 = vector.broadcast %add3A_36 : i32 to vector<16xi32>
    %add3A_38 = arith.addi %iota3A, %add3A_37 : vector<16xi32>
    %mul3A_39 = arith.constant 100000 : i32
    %mul3A_40 = vector.broadcast %mul3A_39 : i32 to vector<16xi32>
    %mul3A_41 = arith.muli %add3A_38, %mul3A_40 : vector<16xi32>
    %add3A_42 = arith.addi %mul3A_41, %gather3A : vector<16xi32>
    %swap3A_43 = arith.constant 0 : i32
    %swap3A_44 = arith.index_cast %swap3A_43 : i32 to index
    %swap3A_45 = arith.constant 48 : index
    %swap3A_46 = tpu.vector_load %arg6[%swap3A_44, %swap3A_45] {strides = array<i32>} : memref<16x128xi32, #tpu.memory_space<vmem>>, vector<16xi32>,
    tpu.vector_store %arg6[%swap3A_44, %swap3A_45], %add3A_42 {strides = array<i32>} : memref<16x128xi32, #tpu.memory_space<vmem>>, vector<16xi32>,
    %broadcast_in_dim3A_47 = arith.constant 9 : i32
    %broadcast_in_dim3A_48 = vector.broadcast %broadcast_in_dim3A_47 : i32 to vector<16xi32>
    %gather3A_49 = tpu.vector_load_idx %arg5[%broadcast_in_dim3A_48] : memref<40xi32, #tpu.memory_space<vmem>>[vector<16xi32>], vector<16xi32>,
    %add3A_50 = arith.constant 0 : i32
    %add3A_51 = vector.broadcast %add3A_50 : i32 to vector<16xi32>
    %add3A_52 = arith.addi %iota3A, %add3A_51 : vector<16xi32>
    %mul3A_53 = arith.constant 100000 : i32
    %mul3A_54 = vector.broadcast %mul3A_53 : i32 to vector<16xi32>
    %mul3A_55 = arith.muli %add3A_52, %mul3A_54 : vector<16xi32>
    %add3A_56 = arith.addi %mul3A_55, %gather3A_49 : vector<16xi32>
    %swap3A_57 = arith.constant 0 : i32
    %swap3A_58 = arith.index_cast %swap3A_57 : i32 to index
    %swap3A_59 = arith.constant 64 : index
    %swap3A_60 = tpu.vector_load %arg6[%swap3A_58, %swap3A_59] {strides = array<i32>} : memref<16x128xi32, #tpu.memory_space<vmem>>, vector<16xi32>,
    tpu.vector_store %arg6[%swap3A_58, %swap3A_59], %add3A_56 {strides = array<i32>} : memref<16x128xi32, #tpu.memory_space<vmem>>, vector<16xi32>,
    %add3A_61 = arith.constant 16 : i32
    %add3A_62 = vector.broadcast %add3A_61 : i32 to vector<16xi32>
    %add3A_63 = arith.addi %iota3A, %add3A_62 : vector<16xi32>
    %mul3A_64 = arith.constant 100000 : i32
    %mul3A_65 = vector.broadcast %mul3A_64 : i32 to vector<16xi32>
    %mul3A_66 = arith.muli %add3A_63, %mul3A_65 : vector<16xi32>
    %add3A_67 = arith.addi %mul3A_66, %gather3A_49 : vector<16xi32>
    %swap3A_68 = arith.constant 0 : i32
    %swap3A_69 = arith.index_cast %swap3A_68 : i32 to index
    %swap3A_70 = arith.constant 80 : index
    %swap3A_71 = tpu.vector_load %arg6[%swap3A_69, %swap3A_70] {strides = array<i32>} : memref<16x128xi32, #tpu.memory_space<vmem>>, vector<16xi32>,
    tpu.vector_store %arg6[%swap3A_69, %swap3A_70], %add3A_67 {strides = array<i32>} : memref<16x128xi32, #tpu.memory_space<vmem>>, vector<16xi32>,
    %add3A_72 = arith.constant 32 : i32
    %add3A_73 = vector.broadcast %add3A_72 : i32 to vector<16xi32>
    %add3A_74 = arith.addi %iota3A, %add3A_73 : vector<16xi32>
    %mul3A_75 = arith.constant 100000 : i32
    %mul3A_76 = vector.broadcast %mul3A_75 : i32 to vector<16xi32>
    %mul3A_77 = arith.muli %add3A_74, %mul3A_76 : vector<16xi32>
    %add3A_78 = arith.addi %mul3A_77, %gather3A_49 : vector<16xi32>
    %swap3A_79 = arith.constant 0 : i32
    %swap3A_80 = arith.index_cast %swap3A_79 : i32 to index
    %swap3A_81 = arith.constant 96 : index
    %swap3A_82 = tpu.vector_load %arg6[%swap3A_80, %swap3A_81] {strides = array<i32>} : memref<16x128xi32, #tpu.memory_space<vmem>>, vector<16xi32>,
    tpu.vector_store %arg6[%swap3A_80, %swap3A_81], %add3A_78 {strides = array<i32>} : memref<16x128xi32, #tpu.memory_space<vmem>>, vector<16xi32>,
    %add3A_83 = arith.constant 48 : i32
    %add3A_84 = vector.broadcast %add3A_83 : i32 to vector<16xi32>
    %add3A_85 = arith.addi %iota3A, %add3A_84 : vector<16xi32>
    %mul3A_86 = arith.constant 100000 : i32
    %mul3A_87 = vector.broadcast %mul3A_86 : i32 to vector<16xi32>
    %mul3A_88 = arith.muli %add3A_85, %mul3A_87 : vector<16xi32>
    %add3A_89 = arith.addi %mul3A_88, %gather3A_49 : vector<16xi32>
    %swap3A_90 = arith.constant 0 : i32
    %swap3A_91 = arith.index_cast %swap3A_90 : i32 to index
    %swap3A_92 = arith.constant 112 : index
    %swap3A_93 = tpu.vector_load %arg6[%swap3A_91, %swap3A_92] {strides = array<i32>} : memref<16x128xi32, #tpu.memory_space<vmem>>, vector<16xi32>,
    tpu.vector_store %arg6[%swap3A_91, %swap3A_92], %add3A_89 {strides = array<i32>} : memref<16x128xi32, #tpu.memory_space<vmem>>, vector<16xi32>,
    %broadcast_in_dim3A_94 = arith.constant 10 : i32
    %broadcast_in_dim3A_95 = vector.broadcast %broadcast_in_dim3A_94 : i32 to vector<16xi32>
    %gather3A_96 = tpu.vector_load_idx %arg5[%broadcast_in_dim3A_95] : memref<40xi32, #tpu.memory_space<vmem>>[vector<16xi32>], vector<16xi32>,
    %add3A_97 = arith.constant 0 : i32
    %add3A_98 = vector.broadcast %add3A_97 : i32 to vector<16xi32>
    %add3A_99 = arith.addi %iota3A, %add3A_98 : vector<16xi32>
    %mul3A_100 = arith.constant 100000 : i32
    %mul3A_101 = vector.broadcast %mul3A_100 : i32 to vector<16xi32>
    %mul3A_102 = arith.muli %add3A_99, %mul3A_101 : vector<16xi32>
    %add3A_103 = arith.addi %mul3A_102, %gather3A_96 : vector<16xi32>
    %swap3A_104 = arith.constant 1 : i32
    %swap3A_105 = arith.index_cast %swap3A_104 : i32 to index
    %swap3A_106 = arith.constant 0 : index
    %swap3A_107 = tpu.vector_load %arg6[%swap3A_105, %swap3A_106] {strides = array<i32>} : memref<16x128xi32, #tpu.memory_space<vmem>>, vector<16xi32>,
    tpu.vector_store %arg6[%swap3A_105, %swap3A_106], %add3A_103 {strides = array<i32>} : memref<16x128xi32, #tpu.memory_space<vmem>>, vector<16xi32>,
    %add3A_108 = arith.constant 16 : i32
    %add3A_109 = vector.broadcast %add3A_108 : i32 to vector<16xi32>
    %add3A_110 = arith.addi %iota3A, %add3A_109 : vector<16xi32>
    %mul3A_111 = arith.constant 100000 : i32
    %mul3A_112 = vector.broadcast %mul3A_111 : i32 to vector<16xi32>
    %mul3A_113 = arith.muli %add3A_110, %mul3A_112 : vector<16xi32>
    %add3A_114 = arith.addi %mul3A_113, %gather3A_96 : vector<16xi32>
    %swap3A_115 = arith.constant 1 : i32
    %swap3A_116 = arith.index_cast %swap3A_115 : i32 to index
    %swap3A_117 = arith.constant 16 : index
    %swap3A_118 = tpu.vector_load %arg6[%swap3A_116, %swap3A_117] {strides = array<i32>} : memref<16x128xi32, #tpu.memory_space<vmem>>, vector<16xi32>,
    tpu.vector_store %arg6[%swap3A_116, %swap3A_117], %add3A_114 {strides = array<i32>} : memref<16x128xi32, #tpu.memory_space<vmem>>, vector<16xi32>,
    %add3A_119 = arith.constant 32 : i32
    %add3A_120 = vector.broadcast %add3A_119 : i32 to vector<16xi32>
    %add3A_121 = arith.addi %iota3A, %add3A_120 : vector<16xi32>
    %mul3A_122 = arith.constant 100000 : i32
    %mul3A_123 = vector.broadcast %mul3A_122 : i32 to vector<16xi32>
    %mul3A_124 = arith.muli %add3A_121, %mul3A_123 : vector<16xi32>
    %add3A_125 = arith.addi %mul3A_124, %gather3A_96 : vector<16xi32>
    %swap3A_126 = arith.constant 1 : i32
    %swap3A_127 = arith.index_cast %swap3A_126 : i32 to index
    %swap3A_128 = arith.constant 32 : index
    %swap3A_129 = tpu.vector_load %arg6[%swap3A_127, %swap3A_128] {strides = array<i32>} : memref<16x128xi32, #tpu.memory_space<vmem>>, vector<16xi32>,
    tpu.vector_store %arg6[%swap3A_127, %swap3A_128], %add3A_125 {strides = array<i32>} : memref<16x128xi32, #tpu.memory_space<vmem>>, vector<16xi32>,
    %add3A_130 = arith.constant 48 : i32
    %add3A_131 = vector.broadcast %add3A_130 : i32 to vector<16xi32>
    %add3A_132 = arith.addi %iota3A, %add3A_131 : vector<16xi32>
    %mul3A_133 = arith.constant 100000 : i32
    %mul3A_134 = vector.broadcast %mul3A_133 : i32 to vector<16xi32>
    %mul3A_135 = arith.muli %add3A_132, %mul3A_134 : vector<16xi32>
    %add3A_136 = arith.addi %mul3A_135, %gather3A_96 : vector<16xi32>
    %swap3A_137 = arith.constant 1 : i32
    %swap3A_138 = arith.index_cast %swap3A_137 : i32 to index
    %swap3A_139 = arith.constant 48 : index
    %swap3A_140 = tpu.vector_load %arg6[%swap3A_138, %swap3A_139] {strides = array<i32>} : memref<16x128xi32, #tpu.memory_space<vmem>>, vector<16xi32>,
    tpu.vector_store %arg6[%swap3A_138, %swap3A_139], %add3A_136 {strides = array<i32>} : memref<16x128xi32, #tpu.memory_space<vmem>>, vector<16xi32>,
    %broadcast_in_dim3A_141 = arith.constant 11 : i32
    %broadcast_in_dim3A_142 = vector.broadcast %broadcast_in_dim3A_141 : i32 to vector<16xi32>
    %gather3A_143 = tpu.vector_load_idx %arg5[%broadcast_in_dim3A_142] : memref<40xi32, #tpu.memory_space<vmem>>[vector<16xi32>], vector<16xi32>,
    %add3A_144 = arith.constant 0 : i32
    %add3A_145 = vector.broadcast %add3A_144 : i32 to vector<16xi32>
    %add3A_146 = arith.addi %iota3A, %add3A_145 : vector<16xi32>
    %mul3A_147 = arith.constant 100000 : i32
    %mul3A_148 = vector.broadcast %mul3A_147 : i32 to vector<16xi32>
    %mul3A_149 = arith.muli %add3A_146, %mul3A_148 : vector<16xi32>
    %add3A_150 = arith.addi %mul3A_149, %gather3A_143 : vector<16xi32>
    %swap3A_151 = arith.constant 1 : i32
    %swap3A_152 = arith.index_cast %swap3A_151 : i32 to index
    %swap3A_153 = arith.constant 64 : index
    %swap3A_154 = tpu.vector_load %arg6[%swap3A_152, %swap3A_153] {strides = array<i32>} : memref<16x128xi32, #tpu.memory_space<vmem>>, vector<16xi32>,
    tpu.vector_store %arg6[%swap3A_152, %swap3A_153], %add3A_150 {strides = array<i32>} : memref<16x128xi32, #tpu.memory_space<vmem>>, vector<16xi32>,
    %add3A_155 = arith.constant 16 : i32
    %add3A_156 = vector.broadcast %add3A_155 : i32 to vector<16xi32>
    %add3A_157 = arith.addi %iota3A, %add3A_156 : vector<16xi32>
    %mul3A_158 = arith.constant 100000 : i32
    %mul3A_159 = vector.broadcast %mul3A_158 : i32 to vector<16xi32>
    %mul3A_160 = arith.muli %add3A_157, %mul3A_159 : vector<16xi32>
    %add3A_161 = arith.addi %mul3A_160, %gather3A_143 : vector<16xi32>
    %swap3A_162 = arith.constant 1 : i32
    %swap3A_163 = arith.index_cast %swap3A_162 : i32 to index
    %swap3A_164 = arith.constant 80 : index
    %swap3A_165 = tpu.vector_load %arg6[%swap3A_163, %swap3A_164] {strides = array<i32>} : memref<16x128xi32, #tpu.memory_space<vmem>>, vector<16xi32>,
    tpu.vector_store %arg6[%swap3A_163, %swap3A_164], %add3A_161 {strides = array<i32>} : memref<16x128xi32, #tpu.memory_space<vmem>>, vector<16xi32>,
    %add3A_166 = arith.constant 32 : i32
    %add3A_167 = vector.broadcast %add3A_166 : i32 to vector<16xi32>
    %add3A_168 = arith.addi %iota3A, %add3A_167 : vector<16xi32>
    %mul3A_169 = arith.constant 100000 : i32
    %mul3A_170 = vector.broadcast %mul3A_169 : i32 to vector<16xi32>
    %mul3A_171 = arith.muli %add3A_168, %mul3A_170 : vector<16xi32>
    %add3A_172 = arith.addi %mul3A_171, %gather3A_143 : vector<16xi32>
    %swap3A_173 = arith.constant 1 : i32
    %swap3A_174 = arith.index_cast %swap3A_173 : i32 to index
    %swap3A_175 = arith.constant 96 : index
    %swap3A_176 = tpu.vector_load %arg6[%swap3A_174, %swap3A_175] {strides = array<i32>} : memref<16x128xi32, #tpu.memory_space<vmem>>, vector<16xi32>,
    tpu.vector_store %arg6[%swap3A_174, %swap3A_175], %add3A_172 {strides = array<i32>} : memref<16x128xi32, #tpu.memory_space<vmem>>, vector<16xi32>,
    %add3A_177 = arith.constant 48 : i32
    %add3A_178 = vector.broadcast %add3A_177 : i32 to vector<16xi32>
    %add3A_179 = arith.addi %iota3A, %add3A_178 : vector<16xi32>
    %mul3A_180 = arith.constant 100000 : i32
    %mul3A_181 = vector.broadcast %mul3A_180 : i32 to vector<16xi32>
    %mul3A_182 = arith.muli %add3A_179, %mul3A_181 : vector<16xi32>
    %add3A_183 = arith.addi %mul3A_182, %gather3A_143 : vector<16xi32>
    %swap3A_184 = arith.constant 1 : i32
    %swap3A_185 = arith.index_cast %swap3A_184 : i32 to index
    %swap3A_186 = arith.constant 112 : index
    %swap3A_187 = tpu.vector_load %arg6[%swap3A_185, %swap3A_186] {strides = array<i32>} : memref<16x128xi32, #tpu.memory_space<vmem>>, vector<16xi32>,
    tpu.vector_store %arg6[%swap3A_185, %swap3A_186], %add3A_183 {strides = array<i32>} : memref<16x128xi32, #tpu.memory_space<vmem>>, vector<16xi32>,
    %broadcast_in_dim3A_188 = arith.constant 12 : i32
    %broadcast_in_dim3A_189 = vector.broadcast %broadcast_in_dim3A_188 : i32 to vector<16xi32>
    %gather3A_190 = tpu.vector_load_idx %arg5[%broadcast_in_dim3A_189] : memref<40xi32, #tpu.memory_space<vmem>>[vector<16xi32>], vector<16xi32>,
    %add3A_191 = arith.constant 0 : i32
    %add3A_192 = vector.broadcast %add3A_191 : i32 to vector<16xi32>
    %add3A_193 = arith.addi %iota3A, %add3A_192 : vector<16xi32>
    %mul3A_194 = arith.constant 100000 : i32
    %mul3A_195 = vector.broadcast %mul3A_194 : i32 to vector<16xi32>
    %mul3A_196 = arith.muli %add3A_193, %mul3A_195 : vector<16xi32>
    %add3A_197 = arith.addi %mul3A_196, %gather3A_190 : vector<16xi32>
    %swap3A_198 = arith.constant 2 : i32
    %swap3A_199 = arith.index_cast %swap3A_198 : i32 to index
    %swap3A_200 = arith.constant 0 : index
    %swap3A_201 = tpu.vector_load %arg6[%swap3A_199, %swap3A_200] {strides = array<i32>} : memref<16x128xi32, #tpu.memory_space<vmem>>, vector<16xi32>,
    tpu.vector_store %arg6[%swap3A_199, %swap3A_200], %add3A_197 {strides = array<i32>} : memref<16x128xi32, #tpu.memory_space<vmem>>, vector<16xi32>,
    %add3A_202 = arith.constant 16 : i32
    %add3A_203 = vector.broadcast %add3A_202 : i32 to vector<16xi32>
    %add3A_204 = arith.addi %iota3A, %add3A_203 : vector<16xi32>
    %mul3A_205 = arith.constant 100000 : i32
    %mul3A_206 = vector.broadcast %mul3A_205 : i32 to vector<16xi32>
    %mul3A_207 = arith.muli %add3A_204, %mul3A_206 : vector<16xi32>
    %add3A_208 = arith.addi %mul3A_207, %gather3A_190 : vector<16xi32>
    %swap3A_209 = arith.constant 2 : i32
    %swap3A_210 = arith.index_cast %swap3A_209 : i32 to index
    %swap3A_211 = arith.constant 16 : index
    %swap3A_212 = tpu.vector_load %arg6[%swap3A_210, %swap3A_211] {strides = array<i32>} : memref<16x128xi32, #tpu.memory_space<vmem>>, vector<16xi32>,
    tpu.vector_store %arg6[%swap3A_210, %swap3A_211], %add3A_208 {strides = array<i32>} : memref<16x128xi32, #tpu.memory_space<vmem>>, vector<16xi32>,
    %add3A_213 = arith.constant 32 : i32
    %add3A_214 = vector.broadcast %add3A_213 : i32 to vector<16xi32>
    %add3A_215 = arith.addi %iota3A, %add3A_214 : vector<16xi32>
    %mul3A_216 = arith.constant 100000 : i32
    %mul3A_217 = vector.broadcast %mul3A_216 : i32 to vector<16xi32>
    %mul3A_218 = arith.muli %add3A_215, %mul3A_217 : vector<16xi32>
    %add3A_219 = arith.addi %mul3A_218, %gather3A_190 : vector<16xi32>
    %swap3A_220 = arith.constant 2 : i32
    %swap3A_221 = arith.index_cast %swap3A_220 : i32 to index
    %swap3A_222 = arith.constant 32 : index
    %swap3A_223 = tpu.vector_load %arg6[%swap3A_221, %swap3A_222] {strides = array<i32>} : memref<16x128xi32, #tpu.memory_space<vmem>>, vector<16xi32>,
    tpu.vector_store %arg6[%swap3A_221, %swap3A_222], %add3A_219 {strides = array<i32>} : memref<16x128xi32, #tpu.memory_space<vmem>>, vector<16xi32>,
    %add3A_224 = arith.constant 48 : i32
    %add3A_225 = vector.broadcast %add3A_224 : i32 to vector<16xi32>
    %add3A_226 = arith.addi %iota3A, %add3A_225 : vector<16xi32>
    %mul3A_227 = arith.constant 100000 : i32
    %mul3A_228 = vector.broadcast %mul3A_227 : i32 to vector<16xi32>
    %mul3A_229 = arith.muli %add3A_226, %mul3A_228 : vector<16xi32>
    %add3A_230 = arith.addi %mul3A_229, %gather3A_190 : vector<16xi32>
    %swap3A_231 = arith.constant 2 : i32
    %swap3A_232 = arith.index_cast %swap3A_231 : i32 to index
    %swap3A_233 = arith.constant 48 : index
    %swap3A_234 = tpu.vector_load %arg6[%swap3A_232, %swap3A_233] {strides = array<i32>} : memref<16x128xi32, #tpu.memory_space<vmem>>, vector<16xi32>,
    tpu.vector_store %arg6[%swap3A_232, %swap3A_233], %add3A_230 {strides = array<i32>} : memref<16x128xi32, #tpu.memory_space<vmem>>, vector<16xi32>,
    %broadcast_in_dim3A_235 = arith.constant 13 : i32
    %broadcast_in_dim3A_236 = vector.broadcast %broadcast_in_dim3A_235 : i32 to vector<16xi32>
    %gather3A_237 = tpu.vector_load_idx %arg5[%broadcast_in_dim3A_236] : memref<40xi32, #tpu.memory_space<vmem>>[vector<16xi32>], vector<16xi32>,
    %add3A_238 = arith.constant 0 : i32
    %add3A_239 = vector.broadcast %add3A_238 : i32 to vector<16xi32>
    %add3A_240 = arith.addi %iota3A, %add3A_239 : vector<16xi32>
    %mul3A_241 = arith.constant 100000 : i32
    %mul3A_242 = vector.broadcast %mul3A_241 : i32 to vector<16xi32>
    %mul3A_243 = arith.muli %add3A_240, %mul3A_242 : vector<16xi32>
    %add3A_244 = arith.addi %mul3A_243, %gather3A_237 : vector<16xi32>
    %swap3A_245 = arith.constant 2 : i32
    %swap3A_246 = arith.index_cast %swap3A_245 : i32 to index
    %swap3A_247 = arith.constant 64 : index
    %swap3A_248 = tpu.vector_load %arg6[%swap3A_246, %swap3A_247] {strides = array<i32>} : memref<16x128xi32, #tpu.memory_space<vmem>>, vector<16xi32>,
    tpu.vector_store %arg6[%swap3A_246, %swap3A_247], %add3A_244 {strides = array<i32>} : memref<16x128xi32, #tpu.memory_space<vmem>>, vector<16xi32>,
    %add3A_249 = arith.constant 16 : i32
    %add3A_250 = vector.broadcast %add3A_249 : i32 to vector<16xi32>
    %add3A_251 = arith.addi %iota3A, %add3A_250 : vector<16xi32>
    %mul3A_252 = arith.constant 100000 : i32
    %mul3A_253 = vector.broadcast %mul3A_252 : i32 to vector<16xi32>
    %mul3A_254 = arith.muli %add3A_251, %mul3A_253 : vector<16xi32>
    %add3A_255 = arith.addi %mul3A_254, %gather3A_237 : vector<16xi32>
    %swap3A_256 = arith.constant 2 : i32
    %swap3A_257 = arith.index_cast %swap3A_256 : i32 to index
    %swap3A_258 = arith.constant 80 : index
    %swap3A_259 = tpu.vector_load %arg6[%swap3A_257, %swap3A_258] {strides = array<i32>} : memref<16x128xi32, #tpu.memory_space<vmem>>, vector<16xi32>,
    tpu.vector_store %arg6[%swap3A_257, %swap3A_258], %add3A_255 {strides = array<i32>} : memref<16x128xi32, #tpu.memory_space<vmem>>, vector<16xi32>,
    %add3A_260 = arith.constant 32 : i32
    %add3A_261 = vector.broadcast %add3A_260 : i32 to vector<16xi32>
    %add3A_262 = arith.addi %iota3A, %add3A_261 : vector<16xi32>
    %mul3A_263 = arith.constant 100000 : i32
    %mul3A_264 = vector.broadcast %mul3A_263 : i32 to vector<16xi32>
    %mul3A_265 = arith.muli %add3A_262, %mul3A_264 : vector<16xi32>
    %add3A_266 = arith.addi %mul3A_265, %gather3A_237 : vector<16xi32>
    %swap3A_267 = arith.constant 2 : i32
    %swap3A_268 = arith.index_cast %swap3A_267 : i32 to index
    %swap3A_269 = arith.constant 96 : index
    %swap3A_270 = tpu.vector_load %arg6[%swap3A_268, %swap3A_269] {strides = array<i32>} : memref<16x128xi32, #tpu.memory_space<vmem>>, vector<16xi32>,
    tpu.vector_store %arg6[%swap3A_268, %swap3A_269], %add3A_266 {strides = array<i32>} : memref<16x128xi32, #tpu.memory_space<vmem>>, vector<16xi32>,
    %add3A_271 = arith.constant 48 : i32
    %add3A_272 = vector.broadcast %add3A_271 : i32 to vector<16xi32>
    %add3A_273 = arith.addi %iota3A, %add3A_272 : vector<16xi32>
    %mul3A_274 = arith.constant 100000 : i32
    %mul3A_275 = vector.broadcast %mul3A_274 : i32 to vector<16xi32>
    %mul3A_276 = arith.muli %add3A_273, %mul3A_275 : vector<16xi32>
    %add3A_277 = arith.addi %mul3A_276, %gather3A_237 : vector<16xi32>
    %swap3A_278 = arith.constant 2 : i32
    %swap3A_279 = arith.index_cast %swap3A_278 : i32 to index
    %swap3A_280 = arith.constant 112 : index
    %swap3A_281 = tpu.vector_load %arg6[%swap3A_279, %swap3A_280] {strides = array<i32>} : memref<16x128xi32, #tpu.memory_space<vmem>>, vector<16xi32>,
    tpu.vector_store %arg6[%swap3A_279, %swap3A_280], %add3A_277 {strides = array<i32>} : memref<16x128xi32, #tpu.memory_space<vmem>>, vector<16xi32>,
    %broadcast_in_dim3A_282 = arith.constant 14 : i32
    %broadcast_in_dim3A_283 = vector.broadcast %broadcast_in_dim3A_282 : i32 to vector<16xi32>
    %gather3A_284 = tpu.vector_load_idx %arg5[%broadcast_in_dim3A_283] : memref<40xi32, #tpu.memory_space<vmem>>[vector<16xi32>], vector<16xi32>,
    %add3A_285 = arith.constant 0 : i32
    %add3A_286 = vector.broadcast %add3A_285 : i32 to vector<16xi32>
    %add3A_287 = arith.addi %iota3A, %add3A_286 : vector<16xi32>
    %mul3A_288 = arith.constant 100000 : i32
    %mul3A_289 = vector.broadcast %mul3A_288 : i32 to vector<16xi32>
    %mul3A_290 = arith.muli %add3A_287, %mul3A_289 : vector<16xi32>
    %add3A_291 = arith.addi %mul3A_290, %gather3A_284 : vector<16xi32>
    %swap3A_292 = arith.constant 3 : i32
    %swap3A_293 = arith.index_cast %swap3A_292 : i32 to index
    %swap3A_294 = arith.constant 0 : index
    %swap3A_295 = tpu.vector_load %arg6[%swap3A_293, %swap3A_294] {strides = array<i32>} : memref<16x128xi32, #tpu.memory_space<vmem>>, vector<16xi32>,
    tpu.vector_store %arg6[%swap3A_293, %swap3A_294], %add3A_291 {strides = array<i32>} : memref<16x128xi32, #tpu.memory_space<vmem>>, vector<16xi32>,
    %add3A_296 = arith.constant 16 : i32
    %add3A_297 = vector.broadcast %add3A_296 : i32 to vector<16xi32>
    %add3A_298 = arith.addi %iota3A, %add3A_297 : vector<16xi32>
    %mul3A_299 = arith.constant 100000 : i32
    %mul3A_300 = vector.broadcast %mul3A_299 : i32 to vector<16xi32>
    %mul3A_301 = arith.muli %add3A_298, %mul3A_300 : vector<16xi32>
    %add3A_302 = arith.addi %mul3A_301, %gather3A_284 : vector<16xi32>
    %swap3A_303 = arith.constant 3 : i32
    %swap3A_304 = arith.index_cast %swap3A_303 : i32 to index
    %swap3A_305 = arith.constant 16 : index
    %swap3A_306 = tpu.vector_load %arg6[%swap3A_304, %swap3A_305] {strides = array<i32>} : memref<16x128xi32, #tpu.memory_space<vmem>>, vector<16xi32>,
    tpu.vector_store %arg6[%swap3A_304, %swap3A_305], %add3A_302 {strides = array<i32>} : memref<16x128xi32, #tpu.memory_space<vmem>>, vector<16xi32>,
    %add3A_307 = arith.constant 32 : i32
    %add3A_308 = vector.broadcast %add3A_307 : i32 to vector<16xi32>
    %add3A_309 = arith.addi %iota3A, %add3A_308 : vector<16xi32>
    %mul3A_310 = arith.constant 100000 : i32
    %mul3A_311 = vector.broadcast %mul3A_310 : i32 to vector<16xi32>
    %mul3A_312 = arith.muli %add3A_309, %mul3A_311 : vector<16xi32>
    %add3A_313 = arith.addi %mul3A_312, %gather3A_284 : vector<16xi32>
    %swap3A_314 = arith.constant 3 : i32
    %swap3A_315 = arith.index_cast %swap3A_314 : i32 to index
    %swap3A_316 = arith.constant 32 : index
    %swap3A_317 = tpu.vector_load %arg6[%swap3A_315, %swap3A_316] {strides = array<i32>} : memref<16x128xi32, #tpu.memory_space<vmem>>, vector<16xi32>,
    tpu.vector_store %arg6[%swap3A_315, %swap3A_316], %add3A_313 {strides = array<i32>} : memref<16x128xi32, #tpu.memory_space<vmem>>, vector<16xi32>,
    %add3A_318 = arith.constant 48 : i32
    %add3A_319 = vector.broadcast %add3A_318 : i32 to vector<16xi32>
    %add3A_320 = arith.addi %iota3A, %add3A_319 : vector<16xi32>
    %mul3A_321 = arith.constant 100000 : i32
    %mul3A_322 = vector.broadcast %mul3A_321 : i32 to vector<16xi32>
    %mul3A_323 = arith.muli %add3A_320, %mul3A_322 : vector<16xi32>
    %add3A_324 = arith.addi %mul3A_323, %gather3A_284 : vector<16xi32>
    %swap3A_325 = arith.constant 3 : i32
    %swap3A_326 = arith.index_cast %swap3A_325 : i32 to index
    %swap3A_327 = arith.constant 48 : index
    %swap3A_328 = tpu.vector_load %arg6[%swap3A_326, %swap3A_327] {strides = array<i32>} : memref<16x128xi32, #tpu.memory_space<vmem>>, vector<16xi32>,
    tpu.vector_store %arg6[%swap3A_326, %swap3A_327], %add3A_324 {strides = array<i32>} : memref<16x128xi32, #tpu.memory_space<vmem>>, vector<16xi32>,
    %broadcast_in_dim3A_329 = arith.constant 15 : i32
    %broadcast_in_dim3A_330 = vector.broadcast %broadcast_in_dim3A_329 : i32 to vector<16xi32>
    %gather3A_331 = tpu.vector_load_idx %arg5[%broadcast_in_dim3A_330] : memref<40xi32, #tpu.memory_space<vmem>>[vector<16xi32>], vector<16xi32>,
    %add3A_332 = arith.constant 0 : i32
    %add3A_333 = vector.broadcast %add3A_332 : i32 to vector<16xi32>
    %add3A_334 = arith.addi %iota3A, %add3A_333 : vector<16xi32>
    %mul3A_335 = arith.constant 100000 : i32
    %mul3A_336 = vector.broadcast %mul3A_335 : i32 to vector<16xi32>
    %mul3A_337 = arith.muli %add3A_334, %mul3A_336 : vector<16xi32>
    %add3A_338 = arith.addi %mul3A_337, %gather3A_331 : vector<16xi32>
    %swap3A_339 = arith.constant 3 : i32
    %swap3A_340 = arith.index_cast %swap3A_339 : i32 to index
    %swap3A_341 = arith.constant 64 : index
    %swap3A_342 = tpu.vector_load %arg6[%swap3A_340, %swap3A_341] {strides = array<i32>} : memref<16x128xi32, #tpu.memory_space<vmem>>, vector<16xi32>,
    tpu.vector_store %arg6[%swap3A_340, %swap3A_341], %add3A_338 {strides = array<i32>} : memref<16x128xi32, #tpu.memory_space<vmem>>, vector<16xi32>,
    %add3A_343 = arith.constant 16 : i32
    %add3A_344 = vector.broadcast %add3A_343 : i32 to vector<16xi32>
    %add3A_345 = arith.addi %iota3A, %add3A_344 : vector<16xi32>
    %mul3A_346 = arith.constant 100000 : i32
    %mul3A_347 = vector.broadcast %mul3A_346 : i32 to vector<16xi32>
    %mul3A_348 = arith.muli %add3A_345, %mul3A_347 : vector<16xi32>
    %add3A_349 = arith.addi %mul3A_348, %gather3A_331 : vector<16xi32>
    %swap3A_350 = arith.constant 3 : i32
    %swap3A_351 = arith.index_cast %swap3A_350 : i32 to index
    %swap3A_352 = arith.constant 80 : index
    %swap3A_353 = tpu.vector_load %arg6[%swap3A_351, %swap3A_352] {strides = array<i32>} : memref<16x128xi32, #tpu.memory_space<vmem>>, vector<16xi32>,
    tpu.vector_store %arg6[%swap3A_351, %swap3A_352], %add3A_349 {strides = array<i32>} : memref<16x128xi32, #tpu.memory_space<vmem>>, vector<16xi32>,
    %add3A_354 = arith.constant 32 : i32
    %add3A_355 = vector.broadcast %add3A_354 : i32 to vector<16xi32>
    %add3A_356 = arith.addi %iota3A, %add3A_355 : vector<16xi32>
    %mul3A_357 = arith.constant 100000 : i32
    %mul3A_358 = vector.broadcast %mul3A_357 : i32 to vector<16xi32>
    %mul3A_359 = arith.muli %add3A_356, %mul3A_358 : vector<16xi32>
    %add3A_360 = arith.addi %mul3A_359, %gather3A_331 : vector<16xi32>
    %swap3A_361 = arith.constant 3 : i32
    %swap3A_362 = arith.index_cast %swap3A_361 : i32 to index
    %swap3A_363 = arith.constant 96 : index
    %swap3A_364 = tpu.vector_load %arg6[%swap3A_362, %swap3A_363] {strides = array<i32>} : memref<16x128xi32, #tpu.memory_space<vmem>>, vector<16xi32>,
    tpu.vector_store %arg6[%swap3A_362, %swap3A_363], %add3A_360 {strides = array<i32>} : memref<16x128xi32, #tpu.memory_space<vmem>>, vector<16xi32>,
    %add3A_365 = arith.constant 48 : i32
    %add3A_366 = vector.broadcast %add3A_365 : i32 to vector<16xi32>
    %add3A_367 = arith.addi %iota3A, %add3A_366 : vector<16xi32>
    %mul3A_368 = arith.constant 100000 : i32
    %mul3A_369 = vector.broadcast %mul3A_368 : i32 to vector<16xi32>
    %mul3A_370 = arith.muli %add3A_367, %mul3A_369 : vector<16xi32>
    %add3A_371 = arith.addi %mul3A_370, %gather3A_331 : vector<16xi32>
    %swap3A_372 = arith.constant 3 : i32
    %swap3A_373 = arith.index_cast %swap3A_372 : i32 to index
    %swap3A_374 = arith.constant 112 : index
    %swap3A_375 = tpu.vector_load %arg6[%swap3A_373, %swap3A_374] {strides = array<i32>} : memref<16x128xi32, #tpu.memory_space<vmem>>, vector<16xi32>,
    tpu.vector_store %arg6[%swap3A_373, %swap3A_374], %add3A_371 {strides = array<i32>} : memref<16x128xi32, #tpu.memory_space<vmem>>, vector<16xi32>,
    %broadcast_in_dim3A_376 = arith.constant 16 : i32
    %broadcast_in_dim3A_377 = vector.broadcast %broadcast_in_dim3A_376 : i32 to vector<16xi32>
    %gather3A_378 = tpu.vector_load_idx %arg5[%broadcast_in_dim3A_377] : memref<40xi32, #tpu.memory_space<vmem>>[vector<16xi32>], vector<16xi32>,
    %add3A_379 = arith.constant 0 : i32
    %add3A_380 = vector.broadcast %add3A_379 : i32 to vector<16xi32>
    %add3A_381 = arith.addi %iota3A, %add3A_380 : vector<16xi32>
    %mul3A_382 = arith.constant 100000 : i32
    %mul3A_383 = vector.broadcast %mul3A_382 : i32 to vector<16xi32>
    %mul3A_384 = arith.muli %add3A_381, %mul3A_383 : vector<16xi32>
    %add3A_385 = arith.addi %mul3A_384, %gather3A_378 : vector<16xi32>
    %swap3A_386 = arith.constant 4 : i32
    %swap3A_387 = arith.index_cast %swap3A_386 : i32 to index
    %swap3A_388 = arith.constant 0 : index
    %swap3A_389 = tpu.vector_load %arg6[%swap3A_387, %swap3A_388] {strides = array<i32>} : memref<16x128xi32, #tpu.memory_space<vmem>>, vector<16xi32>,
    tpu.vector_store %arg6[%swap3A_387, %swap3A_388], %add3A_385 {strides = array<i32>} : memref<16x128xi32, #tpu.memory_space<vmem>>, vector<16xi32>,
    %add3A_390 = arith.constant 16 : i32
    %add3A_391 = vector.broadcast %add3A_390 : i32 to vector<16xi32>
    %add3A_392 = arith.addi %iota3A, %add3A_391 : vector<16xi32>
    %mul3A_393 = arith.constant 100000 : i32
    %mul3A_394 = vector.broadcast %mul3A_393 : i32 to vector<16xi32>
    %mul3A_395 = arith.muli %add3A_392, %mul3A_394 : vector<16xi32>
    %add3A_396 = arith.addi %mul3A_395, %gather3A_378 : vector<16xi32>
    %swap3A_397 = arith.constant 4 : i32
    %swap3A_398 = arith.index_cast %swap3A_397 : i32 to index
    %swap3A_399 = arith.constant 16 : index
    %swap3A_400 = tpu.vector_load %arg6[%swap3A_398, %swap3A_399] {strides = array<i32>} : memref<16x128xi32, #tpu.memory_space<vmem>>, vector<16xi32>,
    tpu.vector_store %arg6[%swap3A_398, %swap3A_399], %add3A_396 {strides = array<i32>} : memref<16x128xi32, #tpu.memory_space<vmem>>, vector<16xi32>,
    %add3A_401 = arith.constant 32 : i32
    %add3A_402 = vector.broadcast %add3A_401 : i32 to vector<16xi32>
    %add3A_403 = arith.addi %iota3A, %add3A_402 : vector<16xi32>
    %mul3A_404 = arith.constant 100000 : i32
    %mul3A_405 = vector.broadcast %mul3A_404 : i32 to vector<16xi32>
    %mul3A_406 = arith.muli %add3A_403, %mul3A_405 : vector<16xi32>
    %add3A_407 = arith.addi %mul3A_406, %gather3A_378 : vector<16xi32>
    %swap3A_408 = arith.constant 4 : i32
    %swap3A_409 = arith.index_cast %swap3A_408 : i32 to index
    %swap3A_410 = arith.constant 32 : index
    %swap3A_411 = tpu.vector_load %arg6[%swap3A_409, %swap3A_410] {strides = array<i32>} : memref<16x128xi32, #tpu.memory_space<vmem>>, vector<16xi32>,
    tpu.vector_store %arg6[%swap3A_409, %swap3A_410], %add3A_407 {strides = array<i32>} : memref<16x128xi32, #tpu.memory_space<vmem>>, vector<16xi32>,
    %add3A_412 = arith.constant 48 : i32
    %add3A_413 = vector.broadcast %add3A_412 : i32 to vector<16xi32>
    %add3A_414 = arith.addi %iota3A, %add3A_413 : vector<16xi32>
    %mul3A_415 = arith.constant 100000 : i32
    %mul3A_416 = vector.broadcast %mul3A_415 : i32 to vector<16xi32>
    %mul3A_417 = arith.muli %add3A_414, %mul3A_416 : vector<16xi32>
    %add3A_418 = arith.addi %mul3A_417, %gather3A_378 : vector<16xi32>
    %swap3A_419 = arith.constant 4 : i32
    %swap3A_420 = arith.index_cast %swap3A_419 : i32 to index
    %swap3A_421 = arith.constant 48 : index
    %swap3A_422 = tpu.vector_load %arg6[%swap3A_420, %swap3A_421] {strides = array<i32>} : memref<16x128xi32, #tpu.memory_space<vmem>>, vector<16xi32>,
    tpu.vector_store %arg6[%swap3A_420, %swap3A_421], %add3A_418 {strides = array<i32>} : memref<16x128xi32, #tpu.memory_space<vmem>>, vector<16xi32>,
    %broadcast_in_dim3A_423 = arith.constant 17 : i32
    %broadcast_in_dim3A_424 = vector.broadcast %broadcast_in_dim3A_423 : i32 to vector<16xi32>
    %gather3A_425 = tpu.vector_load_idx %arg5[%broadcast_in_dim3A_424] : memref<40xi32, #tpu.memory_space<vmem>>[vector<16xi32>], vector<16xi32>,
    %add3A_426 = arith.constant 0 : i32
    %add3A_427 = vector.broadcast %add3A_426 : i32 to vector<16xi32>
    %add3A_428 = arith.addi %iota3A, %add3A_427 : vector<16xi32>
    %mul3A_429 = arith.constant 100000 : i32
    %mul3A_430 = vector.broadcast %mul3A_429 : i32 to vector<16xi32>
    %mul3A_431 = arith.muli %add3A_428, %mul3A_430 : vector<16xi32>
    %add3A_432 = arith.addi %mul3A_431, %gather3A_425 : vector<16xi32>
    %swap3A_433 = arith.constant 4 : i32
    %swap3A_434 = arith.index_cast %swap3A_433 : i32 to index
    %swap3A_435 = arith.constant 64 : index
    %swap3A_436 = tpu.vector_load %arg6[%swap3A_434, %swap3A_435] {strides = array<i32>} : memref<16x128xi32, #tpu.memory_space<vmem>>, vector<16xi32>,
    tpu.vector_store %arg6[%swap3A_434, %swap3A_435], %add3A_432 {strides = array<i32>} : memref<16x128xi32, #tpu.memory_space<vmem>>, vector<16xi32>,
    %add3A_437 = arith.constant 16 : i32
    %add3A_438 = vector.broadcast %add3A_437 : i32 to vector<16xi32>
    %add3A_439 = arith.addi %iota3A, %add3A_438 : vector<16xi32>
    %mul3A_440 = arith.constant 100000 : i32
    %mul3A_441 = vector.broadcast %mul3A_440 : i32 to vector<16xi32>
    %mul3A_442 = arith.muli %add3A_439, %mul3A_441 : vector<16xi32>
    %add3A_443 = arith.addi %mul3A_442, %gather3A_425 : vector<16xi32>
    %swap3A_444 = arith.constant 4 : i32
    %swap3A_445 = arith.index_cast %swap3A_444 : i32 to index
    %swap3A_446 = arith.constant 80 : index
    %swap3A_447 = tpu.vector_load %arg6[%swap3A_445, %swap3A_446] {strides = array<i32>} : memref<16x128xi32, #tpu.memory_space<vmem>>, vector<16xi32>,
    tpu.vector_store %arg6[%swap3A_445, %swap3A_446], %add3A_443 {strides = array<i32>} : memref<16x128xi32, #tpu.memory_space<vmem>>, vector<16xi32>,
    %add3A_448 = arith.constant 32 : i32
    %add3A_449 = vector.broadcast %add3A_448 : i32 to vector<16xi32>
    %add3A_450 = arith.addi %iota3A, %add3A_449 : vector<16xi32>
    %mul3A_451 = arith.constant 100000 : i32
    %mul3A_452 = vector.broadcast %mul3A_451 : i32 to vector<16xi32>
    %mul3A_453 = arith.muli %add3A_450, %mul3A_452 : vector<16xi32>
    %add3A_454 = arith.addi %mul3A_453, %gather3A_425 : vector<16xi32>
    %swap3A_455 = arith.constant 4 : i32
    %swap3A_456 = arith.index_cast %swap3A_455 : i32 to index
    %swap3A_457 = arith.constant 96 : index
    %swap3A_458 = tpu.vector_load %arg6[%swap3A_456, %swap3A_457] {strides = array<i32>} : memref<16x128xi32, #tpu.memory_space<vmem>>, vector<16xi32>,
    tpu.vector_store %arg6[%swap3A_456, %swap3A_457], %add3A_454 {strides = array<i32>} : memref<16x128xi32, #tpu.memory_space<vmem>>, vector<16xi32>,
    %add3A_459 = arith.constant 48 : i32
    %add3A_460 = vector.broadcast %add3A_459 : i32 to vector<16xi32>
    %add3A_461 = arith.addi %iota3A, %add3A_460 : vector<16xi32>
    %mul3A_462 = arith.constant 100000 : i32
    %mul3A_463 = vector.broadcast %mul3A_462 : i32 to vector<16xi32>
    %mul3A_464 = arith.muli %add3A_461, %mul3A_463 : vector<16xi32>
    %add3A_465 = arith.addi %mul3A_464, %gather3A_425 : vector<16xi32>
    %swap3A_466 = arith.constant 4 : i32
    %swap3A_467 = arith.index_cast %swap3A_466 : i32 to index
    %swap3A_468 = arith.constant 112 : index
    %swap3A_469 = tpu.vector_load %arg6[%swap3A_467, %swap3A_468] {strides = array<i32>} : memref<16x128xi32, #tpu.memory_space<vmem>>, vector<16xi32>,
    tpu.vector_store %arg6[%swap3A_467, %swap3A_468], %add3A_465 {strides = array<i32>} : memref<16x128xi32, #tpu.memory_space<vmem>>, vector<16xi32>,
    %broadcast_in_dim3A_470 = arith.constant 18 : i32
    %broadcast_in_dim3A_471 = vector.broadcast %broadcast_in_dim3A_470 : i32 to vector<16xi32>
    %gather3A_472 = tpu.vector_load_idx %arg5[%broadcast_in_dim3A_471] : memref<40xi32, #tpu.memory_space<vmem>>[vector<16xi32>], vector<16xi32>,
    %add3A_473 = arith.constant 0 : i32
    %add3A_474 = vector.broadcast %add3A_473 : i32 to vector<16xi32>
    %add3A_475 = arith.addi %iota3A, %add3A_474 : vector<16xi32>
    %mul3A_476 = arith.constant 100000 : i32
    %mul3A_477 = vector.broadcast %mul3A_476 : i32 to vector<16xi32>
    %mul3A_478 = arith.muli %add3A_475, %mul3A_477 : vector<16xi32>
    %add3A_479 = arith.addi %mul3A_478, %gather3A_472 : vector<16xi32>
    %swap3A_480 = arith.constant 5 : i32
    %swap3A_481 = arith.index_cast %swap3A_480 : i32 to index
    %swap3A_482 = arith.constant 0 : index
    %swap3A_483 = tpu.vector_load %arg6[%swap3A_481, %swap3A_482] {strides = array<i32>} : memref<16x128xi32, #tpu.memory_space<vmem>>, vector<16xi32>,
    tpu.vector_store %arg6[%swap3A_481, %swap3A_482], %add3A_479 {strides = array<i32>} : memref<16x128xi32, #tpu.memory_space<vmem>>, vector<16xi32>,
    %add3A_484 = arith.constant 16 : i32
    %add3A_485 = vector.broadcast %add3A_484 : i32 to vector<16xi32>
    %add3A_486 = arith.addi %iota3A, %add3A_485 : vector<16xi32>
    %mul3A_487 = arith.constant 100000 : i32
    %mul3A_488 = vector.broadcast %mul3A_487 : i32 to vector<16xi32>
    %mul3A_489 = arith.muli %add3A_486, %mul3A_488 : vector<16xi32>
    %add3A_490 = arith.addi %mul3A_489, %gather3A_472 : vector<16xi32>
    %swap3A_491 = arith.constant 5 : i32
    %swap3A_492 = arith.index_cast %swap3A_491 : i32 to index
    %swap3A_493 = arith.constant 16 : index
    %swap3A_494 = tpu.vector_load %arg6[%swap3A_492, %swap3A_493] {strides = array<i32>} : memref<16x128xi32, #tpu.memory_space<vmem>>, vector<16xi32>,
    tpu.vector_store %arg6[%swap3A_492, %swap3A_493], %add3A_490 {strides = array<i32>} : memref<16x128xi32, #tpu.memory_space<vmem>>, vector<16xi32>,
    %add3A_495 = arith.constant 32 : i32
    %add3A_496 = vector.broadcast %add3A_495 : i32 to vector<16xi32>
    %add3A_497 = arith.addi %iota3A, %add3A_496 : vector<16xi32>
    %mul3A_498 = arith.constant 100000 : i32
    %mul3A_499 = vector.broadcast %mul3A_498 : i32 to vector<16xi32>
    %mul3A_500 = arith.muli %add3A_497, %mul3A_499 : vector<16xi32>
    %add3A_501 = arith.addi %mul3A_500, %gather3A_472 : vector<16xi32>
    %swap3A_502 = arith.constant 5 : i32
    %swap3A_503 = arith.index_cast %swap3A_502 : i32 to index
    %swap3A_504 = arith.constant 32 : index
    %swap3A_505 = tpu.vector_load %arg6[%swap3A_503, %swap3A_504] {strides = array<i32>} : memref<16x128xi32, #tpu.memory_space<vmem>>, vector<16xi32>,
    tpu.vector_store %arg6[%swap3A_503, %swap3A_504], %add3A_501 {strides = array<i32>} : memref<16x128xi32, #tpu.memory_space<vmem>>, vector<16xi32>,
    %add3A_506 = arith.constant 48 : i32
    %add3A_507 = vector.broadcast %add3A_506 : i32 to vector<16xi32>
    %add3A_508 = arith.addi %iota3A, %add3A_507 : vector<16xi32>
    %mul3A_509 = arith.constant 100000 : i32
    %mul3A_510 = vector.broadcast %mul3A_509 : i32 to vector<16xi32>
    %mul3A_511 = arith.muli %add3A_508, %mul3A_510 : vector<16xi32>
    %add3A_512 = arith.addi %mul3A_511, %gather3A_472 : vector<16xi32>
    %swap3A_513 = arith.constant 5 : i32
    %swap3A_514 = arith.index_cast %swap3A_513 : i32 to index
    %swap3A_515 = arith.constant 48 : index
    %swap3A_516 = tpu.vector_load %arg6[%swap3A_514, %swap3A_515] {strides = array<i32>} : memref<16x128xi32, #tpu.memory_space<vmem>>, vector<16xi32>,
    tpu.vector_store %arg6[%swap3A_514, %swap3A_515], %add3A_512 {strides = array<i32>} : memref<16x128xi32, #tpu.memory_space<vmem>>, vector<16xi32>,
    %broadcast_in_dim3A_517 = arith.constant 19 : i32
    %broadcast_in_dim3A_518 = vector.broadcast %broadcast_in_dim3A_517 : i32 to vector<16xi32>
    %gather3A_519 = tpu.vector_load_idx %arg5[%broadcast_in_dim3A_518] : memref<40xi32, #tpu.memory_space<vmem>>[vector<16xi32>], vector<16xi32>,
    %add3A_520 = arith.constant 0 : i32
    %add3A_521 = vector.broadcast %add3A_520 : i32 to vector<16xi32>
    %add3A_522 = arith.addi %iota3A, %add3A_521 : vector<16xi32>
    %mul3A_523 = arith.constant 100000 : i32
    %mul3A_524 = vector.broadcast %mul3A_523 : i32 to vector<16xi32>
    %mul3A_525 = arith.muli %add3A_522, %mul3A_524 : vector<16xi32>
    %add3A_526 = arith.addi %mul3A_525, %gather3A_519 : vector<16xi32>
    %swap3A_527 = arith.constant 5 : i32
    %swap3A_528 = arith.index_cast %swap3A_527 : i32 to index
    %swap3A_529 = arith.constant 64 : index
    %swap3A_530 = tpu.vector_load %arg6[%swap3A_528, %swap3A_529] {strides = array<i32>} : memref<16x128xi32, #tpu.memory_space<vmem>>, vector<16xi32>,
    tpu.vector_store %arg6[%swap3A_528, %swap3A_529], %add3A_526 {strides = array<i32>} : memref<16x128xi32, #tpu.memory_space<vmem>>, vector<16xi32>,
    %add3A_531 = arith.constant 16 : i32
    %add3A_532 = vector.broadcast %add3A_531 : i32 to vector<16xi32>
    %add3A_533 = arith.addi %iota3A, %add3A_532 : vector<16xi32>
    %mul3A_534 = arith.constant 100000 : i32
    %mul3A_535 = vector.broadcast %mul3A_534 : i32 to vector<16xi32>
    %mul3A_536 = arith.muli %add3A_533, %mul3A_535 : vector<16xi32>
    %add3A_537 = arith.addi %mul3A_536, %gather3A_519 : vector<16xi32>
    %swap3A_538 = arith.constant 5 : i32
    %swap3A_539 = arith.index_cast %swap3A_538 : i32 to index
    %swap3A_540 = arith.constant 80 : index
    %swap3A_541 = tpu.vector_load %arg6[%swap3A_539, %swap3A_540] {strides = array<i32>} : memref<16x128xi32, #tpu.memory_space<vmem>>, vector<16xi32>,
    tpu.vector_store %arg6[%swap3A_539, %swap3A_540], %add3A_537 {strides = array<i32>} : memref<16x128xi32, #tpu.memory_space<vmem>>, vector<16xi32>,
    %add3A_542 = arith.constant 32 : i32
    %add3A_543 = vector.broadcast %add3A_542 : i32 to vector<16xi32>
    %add3A_544 = arith.addi %iota3A, %add3A_543 : vector<16xi32>
    %mul3A_545 = arith.constant 100000 : i32
    %mul3A_546 = vector.broadcast %mul3A_545 : i32 to vector<16xi32>
    %mul3A_547 = arith.muli %add3A_544, %mul3A_546 : vector<16xi32>
    %add3A_548 = arith.addi %mul3A_547, %gather3A_519 : vector<16xi32>
    %swap3A_549 = arith.constant 5 : i32
    %swap3A_550 = arith.index_cast %swap3A_549 : i32 to index
    %swap3A_551 = arith.constant 96 : index
    %swap3A_552 = tpu.vector_load %arg6[%swap3A_550, %swap3A_551] {strides = array<i32>} : memref<16x128xi32, #tpu.memory_space<vmem>>, vector<16xi32>,
    tpu.vector_store %arg6[%swap3A_550, %swap3A_551], %add3A_548 {strides = array<i32>} : memref<16x128xi32, #tpu.memory_space<vmem>>, vector<16xi32>,
    %add3A_553 = arith.constant 48 : i32
    %add3A_554 = vector.broadcast %add3A_553 : i32 to vector<16xi32>
    %add3A_555 = arith.addi %iota3A, %add3A_554 : vector<16xi32>
    %mul3A_556 = arith.constant 100000 : i32
    %mul3A_557 = vector.broadcast %mul3A_556 : i32 to vector<16xi32>
    %mul3A_558 = arith.muli %add3A_555, %mul3A_557 : vector<16xi32>
    %add3A_559 = arith.addi %mul3A_558, %gather3A_519 : vector<16xi32>
    %swap3A_560 = arith.constant 5 : i32
    %swap3A_561 = arith.index_cast %swap3A_560 : i32 to index
    %swap3A_562 = arith.constant 112 : index
    %swap3A_563 = tpu.vector_load %arg6[%swap3A_561, %swap3A_562] {strides = array<i32>} : memref<16x128xi32, #tpu.memory_space<vmem>>, vector<16xi32>,
    tpu.vector_store %arg6[%swap3A_561, %swap3A_562], %add3A_559 {strides = array<i32>} : memref<16x128xi32, #tpu.memory_space<vmem>>, vector<16xi32>,
    %broadcast_in_dim3A_564 = arith.constant 20 : i32
    %broadcast_in_dim3A_565 = vector.broadcast %broadcast_in_dim3A_564 : i32 to vector<16xi32>
    %gather3A_566 = tpu.vector_load_idx %arg5[%broadcast_in_dim3A_565] : memref<40xi32, #tpu.memory_space<vmem>>[vector<16xi32>], vector<16xi32>,
    %add3A_567 = arith.constant 0 : i32
    %add3A_568 = vector.broadcast %add3A_567 : i32 to vector<16xi32>
    %add3A_569 = arith.addi %iota3A, %add3A_568 : vector<16xi32>
    %mul3A_570 = arith.constant 100000 : i32
    %mul3A_571 = vector.broadcast %mul3A_570 : i32 to vector<16xi32>
    %mul3A_572 = arith.muli %add3A_569, %mul3A_571 : vector<16xi32>
    %add3A_573 = arith.addi %mul3A_572, %gather3A_566 : vector<16xi32>
    %swap3A_574 = arith.constant 6 : i32
    %swap3A_575 = arith.index_cast %swap3A_574 : i32 to index
    %swap3A_576 = arith.constant 0 : index
    %swap3A_577 = tpu.vector_load %arg6[%swap3A_575, %swap3A_576] {strides = array<i32>} : memref<16x128xi32, #tpu.memory_space<vmem>>, vector<16xi32>,
    tpu.vector_store %arg6[%swap3A_575, %swap3A_576], %add3A_573 {strides = array<i32>} : memref<16x128xi32, #tpu.memory_space<vmem>>, vector<16xi32>,
    %add3A_578 = arith.constant 16 : i32
    %add3A_579 = vector.broadcast %add3A_578 : i32 to vector<16xi32>
    %add3A_580 = arith.addi %iota3A, %add3A_579 : vector<16xi32>
    %mul3A_581 = arith.constant 100000 : i32
    %mul3A_582 = vector.broadcast %mul3A_581 : i32 to vector<16xi32>
    %mul3A_583 = arith.muli %add3A_580, %mul3A_582 : vector<16xi32>
    %add3A_584 = arith.addi %mul3A_583, %gather3A_566 : vector<16xi32>
    %swap3A_585 = arith.constant 6 : i32
    %swap3A_586 = arith.index_cast %swap3A_585 : i32 to index
    %swap3A_587 = arith.constant 16 : index
    %swap3A_588 = tpu.vector_load %arg6[%swap3A_586, %swap3A_587] {strides = array<i32>} : memref<16x128xi32, #tpu.memory_space<vmem>>, vector<16xi32>,
    tpu.vector_store %arg6[%swap3A_586, %swap3A_587], %add3A_584 {strides = array<i32>} : memref<16x128xi32, #tpu.memory_space<vmem>>, vector<16xi32>,
    %add3A_589 = arith.constant 32 : i32
    %add3A_590 = vector.broadcast %add3A_589 : i32 to vector<16xi32>
    %add3A_591 = arith.addi %iota3A, %add3A_590 : vector<16xi32>
    %mul3A_592 = arith.constant 100000 : i32
    %mul3A_593 = vector.broadcast %mul3A_592 : i32 to vector<16xi32>
    %mul3A_594 = arith.muli %add3A_591, %mul3A_593 : vector<16xi32>
    %add3A_595 = arith.addi %mul3A_594, %gather3A_566 : vector<16xi32>
    %swap3A_596 = arith.constant 6 : i32
    %swap3A_597 = arith.index_cast %swap3A_596 : i32 to index
    %swap3A_598 = arith.constant 32 : index
    %swap3A_599 = tpu.vector_load %arg6[%swap3A_597, %swap3A_598] {strides = array<i32>} : memref<16x128xi32, #tpu.memory_space<vmem>>, vector<16xi32>,
    tpu.vector_store %arg6[%swap3A_597, %swap3A_598], %add3A_595 {strides = array<i32>} : memref<16x128xi32, #tpu.memory_space<vmem>>, vector<16xi32>,
    %add3A_600 = arith.constant 48 : i32
    %add3A_601 = vector.broadcast %add3A_600 : i32 to vector<16xi32>
    %add3A_602 = arith.addi %iota3A, %add3A_601 : vector<16xi32>
    %mul3A_603 = arith.constant 100000 : i32
    %mul3A_604 = vector.broadcast %mul3A_603 : i32 to vector<16xi32>
    %mul3A_605 = arith.muli %add3A_602, %mul3A_604 : vector<16xi32>
    %add3A_606 = arith.addi %mul3A_605, %gather3A_566 : vector<16xi32>
    %swap3A_607 = arith.constant 6 : i32
    %swap3A_608 = arith.index_cast %swap3A_607 : i32 to index
    %swap3A_609 = arith.constant 48 : index
    %swap3A_610 = tpu.vector_load %arg6[%swap3A_608, %swap3A_609] {strides = array<i32>} : memref<16x128xi32, #tpu.memory_space<vmem>>, vector<16xi32>,
    tpu.vector_store %arg6[%swap3A_608, %swap3A_609], %add3A_606 {strides = array<i32>} : memref<16x128xi32, #tpu.memory_space<vmem>>, vector<16xi32>,
    %broadcast_in_dim3A_611 = arith.constant 21 : i32
    %broadcast_in_dim3A_612 = vector.broadcast %broadcast_in_dim3A_611 : i32 to vector<16xi32>
    %gather3A_613 = tpu.vector_load_idx %arg5[%broadcast_in_dim3A_612] : memref<40xi32, #tpu.memory_space<vmem>>[vector<16xi32>], vector<16xi32>,
    %add3A_614 = arith.constant 0 : i32
    %add3A_615 = vector.broadcast %add3A_614 : i32 to vector<16xi32>
    %add3A_616 = arith.addi %iota3A, %add3A_615 : vector<16xi32>
    %mul3A_617 = arith.constant 100000 : i32
    %mul3A_618 = vector.broadcast %mul3A_617 : i32 to vector<16xi32>
    %mul3A_619 = arith.muli %add3A_616, %mul3A_618 : vector<16xi32>
    %add3A_620 = arith.addi %mul3A_619, %gather3A_613 : vector<16xi32>
    %swap3A_621 = arith.constant 6 : i32
    %swap3A_622 = arith.index_cast %swap3A_621 : i32 to index
    %swap3A_623 = arith.constant 64 : index
    %swap3A_624 = tpu.vector_load %arg6[%swap3A_622, %swap3A_623] {strides = array<i32>} : memref<16x128xi32, #tpu.memory_space<vmem>>, vector<16xi32>,
    tpu.vector_store %arg6[%swap3A_622, %swap3A_623], %add3A_620 {strides = array<i32>} : memref<16x128xi32, #tpu.memory_space<vmem>>, vector<16xi32>,
    %add3A_625 = arith.constant 16 : i32
    %add3A_626 = vector.broadcast %add3A_625 : i32 to vector<16xi32>
    %add3A_627 = arith.addi %iota3A, %add3A_626 : vector<16xi32>
    %mul3A_628 = arith.constant 100000 : i32
    %mul3A_629 = vector.broadcast %mul3A_628 : i32 to vector<16xi32>
    %mul3A_630 = arith.muli %add3A_627, %mul3A_629 : vector<16xi32>
    %add3A_631 = arith.addi %mul3A_630, %gather3A_613 : vector<16xi32>
    %swap3A_632 = arith.constant 6 : i32
    %swap3A_633 = arith.index_cast %swap3A_632 : i32 to index
    %swap3A_634 = arith.constant 80 : index
    %swap3A_635 = tpu.vector_load %arg6[%swap3A_633, %swap3A_634] {strides = array<i32>} : memref<16x128xi32, #tpu.memory_space<vmem>>, vector<16xi32>,
    tpu.vector_store %arg6[%swap3A_633, %swap3A_634], %add3A_631 {strides = array<i32>} : memref<16x128xi32, #tpu.memory_space<vmem>>, vector<16xi32>,
    %add3A_636 = arith.constant 32 : i32
    %add3A_637 = vector.broadcast %add3A_636 : i32 to vector<16xi32>
    %add3A_638 = arith.addi %iota3A, %add3A_637 : vector<16xi32>
    %mul3A_639 = arith.constant 100000 : i32
    %mul3A_640 = vector.broadcast %mul3A_639 : i32 to vector<16xi32>
    %mul3A_641 = arith.muli %add3A_638, %mul3A_640 : vector<16xi32>
    %add3A_642 = arith.addi %mul3A_641, %gather3A_613 : vector<16xi32>
    %swap3A_643 = arith.constant 6 : i32
    %swap3A_644 = arith.index_cast %swap3A_643 : i32 to index
    %swap3A_645 = arith.constant 96 : index
    %swap3A_646 = tpu.vector_load %arg6[%swap3A_644, %swap3A_645] {strides = array<i32>} : memref<16x128xi32, #tpu.memory_space<vmem>>, vector<16xi32>,
    tpu.vector_store %arg6[%swap3A_644, %swap3A_645], %add3A_642 {strides = array<i32>} : memref<16x128xi32, #tpu.memory_space<vmem>>, vector<16xi32>,
    %add3A_647 = arith.constant 48 : i32
    %add3A_648 = vector.broadcast %add3A_647 : i32 to vector<16xi32>
    %add3A_649 = arith.addi %iota3A, %add3A_648 : vector<16xi32>
    %mul3A_650 = arith.constant 100000 : i32
    %mul3A_651 = vector.broadcast %mul3A_650 : i32 to vector<16xi32>
    %mul3A_652 = arith.muli %add3A_649, %mul3A_651 : vector<16xi32>
    %add3A_653 = arith.addi %mul3A_652, %gather3A_613 : vector<16xi32>
    %swap3A_654 = arith.constant 6 : i32
    %swap3A_655 = arith.index_cast %swap3A_654 : i32 to index
    %swap3A_656 = arith.constant 112 : index
    %swap3A_657 = tpu.vector_load %arg6[%swap3A_655, %swap3A_656] {strides = array<i32>} : memref<16x128xi32, #tpu.memory_space<vmem>>, vector<16xi32>,
    tpu.vector_store %arg6[%swap3A_655, %swap3A_656], %add3A_653 {strides = array<i32>} : memref<16x128xi32, #tpu.memory_space<vmem>>, vector<16xi32>,
    %broadcast_in_dim3A_658 = arith.constant 22 : i32
    %broadcast_in_dim3A_659 = vector.broadcast %broadcast_in_dim3A_658 : i32 to vector<16xi32>
    %gather3A_660 = tpu.vector_load_idx %arg5[%broadcast_in_dim3A_659] : memref<40xi32, #tpu.memory_space<vmem>>[vector<16xi32>], vector<16xi32>,
    %add3A_661 = arith.constant 0 : i32
    %add3A_662 = vector.broadcast %add3A_661 : i32 to vector<16xi32>
    %add3A_663 = arith.addi %iota3A, %add3A_662 : vector<16xi32>
    %mul3A_664 = arith.constant 100000 : i32
    %mul3A_665 = vector.broadcast %mul3A_664 : i32 to vector<16xi32>
    %mul3A_666 = arith.muli %add3A_663, %mul3A_665 : vector<16xi32>
    %add3A_667 = arith.addi %mul3A_666, %gather3A_660 : vector<16xi32>
    %swap3A_668 = arith.constant 7 : i32
    %swap3A_669 = arith.index_cast %swap3A_668 : i32 to index
    %swap3A_670 = arith.constant 0 : index
    %swap3A_671 = tpu.vector_load %arg6[%swap3A_669, %swap3A_670] {strides = array<i32>} : memref<16x128xi32, #tpu.memory_space<vmem>>, vector<16xi32>,
    tpu.vector_store %arg6[%swap3A_669, %swap3A_670], %add3A_667 {strides = array<i32>} : memref<16x128xi32, #tpu.memory_space<vmem>>, vector<16xi32>,
    %add3A_672 = arith.constant 16 : i32
    %add3A_673 = vector.broadcast %add3A_672 : i32 to vector<16xi32>
    %add3A_674 = arith.addi %iota3A, %add3A_673 : vector<16xi32>
    %mul3A_675 = arith.constant 100000 : i32
    %mul3A_676 = vector.broadcast %mul3A_675 : i32 to vector<16xi32>
    %mul3A_677 = arith.muli %add3A_674, %mul3A_676 : vector<16xi32>
    %add3A_678 = arith.addi %mul3A_677, %gather3A_660 : vector<16xi32>
    %swap3A_679 = arith.constant 7 : i32
    %swap3A_680 = arith.index_cast %swap3A_679 : i32 to index
    %swap3A_681 = arith.constant 16 : index
    %swap3A_682 = tpu.vector_load %arg6[%swap3A_680, %swap3A_681] {strides = array<i32>} : memref<16x128xi32, #tpu.memory_space<vmem>>, vector<16xi32>,
    tpu.vector_store %arg6[%swap3A_680, %swap3A_681], %add3A_678 {strides = array<i32>} : memref<16x128xi32, #tpu.memory_space<vmem>>, vector<16xi32>,
    %add3A_683 = arith.constant 32 : i32
    %add3A_684 = vector.broadcast %add3A_683 : i32 to vector<16xi32>
    %add3A_685 = arith.addi %iota3A, %add3A_684 : vector<16xi32>
    %mul3A_686 = arith.constant 100000 : i32
    %mul3A_687 = vector.broadcast %mul3A_686 : i32 to vector<16xi32>
    %mul3A_688 = arith.muli %add3A_685, %mul3A_687 : vector<16xi32>
    %add3A_689 = arith.addi %mul3A_688, %gather3A_660 : vector<16xi32>
    %swap3A_690 = arith.constant 7 : i32
    %swap3A_691 = arith.index_cast %swap3A_690 : i32 to index
    %swap3A_692 = arith.constant 32 : index
    %swap3A_693 = tpu.vector_load %arg6[%swap3A_691, %swap3A_692] {strides = array<i32>} : memref<16x128xi32, #tpu.memory_space<vmem>>, vector<16xi32>,
    tpu.vector_store %arg6[%swap3A_691, %swap3A_692], %add3A_689 {strides = array<i32>} : memref<16x128xi32, #tpu.memory_space<vmem>>, vector<16xi32>,
    %add3A_694 = arith.constant 48 : i32
    %add3A_695 = vector.broadcast %add3A_694 : i32 to vector<16xi32>
    %add3A_696 = arith.addi %iota3A, %add3A_695 : vector<16xi32>
    %mul3A_697 = arith.constant 100000 : i32
    %mul3A_698 = vector.broadcast %mul3A_697 : i32 to vector<16xi32>
    %mul3A_699 = arith.muli %add3A_696, %mul3A_698 : vector<16xi32>
    %add3A_700 = arith.addi %mul3A_699, %gather3A_660 : vector<16xi32>
    %swap3A_701 = arith.constant 7 : i32
    %swap3A_702 = arith.index_cast %swap3A_701 : i32 to index
    %swap3A_703 = arith.constant 48 : index
    %swap3A_704 = tpu.vector_load %arg6[%swap3A_702, %swap3A_703] {strides = array<i32>} : memref<16x128xi32, #tpu.memory_space<vmem>>, vector<16xi32>,
    tpu.vector_store %arg6[%swap3A_702, %swap3A_703], %add3A_700 {strides = array<i32>} : memref<16x128xi32, #tpu.memory_space<vmem>>, vector<16xi32>,
    %broadcast_in_dim3A_705 = arith.constant 23 : i32
    %broadcast_in_dim3A_706 = vector.broadcast %broadcast_in_dim3A_705 : i32 to vector<16xi32>
    %gather3A_707 = tpu.vector_load_idx %arg5[%broadcast_in_dim3A_706] : memref<40xi32, #tpu.memory_space<vmem>>[vector<16xi32>], vector<16xi32>,
    %add3A_708 = arith.constant 0 : i32
    %add3A_709 = vector.broadcast %add3A_708 : i32 to vector<16xi32>
    %add3A_710 = arith.addi %iota3A, %add3A_709 : vector<16xi32>
    %mul3A_711 = arith.constant 100000 : i32
    %mul3A_712 = vector.broadcast %mul3A_711 : i32 to vector<16xi32>
    %mul3A_713 = arith.muli %add3A_710, %mul3A_712 : vector<16xi32>
    %add3A_714 = arith.addi %mul3A_713, %gather3A_707 : vector<16xi32>
    %swap3A_715 = arith.constant 7 : i32
    %swap3A_716 = arith.index_cast %swap3A_715 : i32 to index
    %swap3A_717 = arith.constant 64 : index
    %swap3A_718 = tpu.vector_load %arg6[%swap3A_716, %swap3A_717] {strides = array<i32>} : memref<16x128xi32, #tpu.memory_space<vmem>>, vector<16xi32>,
    tpu.vector_store %arg6[%swap3A_716, %swap3A_717], %add3A_714 {strides = array<i32>} : memref<16x128xi32, #tpu.memory_space<vmem>>, vector<16xi32>,
    %add3A_719 = arith.constant 16 : i32
    %add3A_720 = vector.broadcast %add3A_719 : i32 to vector<16xi32>
    %add3A_721 = arith.addi %iota3A, %add3A_720 : vector<16xi32>
    %mul3A_722 = arith.constant 100000 : i32
    %mul3A_723 = vector.broadcast %mul3A_722 : i32 to vector<16xi32>
    %mul3A_724 = arith.muli %add3A_721, %mul3A_723 : vector<16xi32>
    %add3A_725 = arith.addi %mul3A_724, %gather3A_707 : vector<16xi32>
    %swap3A_726 = arith.constant 7 : i32
    %swap3A_727 = arith.index_cast %swap3A_726 : i32 to index
    %swap3A_728 = arith.constant 80 : index
    %swap3A_729 = tpu.vector_load %arg6[%swap3A_727, %swap3A_728] {strides = array<i32>} : memref<16x128xi32, #tpu.memory_space<vmem>>, vector<16xi32>,
    tpu.vector_store %arg6[%swap3A_727, %swap3A_728], %add3A_725 {strides = array<i32>} : memref<16x128xi32, #tpu.memory_space<vmem>>, vector<16xi32>,
    %add3A_730 = arith.constant 32 : i32
    %add3A_731 = vector.broadcast %add3A_730 : i32 to vector<16xi32>
    %add3A_732 = arith.addi %iota3A, %add3A_731 : vector<16xi32>
    %mul3A_733 = arith.constant 100000 : i32
    %mul3A_734 = vector.broadcast %mul3A_733 : i32 to vector<16xi32>
    %mul3A_735 = arith.muli %add3A_732, %mul3A_734 : vector<16xi32>
    %add3A_736 = arith.addi %mul3A_735, %gather3A_707 : vector<16xi32>
    %swap3A_737 = arith.constant 7 : i32
    %swap3A_738 = arith.index_cast %swap3A_737 : i32 to index
    %swap3A_739 = arith.constant 96 : index
    %swap3A_740 = tpu.vector_load %arg6[%swap3A_738, %swap3A_739] {strides = array<i32>} : memref<16x128xi32, #tpu.memory_space<vmem>>, vector<16xi32>,
    tpu.vector_store %arg6[%swap3A_738, %swap3A_739], %add3A_736 {strides = array<i32>} : memref<16x128xi32, #tpu.memory_space<vmem>>, vector<16xi32>,
    %add3A_741 = arith.constant 48 : i32
    %add3A_742 = vector.broadcast %add3A_741 : i32 to vector<16xi32>
    %add3A_743 = arith.addi %iota3A, %add3A_742 : vector<16xi32>
    %mul3A_744 = arith.constant 100000 : i32
    %mul3A_745 = vector.broadcast %mul3A_744 : i32 to vector<16xi32>
    %mul3A_746 = arith.muli %add3A_743, %mul3A_745 : vector<16xi32>
    %add3A_747 = arith.addi %mul3A_746, %gather3A_707 : vector<16xi32>
    %swap3A_748 = arith.constant 7 : i32
    %swap3A_749 = arith.index_cast %swap3A_748 : i32 to index
    %swap3A_750 = arith.constant 112 : index
    %swap3A_751 = tpu.vector_load %arg6[%swap3A_749, %swap3A_750] {strides = array<i32>} : memref<16x128xi32, #tpu.memory_space<vmem>>, vector<16xi32>,
    tpu.vector_store %arg6[%swap3A_749, %swap3A_750], %add3A_747 {strides = array<i32>} : memref<16x128xi32, #tpu.memory_space<vmem>>, vector<16xi32>,
    %broadcast_in_dim3A_752 = arith.constant 24 : i32
    %broadcast_in_dim3A_753 = vector.broadcast %broadcast_in_dim3A_752 : i32 to vector<16xi32>
    %gather3A_754 = tpu.vector_load_idx %arg5[%broadcast_in_dim3A_753] : memref<40xi32, #tpu.memory_space<vmem>>[vector<16xi32>], vector<16xi32>,
    %add3A_755 = arith.constant 0 : i32
    %add3A_756 = vector.broadcast %add3A_755 : i32 to vector<16xi32>
    %add3A_757 = arith.addi %iota3A, %add3A_756 : vector<16xi32>
    %mul3A_758 = arith.constant 100000 : i32
    %mul3A_759 = vector.broadcast %mul3A_758 : i32 to vector<16xi32>
    %mul3A_760 = arith.muli %add3A_757, %mul3A_759 : vector<16xi32>
    %add3A_761 = arith.addi %mul3A_760, %gather3A_754 : vector<16xi32>
    %swap3A_762 = arith.constant 8 : i32
    %swap3A_763 = arith.index_cast %swap3A_762 : i32 to index
    %swap3A_764 = arith.constant 0 : index
    %swap3A_765 = tpu.vector_load %arg6[%swap3A_763, %swap3A_764] {strides = array<i32>} : memref<16x128xi32, #tpu.memory_space<vmem>>, vector<16xi32>,
    tpu.vector_store %arg6[%swap3A_763, %swap3A_764], %add3A_761 {strides = array<i32>} : memref<16x128xi32, #tpu.memory_space<vmem>>, vector<16xi32>,
    %add3A_766 = arith.constant 16 : i32
    %add3A_767 = vector.broadcast %add3A_766 : i32 to vector<16xi32>
    %add3A_768 = arith.addi %iota3A, %add3A_767 : vector<16xi32>
    %mul3A_769 = arith.constant 100000 : i32
    %mul3A_770 = vector.broadcast %mul3A_769 : i32 to vector<16xi32>
    %mul3A_771 = arith.muli %add3A_768, %mul3A_770 : vector<16xi32>
    %add3A_772 = arith.addi %mul3A_771, %gather3A_754 : vector<16xi32>
    %swap3A_773 = arith.constant 8 : i32
    %swap3A_774 = arith.index_cast %swap3A_773 : i32 to index
    %swap3A_775 = arith.constant 16 : index
    %swap3A_776 = tpu.vector_load %arg6[%swap3A_774, %swap3A_775] {strides = array<i32>} : memref<16x128xi32, #tpu.memory_space<vmem>>, vector<16xi32>,
    tpu.vector_store %arg6[%swap3A_774, %swap3A_775], %add3A_772 {strides = array<i32>} : memref<16x128xi32, #tpu.memory_space<vmem>>, vector<16xi32>,
    %add3A_777 = arith.constant 32 : i32
    %add3A_778 = vector.broadcast %add3A_777 : i32 to vector<16xi32>
    %add3A_779 = arith.addi %iota3A, %add3A_778 : vector<16xi32>
    %mul3A_780 = arith.constant 100000 : i32
    %mul3A_781 = vector.broadcast %mul3A_780 : i32 to vector<16xi32>
    %mul3A_782 = arith.muli %add3A_779, %mul3A_781 : vector<16xi32>
    %add3A_783 = arith.addi %mul3A_782, %gather3A_754 : vector<16xi32>
    %swap3A_784 = arith.constant 8 : i32
    %swap3A_785 = arith.index_cast %swap3A_784 : i32 to index
    %swap3A_786 = arith.constant 32 : index
    %swap3A_787 = tpu.vector_load %arg6[%swap3A_785, %swap3A_786] {strides = array<i32>} : memref<16x128xi32, #tpu.memory_space<vmem>>, vector<16xi32>,
    tpu.vector_store %arg6[%swap3A_785, %swap3A_786], %add3A_783 {strides = array<i32>} : memref<16x128xi32, #tpu.memory_space<vmem>>, vector<16xi32>,
    %add3A_788 = arith.constant 48 : i32
    %add3A_789 = vector.broadcast %add3A_788 : i32 to vector<16xi32>
    %add3A_790 = arith.addi %iota3A, %add3A_789 : vector<16xi32>
    %mul3A_791 = arith.constant 100000 : i32
    %mul3A_792 = vector.broadcast %mul3A_791 : i32 to vector<16xi32>
    %mul3A_793 = arith.muli %add3A_790, %mul3A_792 : vector<16xi32>
    %add3A_794 = arith.addi %mul3A_793, %gather3A_754 : vector<16xi32>
    %swap3A_795 = arith.constant 8 : i32
    %swap3A_796 = arith.index_cast %swap3A_795 : i32 to index
    %swap3A_797 = arith.constant 48 : index
    %swap3A_798 = tpu.vector_load %arg6[%swap3A_796, %swap3A_797] {strides = array<i32>} : memref<16x128xi32, #tpu.memory_space<vmem>>, vector<16xi32>,
    tpu.vector_store %arg6[%swap3A_796, %swap3A_797], %add3A_794 {strides = array<i32>} : memref<16x128xi32, #tpu.memory_space<vmem>>, vector<16xi32>,
    %broadcast_in_dim3A_799 = arith.constant 25 : i32
    %broadcast_in_dim3A_800 = vector.broadcast %broadcast_in_dim3A_799 : i32 to vector<16xi32>
    %gather3A_801 = tpu.vector_load_idx %arg5[%broadcast_in_dim3A_800] : memref<40xi32, #tpu.memory_space<vmem>>[vector<16xi32>], vector<16xi32>,
    %add3A_802 = arith.constant 0 : i32
    %add3A_803 = vector.broadcast %add3A_802 : i32 to vector<16xi32>
    %add3A_804 = arith.addi %iota3A, %add3A_803 : vector<16xi32>
    %mul3A_805 = arith.constant 100000 : i32
    %mul3A_806 = vector.broadcast %mul3A_805 : i32 to vector<16xi32>
    %mul3A_807 = arith.muli %add3A_804, %mul3A_806 : vector<16xi32>
    %add3A_808 = arith.addi %mul3A_807, %gather3A_801 : vector<16xi32>
    %swap3A_809 = arith.constant 8 : i32
    %swap3A_810 = arith.index_cast %swap3A_809 : i32 to index
    %swap3A_811 = arith.constant 64 : index
    %swap3A_812 = tpu.vector_load %arg6[%swap3A_810, %swap3A_811] {strides = array<i32>} : memref<16x128xi32, #tpu.memory_space<vmem>>, vector<16xi32>,
    tpu.vector_store %arg6[%swap3A_810, %swap3A_811], %add3A_808 {strides = array<i32>} : memref<16x128xi32, #tpu.memory_space<vmem>>, vector<16xi32>,
    %add3A_813 = arith.constant 16 : i32
    %add3A_814 = vector.broadcast %add3A_813 : i32 to vector<16xi32>
    %add3A_815 = arith.addi %iota3A, %add3A_814 : vector<16xi32>
    %mul3A_816 = arith.constant 100000 : i32
    %mul3A_817 = vector.broadcast %mul3A_816 : i32 to vector<16xi32>
    %mul3A_818 = arith.muli %add3A_815, %mul3A_817 : vector<16xi32>
    %add3A_819 = arith.addi %mul3A_818, %gather3A_801 : vector<16xi32>
    %swap3A_820 = arith.constant 8 : i32
    %swap3A_821 = arith.index_cast %swap3A_820 : i32 to index
    %swap3A_822 = arith.constant 80 : index
    %swap3A_823 = tpu.vector_load %arg6[%swap3A_821, %swap3A_822] {strides = array<i32>} : memref<16x128xi32, #tpu.memory_space<vmem>>, vector<16xi32>,
    tpu.vector_store %arg6[%swap3A_821, %swap3A_822], %add3A_819 {strides = array<i32>} : memref<16x128xi32, #tpu.memory_space<vmem>>, vector<16xi32>,
    %add3A_824 = arith.constant 32 : i32
    %add3A_825 = vector.broadcast %add3A_824 : i32 to vector<16xi32>
    %add3A_826 = arith.addi %iota3A, %add3A_825 : vector<16xi32>
    %mul3A_827 = arith.constant 100000 : i32
    %mul3A_828 = vector.broadcast %mul3A_827 : i32 to vector<16xi32>
    %mul3A_829 = arith.muli %add3A_826, %mul3A_828 : vector<16xi32>
    %add3A_830 = arith.addi %mul3A_829, %gather3A_801 : vector<16xi32>
    %swap3A_831 = arith.constant 8 : i32
    %swap3A_832 = arith.index_cast %swap3A_831 : i32 to index
    %swap3A_833 = arith.constant 96 : index
    %swap3A_834 = tpu.vector_load %arg6[%swap3A_832, %swap3A_833] {strides = array<i32>} : memref<16x128xi32, #tpu.memory_space<vmem>>, vector<16xi32>,
    tpu.vector_store %arg6[%swap3A_832, %swap3A_833], %add3A_830 {strides = array<i32>} : memref<16x128xi32, #tpu.memory_space<vmem>>, vector<16xi32>,
    %add3A_835 = arith.constant 48 : i32
    %add3A_836 = vector.broadcast %add3A_835 : i32 to vector<16xi32>
    %add3A_837 = arith.addi %iota3A, %add3A_836 : vector<16xi32>
    %mul3A_838 = arith.constant 100000 : i32
    %mul3A_839 = vector.broadcast %mul3A_838 : i32 to vector<16xi32>
    %mul3A_840 = arith.muli %add3A_837, %mul3A_839 : vector<16xi32>
    %add3A_841 = arith.addi %mul3A_840, %gather3A_801 : vector<16xi32>
    %swap3A_842 = arith.constant 8 : i32
    %swap3A_843 = arith.index_cast %swap3A_842 : i32 to index
    %swap3A_844 = arith.constant 112 : index
    %swap3A_845 = tpu.vector_load %arg6[%swap3A_843, %swap3A_844] {strides = array<i32>} : memref<16x128xi32, #tpu.memory_space<vmem>>, vector<16xi32>,
    tpu.vector_store %arg6[%swap3A_843, %swap3A_844], %add3A_841 {strides = array<i32>} : memref<16x128xi32, #tpu.memory_space<vmem>>, vector<16xi32>,
    %broadcast_in_dim3A_846 = arith.constant 26 : i32
    %broadcast_in_dim3A_847 = vector.broadcast %broadcast_in_dim3A_846 : i32 to vector<16xi32>
    %gather3A_848 = tpu.vector_load_idx %arg5[%broadcast_in_dim3A_847] : memref<40xi32, #tpu.memory_space<vmem>>[vector<16xi32>], vector<16xi32>,
    %add3A_849 = arith.constant 0 : i32
    %add3A_850 = vector.broadcast %add3A_849 : i32 to vector<16xi32>
    %add3A_851 = arith.addi %iota3A, %add3A_850 : vector<16xi32>
    %mul3A_852 = arith.constant 100000 : i32
    %mul3A_853 = vector.broadcast %mul3A_852 : i32 to vector<16xi32>
    %mul3A_854 = arith.muli %add3A_851, %mul3A_853 : vector<16xi32>
    %add3A_855 = arith.addi %mul3A_854, %gather3A_848 : vector<16xi32>
    %swap3A_856 = arith.constant 9 : i32
    %swap3A_857 = arith.index_cast %swap3A_856 : i32 to index
    %swap3A_858 = arith.constant 0 : index
    %swap3A_859 = tpu.vector_load %arg6[%swap3A_857, %swap3A_858] {strides = array<i32>} : memref<16x128xi32, #tpu.memory_space<vmem>>, vector<16xi32>,
    tpu.vector_store %arg6[%swap3A_857, %swap3A_858], %add3A_855 {strides = array<i32>} : memref<16x128xi32, #tpu.memory_space<vmem>>, vector<16xi32>,
    %add3A_860 = arith.constant 16 : i32
    %add3A_861 = vector.broadcast %add3A_860 : i32 to vector<16xi32>
    %add3A_862 = arith.addi %iota3A, %add3A_861 : vector<16xi32>
    %mul3A_863 = arith.constant 100000 : i32
    %mul3A_864 = vector.broadcast %mul3A_863 : i32 to vector<16xi32>
    %mul3A_865 = arith.muli %add3A_862, %mul3A_864 : vector<16xi32>
    %add3A_866 = arith.addi %mul3A_865, %gather3A_848 : vector<16xi32>
    %swap3A_867 = arith.constant 9 : i32
    %swap3A_868 = arith.index_cast %swap3A_867 : i32 to index
    %swap3A_869 = arith.constant 16 : index
    %swap3A_870 = tpu.vector_load %arg6[%swap3A_868, %swap3A_869] {strides = array<i32>} : memref<16x128xi32, #tpu.memory_space<vmem>>, vector<16xi32>,
    tpu.vector_store %arg6[%swap3A_868, %swap3A_869], %add3A_866 {strides = array<i32>} : memref<16x128xi32, #tpu.memory_space<vmem>>, vector<16xi32>,
    %add3A_871 = arith.constant 32 : i32
    %add3A_872 = vector.broadcast %add3A_871 : i32 to vector<16xi32>
    %add3A_873 = arith.addi %iota3A, %add3A_872 : vector<16xi32>
    %mul3A_874 = arith.constant 100000 : i32
    %mul3A_875 = vector.broadcast %mul3A_874 : i32 to vector<16xi32>
    %mul3A_876 = arith.muli %add3A_873, %mul3A_875 : vector<16xi32>
    %add3A_877 = arith.addi %mul3A_876, %gather3A_848 : vector<16xi32>
    %swap3A_878 = arith.constant 9 : i32
    %swap3A_879 = arith.index_cast %swap3A_878 : i32 to index
    %swap3A_880 = arith.constant 32 : index
    %swap3A_881 = tpu.vector_load %arg6[%swap3A_879, %swap3A_880] {strides = array<i32>} : memref<16x128xi32, #tpu.memory_space<vmem>>, vector<16xi32>,
    tpu.vector_store %arg6[%swap3A_879, %swap3A_880], %add3A_877 {strides = array<i32>} : memref<16x128xi32, #tpu.memory_space<vmem>>, vector<16xi32>,
    %add3A_882 = arith.constant 48 : i32
    %add3A_883 = vector.broadcast %add3A_882 : i32 to vector<16xi32>
    %add3A_884 = arith.addi %iota3A, %add3A_883 : vector<16xi32>
    %mul3A_885 = arith.constant 100000 : i32
    %mul3A_886 = vector.broadcast %mul3A_885 : i32 to vector<16xi32>
    %mul3A_887 = arith.muli %add3A_884, %mul3A_886 : vector<16xi32>
    %add3A_888 = arith.addi %mul3A_887, %gather3A_848 : vector<16xi32>
    %swap3A_889 = arith.constant 9 : i32
    %swap3A_890 = arith.index_cast %swap3A_889 : i32 to index
    %swap3A_891 = arith.constant 48 : index
    %swap3A_892 = tpu.vector_load %arg6[%swap3A_890, %swap3A_891] {strides = array<i32>} : memref<16x128xi32, #tpu.memory_space<vmem>>, vector<16xi32>,
    tpu.vector_store %arg6[%swap3A_890, %swap3A_891], %add3A_888 {strides = array<i32>} : memref<16x128xi32, #tpu.memory_space<vmem>>, vector<16xi32>,
    %broadcast_in_dim3A_893 = arith.constant 27 : i32
    %broadcast_in_dim3A_894 = vector.broadcast %broadcast_in_dim3A_893 : i32 to vector<16xi32>
    %gather3A_895 = tpu.vector_load_idx %arg5[%broadcast_in_dim3A_894] : memref<40xi32, #tpu.memory_space<vmem>>[vector<16xi32>], vector<16xi32>,
    %add3A_896 = arith.constant 0 : i32
    %add3A_897 = vector.broadcast %add3A_896 : i32 to vector<16xi32>
    %add3A_898 = arith.addi %iota3A, %add3A_897 : vector<16xi32>
    %mul3A_899 = arith.constant 100000 : i32
    %mul3A_900 = vector.broadcast %mul3A_899 : i32 to vector<16xi32>
    %mul3A_901 = arith.muli %add3A_898, %mul3A_900 : vector<16xi32>
    %add3A_902 = arith.addi %mul3A_901, %gather3A_895 : vector<16xi32>
    %swap3A_903 = arith.constant 9 : i32
    %swap3A_904 = arith.index_cast %swap3A_903 : i32 to index
    %swap3A_905 = arith.constant 64 : index
    %swap3A_906 = tpu.vector_load %arg6[%swap3A_904, %swap3A_905] {strides = array<i32>} : memref<16x128xi32, #tpu.memory_space<vmem>>, vector<16xi32>,
    tpu.vector_store %arg6[%swap3A_904, %swap3A_905], %add3A_902 {strides = array<i32>} : memref<16x128xi32, #tpu.memory_space<vmem>>, vector<16xi32>,
    %add3A_907 = arith.constant 16 : i32
    %add3A_908 = vector.broadcast %add3A_907 : i32 to vector<16xi32>
    %add3A_909 = arith.addi %iota3A, %add3A_908 : vector<16xi32>
    %mul3A_910 = arith.constant 100000 : i32
    %mul3A_911 = vector.broadcast %mul3A_910 : i32 to vector<16xi32>
    %mul3A_912 = arith.muli %add3A_909, %mul3A_911 : vector<16xi32>
    %add3A_913 = arith.addi %mul3A_912, %gather3A_895 : vector<16xi32>
    %swap3A_914 = arith.constant 9 : i32
    %swap3A_915 = arith.index_cast %swap3A_914 : i32 to index
    %swap3A_916 = arith.constant 80 : index
    %swap3A_917 = tpu.vector_load %arg6[%swap3A_915, %swap3A_916] {strides = array<i32>} : memref<16x128xi32, #tpu.memory_space<vmem>>, vector<16xi32>,
    tpu.vector_store %arg6[%swap3A_915, %swap3A_916], %add3A_913 {strides = array<i32>} : memref<16x128xi32, #tpu.memory_space<vmem>>, vector<16xi32>,
    %add3A_918 = arith.constant 32 : i32
    %add3A_919 = vector.broadcast %add3A_918 : i32 to vector<16xi32>
    %add3A_920 = arith.addi %iota3A, %add3A_919 : vector<16xi32>
    %mul3A_921 = arith.constant 100000 : i32
    %mul3A_922 = vector.broadcast %mul3A_921 : i32 to vector<16xi32>
    %mul3A_923 = arith.muli %add3A_920, %mul3A_922 : vector<16xi32>
    %add3A_924 = arith.addi %mul3A_923, %gather3A_895 : vector<16xi32>
    %swap3A_925 = arith.constant 9 : i32
    %swap3A_926 = arith.index_cast %swap3A_925 : i32 to index
    %swap3A_927 = arith.constant 96 : index
    %swap3A_928 = tpu.vector_load %arg6[%swap3A_926, %swap3A_927] {strides = array<i32>} : memref<16x128xi32, #tpu.memory_space<vmem>>, vector<16xi32>,
    tpu.vector_store %arg6[%swap3A_926, %swap3A_927], %add3A_924 {strides = array<i32>} : memref<16x128xi32, #tpu.memory_space<vmem>>, vector<16xi32>,
    %add3A_929 = arith.constant 48 : i32
    %add3A_930 = vector.broadcast %add3A_929 : i32 to vector<16xi32>
    %add3A_931 = arith.addi %iota3A, %add3A_930 : vector<16xi32>
    %mul3A_932 = arith.constant 100000 : i32
    %mul3A_933 = vector.broadcast %mul3A_932 : i32 to vector<16xi32>
    %mul3A_934 = arith.muli %add3A_931, %mul3A_933 : vector<16xi32>
    %add3A_935 = arith.addi %mul3A_934, %gather3A_895 : vector<16xi32>
    %swap3A_936 = arith.constant 9 : i32
    %swap3A_937 = arith.index_cast %swap3A_936 : i32 to index
    %swap3A_938 = arith.constant 112 : index
    %swap3A_939 = tpu.vector_load %arg6[%swap3A_937, %swap3A_938] {strides = array<i32>} : memref<16x128xi32, #tpu.memory_space<vmem>>, vector<16xi32>,
    tpu.vector_store %arg6[%swap3A_937, %swap3A_938], %add3A_935 {strides = array<i32>} : memref<16x128xi32, #tpu.memory_space<vmem>>, vector<16xi32>,
    %broadcast_in_dim3A_940 = arith.constant 28 : i32
    %broadcast_in_dim3A_941 = vector.broadcast %broadcast_in_dim3A_940 : i32 to vector<16xi32>
    %gather3A_942 = tpu.vector_load_idx %arg5[%broadcast_in_dim3A_941] : memref<40xi32, #tpu.memory_space<vmem>>[vector<16xi32>], vector<16xi32>,
    %add3A_943 = arith.constant 0 : i32
    %add3A_944 = vector.broadcast %add3A_943 : i32 to vector<16xi32>
    %add3A_945 = arith.addi %iota3A, %add3A_944 : vector<16xi32>
    %mul3A_946 = arith.constant 100000 : i32
    %mul3A_947 = vector.broadcast %mul3A_946 : i32 to vector<16xi32>
    %mul3A_948 = arith.muli %add3A_945, %mul3A_947 : vector<16xi32>
    %add3A_949 = arith.addi %mul3A_948, %gather3A_942 : vector<16xi32>
    %swap3A_950 = arith.constant 10 : i32
    %swap3A_951 = arith.index_cast %swap3A_950 : i32 to index
    %swap3A_952 = arith.constant 0 : index
    %swap3A_953 = tpu.vector_load %arg6[%swap3A_951, %swap3A_952] {strides = array<i32>} : memref<16x128xi32, #tpu.memory_space<vmem>>, vector<16xi32>,
    tpu.vector_store %arg6[%swap3A_951, %swap3A_952], %add3A_949 {strides = array<i32>} : memref<16x128xi32, #tpu.memory_space<vmem>>, vector<16xi32>,
    %add3A_954 = arith.constant 16 : i32
    %add3A_955 = vector.broadcast %add3A_954 : i32 to vector<16xi32>
    %add3A_956 = arith.addi %iota3A, %add3A_955 : vector<16xi32>
    %mul3A_957 = arith.constant 100000 : i32
    %mul3A_958 = vector.broadcast %mul3A_957 : i32 to vector<16xi32>
    %mul3A_959 = arith.muli %add3A_956, %mul3A_958 : vector<16xi32>
    %add3A_960 = arith.addi %mul3A_959, %gather3A_942 : vector<16xi32>
    %swap3A_961 = arith.constant 10 : i32
    %swap3A_962 = arith.index_cast %swap3A_961 : i32 to index
    %swap3A_963 = arith.constant 16 : index
    %swap3A_964 = tpu.vector_load %arg6[%swap3A_962, %swap3A_963] {strides = array<i32>} : memref<16x128xi32, #tpu.memory_space<vmem>>, vector<16xi32>,
    tpu.vector_store %arg6[%swap3A_962, %swap3A_963], %add3A_960 {strides = array<i32>} : memref<16x128xi32, #tpu.memory_space<vmem>>, vector<16xi32>,
    %add3A_965 = arith.constant 32 : i32
    %add3A_966 = vector.broadcast %add3A_965 : i32 to vector<16xi32>
    %add3A_967 = arith.addi %iota3A, %add3A_966 : vector<16xi32>
    %mul3A_968 = arith.constant 100000 : i32
    %mul3A_969 = vector.broadcast %mul3A_968 : i32 to vector<16xi32>
    %mul3A_970 = arith.muli %add3A_967, %mul3A_969 : vector<16xi32>
    %add3A_971 = arith.addi %mul3A_970, %gather3A_942 : vector<16xi32>
    %swap3A_972 = arith.constant 10 : i32
    %swap3A_973 = arith.index_cast %swap3A_972 : i32 to index
    %swap3A_974 = arith.constant 32 : index
    %swap3A_975 = tpu.vector_load %arg6[%swap3A_973, %swap3A_974] {strides = array<i32>} : memref<16x128xi32, #tpu.memory_space<vmem>>, vector<16xi32>,
    tpu.vector_store %arg6[%swap3A_973, %swap3A_974], %add3A_971 {strides = array<i32>} : memref<16x128xi32, #tpu.memory_space<vmem>>, vector<16xi32>,
    %add3A_976 = arith.constant 48 : i32
    %add3A_977 = vector.broadcast %add3A_976 : i32 to vector<16xi32>
    %add3A_978 = arith.addi %iota3A, %add3A_977 : vector<16xi32>
    %mul3A_979 = arith.constant 100000 : i32
    %mul3A_980 = vector.broadcast %mul3A_979 : i32 to vector<16xi32>
    %mul3A_981 = arith.muli %add3A_978, %mul3A_980 : vector<16xi32>
    %add3A_982 = arith.addi %mul3A_981, %gather3A_942 : vector<16xi32>
    %swap3A_983 = arith.constant 10 : i32
    %swap3A_984 = arith.index_cast %swap3A_983 : i32 to index
    %swap3A_985 = arith.constant 48 : index
    %swap3A_986 = tpu.vector_load %arg6[%swap3A_984, %swap3A_985] {strides = array<i32>} : memref<16x128xi32, #tpu.memory_space<vmem>>, vector<16xi32>,
    tpu.vector_store %arg6[%swap3A_984, %swap3A_985], %add3A_982 {strides = array<i32>} : memref<16x128xi32, #tpu.memory_space<vmem>>, vector<16xi32>,
    %broadcast_in_dim3A_987 = arith.constant 29 : i32
    %broadcast_in_dim3A_988 = vector.broadcast %broadcast_in_dim3A_987 : i32 to vector<16xi32>
    %gather3A_989 = tpu.vector_load_idx %arg5[%broadcast_in_dim3A_988] : memref<40xi32, #tpu.memory_space<vmem>>[vector<16xi32>], vector<16xi32>,
    %add3A_990 = arith.constant 0 : i32
    %add3A_991 = vector.broadcast %add3A_990 : i32 to vector<16xi32>
    %add3A_992 = arith.addi %iota3A, %add3A_991 : vector<16xi32>
    %mul3A_993 = arith.constant 100000 : i32
    %mul3A_994 = vector.broadcast %mul3A_993 : i32 to vector<16xi32>
    %mul3A_995 = arith.muli %add3A_992, %mul3A_994 : vector<16xi32>
    %add3A_996 = arith.addi %mul3A_995, %gather3A_989 : vector<16xi32>
    %swap3A_997 = arith.constant 10 : i32
    %swap3A_998 = arith.index_cast %swap3A_997 : i32 to index
    %swap3A_999 = arith.constant 64 : index
    %swap3A_1000 = tpu.vector_load %arg6[%swap3A_998, %swap3A_999] {strides = array<i32>} : memref<16x128xi32, #tpu.memory_space<vmem>>, vector<16xi32>,
    tpu.vector_store %arg6[%swap3A_998, %swap3A_999], %add3A_996 {strides = array<i32>} : memref<16x128xi32, #tpu.memory_space<vmem>>, vector<16xi32>,
    %add3A_1001 = arith.constant 16 : i32
    %add3A_1002 = vector.broadcast %add3A_1001 : i32 to vector<16xi32>
    %add3A_1003 = arith.addi %iota3A, %add3A_1002 : vector<16xi32>
    %mul3A_1004 = arith.constant 100000 : i32
    %mul3A_1005 = vector.broadcast %mul3A_1004 : i32 to vector<16xi32>
    %mul3A_1006 = arith.muli %add3A_1003, %mul3A_1005 : vector<16xi32>
    %add3A_1007 = arith.addi %mul3A_1006, %gather3A_989 : vector<16xi32>
    %swap3A_1008 = arith.constant 10 : i32
    %swap3A_1009 = arith.index_cast %swap3A_1008 : i32 to index
    %swap3A_1010 = arith.constant 80 : index
    %swap3A_1011 = tpu.vector_load %arg6[%swap3A_1009, %swap3A_1010] {strides = array<i32>} : memref<16x128xi32, #tpu.memory_space<vmem>>, vector<16xi32>,
    tpu.vector_store %arg6[%swap3A_1009, %swap3A_1010], %add3A_1007 {strides = array<i32>} : memref<16x128xi32, #tpu.memory_space<vmem>>, vector<16xi32>,
    %add3A_1012 = arith.constant 32 : i32
    %add3A_1013 = vector.broadcast %add3A_1012 : i32 to vector<16xi32>
    %add3A_1014 = arith.addi %iota3A, %add3A_1013 : vector<16xi32>
    %mul3A_1015 = arith.constant 100000 : i32
    %mul3A_1016 = vector.broadcast %mul3A_1015 : i32 to vector<16xi32>
    %mul3A_1017 = arith.muli %add3A_1014, %mul3A_1016 : vector<16xi32>
    %add3A_1018 = arith.addi %mul3A_1017, %gather3A_989 : vector<16xi32>
    %swap3A_1019 = arith.constant 10 : i32
    %swap3A_1020 = arith.index_cast %swap3A_1019 : i32 to index
    %swap3A_1021 = arith.constant 96 : index
    %swap3A_1022 = tpu.vector_load %arg6[%swap3A_1020, %swap3A_1021] {strides = array<i32>} : memref<16x128xi32, #tpu.memory_space<vmem>>, vector<16xi32>,
    tpu.vector_store %arg6[%swap3A_1020, %swap3A_1021], %add3A_1018 {strides = array<i32>} : memref<16x128xi32, #tpu.memory_space<vmem>>, vector<16xi32>,
    %add3A_1023 = arith.constant 48 : i32
    %add3A_1024 = vector.broadcast %add3A_1023 : i32 to vector<16xi32>
    %add3A_1025 = arith.addi %iota3A, %add3A_1024 : vector<16xi32>
    %mul3A_1026 = arith.constant 100000 : i32
    %mul3A_1027 = vector.broadcast %mul3A_1026 : i32 to vector<16xi32>
    %mul3A_1028 = arith.muli %add3A_1025, %mul3A_1027 : vector<16xi32>
    %add3A_1029 = arith.addi %mul3A_1028, %gather3A_989 : vector<16xi32>
    %swap3A_1030 = arith.constant 10 : i32
    %swap3A_1031 = arith.index_cast %swap3A_1030 : i32 to index
    %swap3A_1032 = arith.constant 112 : index
    %swap3A_1033 = tpu.vector_load %arg6[%swap3A_1031, %swap3A_1032] {strides = array<i32>} : memref<16x128xi32, #tpu.memory_space<vmem>>, vector<16xi32>,
    tpu.vector_store %arg6[%swap3A_1031, %swap3A_1032], %add3A_1029 {strides = array<i32>} : memref<16x128xi32, #tpu.memory_space<vmem>>, vector<16xi32>,
    %broadcast_in_dim3A_1034 = arith.constant 30 : i32
    %broadcast_in_dim3A_1035 = vector.broadcast %broadcast_in_dim3A_1034 : i32 to vector<16xi32>
    %gather3A_1036 = tpu.vector_load_idx %arg5[%broadcast_in_dim3A_1035] : memref<40xi32, #tpu.memory_space<vmem>>[vector<16xi32>], vector<16xi32>,
    %add3A_1037 = arith.constant 0 : i32
    %add3A_1038 = vector.broadcast %add3A_1037 : i32 to vector<16xi32>
    %add3A_1039 = arith.addi %iota3A, %add3A_1038 : vector<16xi32>
    %mul3A_1040 = arith.constant 100000 : i32
    %mul3A_1041 = vector.broadcast %mul3A_1040 : i32 to vector<16xi32>
    %mul3A_1042 = arith.muli %add3A_1039, %mul3A_1041 : vector<16xi32>
    %add3A_1043 = arith.addi %mul3A_1042, %gather3A_1036 : vector<16xi32>
    %swap3A_1044 = arith.constant 11 : i32
    %swap3A_1045 = arith.index_cast %swap3A_1044 : i32 to index
    %swap3A_1046 = arith.constant 0 : index
    %swap3A_1047 = tpu.vector_load %arg6[%swap3A_1045, %swap3A_1046] {strides = array<i32>} : memref<16x128xi32, #tpu.memory_space<vmem>>, vector<16xi32>,
    tpu.vector_store %arg6[%swap3A_1045, %swap3A_1046], %add3A_1043 {strides = array<i32>} : memref<16x128xi32, #tpu.memory_space<vmem>>, vector<16xi32>,
    %add3A_1048 = arith.constant 16 : i32
    %add3A_1049 = vector.broadcast %add3A_1048 : i32 to vector<16xi32>
    %add3A_1050 = arith.addi %iota3A, %add3A_1049 : vector<16xi32>
    %mul3A_1051 = arith.constant 100000 : i32
    %mul3A_1052 = vector.broadcast %mul3A_1051 : i32 to vector<16xi32>
    %mul3A_1053 = arith.muli %add3A_1050, %mul3A_1052 : vector<16xi32>
    %add3A_1054 = arith.addi %mul3A_1053, %gather3A_1036 : vector<16xi32>
    %swap3A_1055 = arith.constant 11 : i32
    %swap3A_1056 = arith.index_cast %swap3A_1055 : i32 to index
    %swap3A_1057 = arith.constant 16 : index
    %swap3A_1058 = tpu.vector_load %arg6[%swap3A_1056, %swap3A_1057] {strides = array<i32>} : memref<16x128xi32, #tpu.memory_space<vmem>>, vector<16xi32>,
    tpu.vector_store %arg6[%swap3A_1056, %swap3A_1057], %add3A_1054 {strides = array<i32>} : memref<16x128xi32, #tpu.memory_space<vmem>>, vector<16xi32>,
    %add3A_1059 = arith.constant 32 : i32
    %add3A_1060 = vector.broadcast %add3A_1059 : i32 to vector<16xi32>
    %add3A_1061 = arith.addi %iota3A, %add3A_1060 : vector<16xi32>
    %mul3A_1062 = arith.constant 100000 : i32
    %mul3A_1063 = vector.broadcast %mul3A_1062 : i32 to vector<16xi32>
    %mul3A_1064 = arith.muli %add3A_1061, %mul3A_1063 : vector<16xi32>
    %add3A_1065 = arith.addi %mul3A_1064, %gather3A_1036 : vector<16xi32>
    %swap3A_1066 = arith.constant 11 : i32
    %swap3A_1067 = arith.index_cast %swap3A_1066 : i32 to index
    %swap3A_1068 = arith.constant 32 : index
    %swap3A_1069 = tpu.vector_load %arg6[%swap3A_1067, %swap3A_1068] {strides = array<i32>} : memref<16x128xi32, #tpu.memory_space<vmem>>, vector<16xi32>,
    tpu.vector_store %arg6[%swap3A_1067, %swap3A_1068], %add3A_1065 {strides = array<i32>} : memref<16x128xi32, #tpu.memory_space<vmem>>, vector<16xi32>,
    %add3A_1070 = arith.constant 48 : i32
    %add3A_1071 = vector.broadcast %add3A_1070 : i32 to vector<16xi32>
    %add3A_1072 = arith.addi %iota3A, %add3A_1071 : vector<16xi32>
    %mul3A_1073 = arith.constant 100000 : i32
    %mul3A_1074 = vector.broadcast %mul3A_1073 : i32 to vector<16xi32>
    %mul3A_1075 = arith.muli %add3A_1072, %mul3A_1074 : vector<16xi32>
    %add3A_1076 = arith.addi %mul3A_1075, %gather3A_1036 : vector<16xi32>
    %swap3A_1077 = arith.constant 11 : i32
    %swap3A_1078 = arith.index_cast %swap3A_1077 : i32 to index
    %swap3A_1079 = arith.constant 48 : index
    %swap3A_1080 = tpu.vector_load %arg6[%swap3A_1078, %swap3A_1079] {strides = array<i32>} : memref<16x128xi32, #tpu.memory_space<vmem>>, vector<16xi32>,
    tpu.vector_store %arg6[%swap3A_1078, %swap3A_1079], %add3A_1076 {strides = array<i32>} : memref<16x128xi32, #tpu.memory_space<vmem>>, vector<16xi32>,
    %broadcast_in_dim3A_1081 = arith.constant 31 : i32
    %broadcast_in_dim3A_1082 = vector.broadcast %broadcast_in_dim3A_1081 : i32 to vector<16xi32>
    %gather3A_1083 = tpu.vector_load_idx %arg5[%broadcast_in_dim3A_1082] : memref<40xi32, #tpu.memory_space<vmem>>[vector<16xi32>], vector<16xi32>,
    %add3A_1084 = arith.constant 0 : i32
    %add3A_1085 = vector.broadcast %add3A_1084 : i32 to vector<16xi32>
    %add3A_1086 = arith.addi %iota3A, %add3A_1085 : vector<16xi32>
    %mul3A_1087 = arith.constant 100000 : i32
    %mul3A_1088 = vector.broadcast %mul3A_1087 : i32 to vector<16xi32>
    %mul3A_1089 = arith.muli %add3A_1086, %mul3A_1088 : vector<16xi32>
    %add3A_1090 = arith.addi %mul3A_1089, %gather3A_1083 : vector<16xi32>
    %swap3A_1091 = arith.constant 11 : i32
    %swap3A_1092 = arith.index_cast %swap3A_1091 : i32 to index
    %swap3A_1093 = arith.constant 64 : index
    %swap3A_1094 = tpu.vector_load %arg6[%swap3A_1092, %swap3A_1093] {strides = array<i32>} : memref<16x128xi32, #tpu.memory_space<vmem>>, vector<16xi32>,
    tpu.vector_store %arg6[%swap3A_1092, %swap3A_1093], %add3A_1090 {strides = array<i32>} : memref<16x128xi32, #tpu.memory_space<vmem>>, vector<16xi32>,
    %add3A_1095 = arith.constant 16 : i32
    %add3A_1096 = vector.broadcast %add3A_1095 : i32 to vector<16xi32>
    %add3A_1097 = arith.addi %iota3A, %add3A_1096 : vector<16xi32>
    %mul3A_1098 = arith.constant 100000 : i32
    %mul3A_1099 = vector.broadcast %mul3A_1098 : i32 to vector<16xi32>
    %mul3A_1100 = arith.muli %add3A_1097, %mul3A_1099 : vector<16xi32>
    %add3A_1101 = arith.addi %mul3A_1100, %gather3A_1083 : vector<16xi32>
    %swap3A_1102 = arith.constant 11 : i32
    %swap3A_1103 = arith.index_cast %swap3A_1102 : i32 to index
    %swap3A_1104 = arith.constant 80 : index
    %swap3A_1105 = tpu.vector_load %arg6[%swap3A_1103, %swap3A_1104] {strides = array<i32>} : memref<16x128xi32, #tpu.memory_space<vmem>>, vector<16xi32>,
    tpu.vector_store %arg6[%swap3A_1103, %swap3A_1104], %add3A_1101 {strides = array<i32>} : memref<16x128xi32, #tpu.memory_space<vmem>>, vector<16xi32>,
    %add3A_1106 = arith.constant 32 : i32
    %add3A_1107 = vector.broadcast %add3A_1106 : i32 to vector<16xi32>
    %add3A_1108 = arith.addi %iota3A, %add3A_1107 : vector<16xi32>
    %mul3A_1109 = arith.constant 100000 : i32
    %mul3A_1110 = vector.broadcast %mul3A_1109 : i32 to vector<16xi32>
    %mul3A_1111 = arith.muli %add3A_1108, %mul3A_1110 : vector<16xi32>
    %add3A_1112 = arith.addi %mul3A_1111, %gather3A_1083 : vector<16xi32>
    %swap3A_1113 = arith.constant 11 : i32
    %swap3A_1114 = arith.index_cast %swap3A_1113 : i32 to index
    %swap3A_1115 = arith.constant 96 : index
    %swap3A_1116 = tpu.vector_load %arg6[%swap3A_1114, %swap3A_1115] {strides = array<i32>} : memref<16x128xi32, #tpu.memory_space<vmem>>, vector<16xi32>,
    tpu.vector_store %arg6[%swap3A_1114, %swap3A_1115], %add3A_1112 {strides = array<i32>} : memref<16x128xi32, #tpu.memory_space<vmem>>, vector<16xi32>,
    %add3A_1117 = arith.constant 48 : i32
    %add3A_1118 = vector.broadcast %add3A_1117 : i32 to vector<16xi32>
    %add3A_1119 = arith.addi %iota3A, %add3A_1118 : vector<16xi32>
    %mul3A_1120 = arith.constant 100000 : i32
    %mul3A_1121 = vector.broadcast %mul3A_1120 : i32 to vector<16xi32>
    %mul3A_1122 = arith.muli %add3A_1119, %mul3A_1121 : vector<16xi32>
    %add3A_1123 = arith.addi %mul3A_1122, %gather3A_1083 : vector<16xi32>
    %swap3A_1124 = arith.constant 11 : i32
    %swap3A_1125 = arith.index_cast %swap3A_1124 : i32 to index
    %swap3A_1126 = arith.constant 112 : index
    %swap3A_1127 = tpu.vector_load %arg6[%swap3A_1125, %swap3A_1126] {strides = array<i32>} : memref<16x128xi32, #tpu.memory_space<vmem>>, vector<16xi32>,
    tpu.vector_store %arg6[%swap3A_1125, %swap3A_1126], %add3A_1123 {strides = array<i32>} : memref<16x128xi32, #tpu.memory_space<vmem>>, vector<16xi32>,
    %broadcast_in_dim3A_1128 = arith.constant 32 : i32
    %broadcast_in_dim3A_1129 = vector.broadcast %broadcast_in_dim3A_1128 : i32 to vector<16xi32>
    %gather3A_1130 = tpu.vector_load_idx %arg5[%broadcast_in_dim3A_1129] : memref<40xi32, #tpu.memory_space<vmem>>[vector<16xi32>], vector<16xi32>,
    %add3A_1131 = arith.constant 0 : i32
    %add3A_1132 = vector.broadcast %add3A_1131 : i32 to vector<16xi32>
    %add3A_1133 = arith.addi %iota3A, %add3A_1132 : vector<16xi32>
    %mul3A_1134 = arith.constant 100000 : i32
    %mul3A_1135 = vector.broadcast %mul3A_1134 : i32 to vector<16xi32>
    %mul3A_1136 = arith.muli %add3A_1133, %mul3A_1135 : vector<16xi32>
    %add3A_1137 = arith.addi %mul3A_1136, %gather3A_1130 : vector<16xi32>
    %swap3A_1138 = arith.constant 12 : i32
    %swap3A_1139 = arith.index_cast %swap3A_1138 : i32 to index
    %swap3A_1140 = arith.constant 0 : index
    %swap3A_1141 = tpu.vector_load %arg6[%swap3A_1139, %swap3A_1140] {strides = array<i32>} : memref<16x128xi32, #tpu.memory_space<vmem>>, vector<16xi32>,
    tpu.vector_store %arg6[%swap3A_1139, %swap3A_1140], %add3A_1137 {strides = array<i32>} : memref<16x128xi32, #tpu.memory_space<vmem>>, vector<16xi32>,
    %add3A_1142 = arith.constant 16 : i32
    %add3A_1143 = vector.broadcast %add3A_1142 : i32 to vector<16xi32>
    %add3A_1144 = arith.addi %iota3A, %add3A_1143 : vector<16xi32>
    %mul3A_1145 = arith.constant 100000 : i32
    %mul3A_1146 = vector.broadcast %mul3A_1145 : i32 to vector<16xi32>
    %mul3A_1147 = arith.muli %add3A_1144, %mul3A_1146 : vector<16xi32>
    %add3A_1148 = arith.addi %mul3A_1147, %gather3A_1130 : vector<16xi32>
    %swap3A_1149 = arith.constant 12 : i32
    %swap3A_1150 = arith.index_cast %swap3A_1149 : i32 to index
    %swap3A_1151 = arith.constant 16 : index
    %swap3A_1152 = tpu.vector_load %arg6[%swap3A_1150, %swap3A_1151] {strides = array<i32>} : memref<16x128xi32, #tpu.memory_space<vmem>>, vector<16xi32>,
    tpu.vector_store %arg6[%swap3A_1150, %swap3A_1151], %add3A_1148 {strides = array<i32>} : memref<16x128xi32, #tpu.memory_space<vmem>>, vector<16xi32>,
    %add3A_1153 = arith.constant 32 : i32
    %add3A_1154 = vector.broadcast %add3A_1153 : i32 to vector<16xi32>
    %add3A_1155 = arith.addi %iota3A, %add3A_1154 : vector<16xi32>
    %mul3A_1156 = arith.constant 100000 : i32
    %mul3A_1157 = vector.broadcast %mul3A_1156 : i32 to vector<16xi32>
    %mul3A_1158 = arith.muli %add3A_1155, %mul3A_1157 : vector<16xi32>
    %add3A_1159 = arith.addi %mul3A_1158, %gather3A_1130 : vector<16xi32>
    %swap3A_1160 = arith.constant 12 : i32
    %swap3A_1161 = arith.index_cast %swap3A_1160 : i32 to index
    %swap3A_1162 = arith.constant 32 : index
    %swap3A_1163 = tpu.vector_load %arg6[%swap3A_1161, %swap3A_1162] {strides = array<i32>} : memref<16x128xi32, #tpu.memory_space<vmem>>, vector<16xi32>,
    tpu.vector_store %arg6[%swap3A_1161, %swap3A_1162], %add3A_1159 {strides = array<i32>} : memref<16x128xi32, #tpu.memory_space<vmem>>, vector<16xi32>,
    %add3A_1164 = arith.constant 48 : i32
    %add3A_1165 = vector.broadcast %add3A_1164 : i32 to vector<16xi32>
    %add3A_1166 = arith.addi %iota3A, %add3A_1165 : vector<16xi32>
    %mul3A_1167 = arith.constant 100000 : i32
    %mul3A_1168 = vector.broadcast %mul3A_1167 : i32 to vector<16xi32>
    %mul3A_1169 = arith.muli %add3A_1166, %mul3A_1168 : vector<16xi32>
    %add3A_1170 = arith.addi %mul3A_1169, %gather3A_1130 : vector<16xi32>
    %swap3A_1171 = arith.constant 12 : i32
    %swap3A_1172 = arith.index_cast %swap3A_1171 : i32 to index
    %swap3A_1173 = arith.constant 48 : index
    %swap3A_1174 = tpu.vector_load %arg6[%swap3A_1172, %swap3A_1173] {strides = array<i32>} : memref<16x128xi32, #tpu.memory_space<vmem>>, vector<16xi32>,
    tpu.vector_store %arg6[%swap3A_1172, %swap3A_1173], %add3A_1170 {strides = array<i32>} : memref<16x128xi32, #tpu.memory_space<vmem>>, vector<16xi32>,
    %broadcast_in_dim3A_1175 = arith.constant 33 : i32
    %broadcast_in_dim3A_1176 = vector.broadcast %broadcast_in_dim3A_1175 : i32 to vector<16xi32>
    %gather3A_1177 = tpu.vector_load_idx %arg5[%broadcast_in_dim3A_1176] : memref<40xi32, #tpu.memory_space<vmem>>[vector<16xi32>], vector<16xi32>,
    %add3A_1178 = arith.constant 0 : i32
    %add3A_1179 = vector.broadcast %add3A_1178 : i32 to vector<16xi32>
    %add3A_1180 = arith.addi %iota3A, %add3A_1179 : vector<16xi32>
    %mul3A_1181 = arith.constant 100000 : i32
    %mul3A_1182 = vector.broadcast %mul3A_1181 : i32 to vector<16xi32>
    %mul3A_1183 = arith.muli %add3A_1180, %mul3A_1182 : vector<16xi32>
    %add3A_1184 = arith.addi %mul3A_1183, %gather3A_1177 : vector<16xi32>
    %swap3A_1185 = arith.constant 12 : i32
    %swap3A_1186 = arith.index_cast %swap3A_1185 : i32 to index
    %swap3A_1187 = arith.constant 64 : index
    %swap3A_1188 = tpu.vector_load %arg6[%swap3A_1186, %swap3A_1187] {strides = array<i32>} : memref<16x128xi32, #tpu.memory_space<vmem>>, vector<16xi32>,
    tpu.vector_store %arg6[%swap3A_1186, %swap3A_1187], %add3A_1184 {strides = array<i32>} : memref<16x128xi32, #tpu.memory_space<vmem>>, vector<16xi32>,
    %add3A_1189 = arith.constant 16 : i32
    %add3A_1190 = vector.broadcast %add3A_1189 : i32 to vector<16xi32>
    %add3A_1191 = arith.addi %iota3A, %add3A_1190 : vector<16xi32>
    %mul3A_1192 = arith.constant 100000 : i32
    %mul3A_1193 = vector.broadcast %mul3A_1192 : i32 to vector<16xi32>
    %mul3A_1194 = arith.muli %add3A_1191, %mul3A_1193 : vector<16xi32>
    %add3A_1195 = arith.addi %mul3A_1194, %gather3A_1177 : vector<16xi32>
    %swap3A_1196 = arith.constant 12 : i32
    %swap3A_1197 = arith.index_cast %swap3A_1196 : i32 to index
    %swap3A_1198 = arith.constant 80 : index
    %swap3A_1199 = tpu.vector_load %arg6[%swap3A_1197, %swap3A_1198] {strides = array<i32>} : memref<16x128xi32, #tpu.memory_space<vmem>>, vector<16xi32>,
    tpu.vector_store %arg6[%swap3A_1197, %swap3A_1198], %add3A_1195 {strides = array<i32>} : memref<16x128xi32, #tpu.memory_space<vmem>>, vector<16xi32>,
    %add3A_1200 = arith.constant 32 : i32
    %add3A_1201 = vector.broadcast %add3A_1200 : i32 to vector<16xi32>
    %add3A_1202 = arith.addi %iota3A, %add3A_1201 : vector<16xi32>
    %mul3A_1203 = arith.constant 100000 : i32
    %mul3A_1204 = vector.broadcast %mul3A_1203 : i32 to vector<16xi32>
    %mul3A_1205 = arith.muli %add3A_1202, %mul3A_1204 : vector<16xi32>
    %add3A_1206 = arith.addi %mul3A_1205, %gather3A_1177 : vector<16xi32>
    %swap3A_1207 = arith.constant 12 : i32
    %swap3A_1208 = arith.index_cast %swap3A_1207 : i32 to index
    %swap3A_1209 = arith.constant 96 : index
    %swap3A_1210 = tpu.vector_load %arg6[%swap3A_1208, %swap3A_1209] {strides = array<i32>} : memref<16x128xi32, #tpu.memory_space<vmem>>, vector<16xi32>,
    tpu.vector_store %arg6[%swap3A_1208, %swap3A_1209], %add3A_1206 {strides = array<i32>} : memref<16x128xi32, #tpu.memory_space<vmem>>, vector<16xi32>,
    %add3A_1211 = arith.constant 48 : i32
    %add3A_1212 = vector.broadcast %add3A_1211 : i32 to vector<16xi32>
    %add3A_1213 = arith.addi %iota3A, %add3A_1212 : vector<16xi32>
    %mul3A_1214 = arith.constant 100000 : i32
    %mul3A_1215 = vector.broadcast %mul3A_1214 : i32 to vector<16xi32>
    %mul3A_1216 = arith.muli %add3A_1213, %mul3A_1215 : vector<16xi32>
    %add3A_1217 = arith.addi %mul3A_1216, %gather3A_1177 : vector<16xi32>
    %swap3A_1218 = arith.constant 12 : i32
    %swap3A_1219 = arith.index_cast %swap3A_1218 : i32 to index
    %swap3A_1220 = arith.constant 112 : index
    %swap3A_1221 = tpu.vector_load %arg6[%swap3A_1219, %swap3A_1220] {strides = array<i32>} : memref<16x128xi32, #tpu.memory_space<vmem>>, vector<16xi32>,
    tpu.vector_store %arg6[%swap3A_1219, %swap3A_1220], %add3A_1217 {strides = array<i32>} : memref<16x128xi32, #tpu.memory_space<vmem>>, vector<16xi32>,
    %broadcast_in_dim3A_1222 = arith.constant 34 : i32
    %broadcast_in_dim3A_1223 = vector.broadcast %broadcast_in_dim3A_1222 : i32 to vector<16xi32>
    %gather3A_1224 = tpu.vector_load_idx %arg5[%broadcast_in_dim3A_1223] : memref<40xi32, #tpu.memory_space<vmem>>[vector<16xi32>], vector<16xi32>,
    %add3A_1225 = arith.constant 0 : i32
    %add3A_1226 = vector.broadcast %add3A_1225 : i32 to vector<16xi32>
    %add3A_1227 = arith.addi %iota3A, %add3A_1226 : vector<16xi32>
    %mul3A_1228 = arith.constant 100000 : i32
    %mul3A_1229 = vector.broadcast %mul3A_1228 : i32 to vector<16xi32>
    %mul3A_1230 = arith.muli %add3A_1227, %mul3A_1229 : vector<16xi32>
    %add3A_1231 = arith.addi %mul3A_1230, %gather3A_1224 : vector<16xi32>
    %swap3A_1232 = arith.constant 13 : i32
    %swap3A_1233 = arith.index_cast %swap3A_1232 : i32 to index
    %swap3A_1234 = arith.constant 0 : index
    %swap3A_1235 = tpu.vector_load %arg6[%swap3A_1233, %swap3A_1234] {strides = array<i32>} : memref<16x128xi32, #tpu.memory_space<vmem>>, vector<16xi32>,
    tpu.vector_store %arg6[%swap3A_1233, %swap3A_1234], %add3A_1231 {strides = array<i32>} : memref<16x128xi32, #tpu.memory_space<vmem>>, vector<16xi32>,
    %add3A_1236 = arith.constant 16 : i32
    %add3A_1237 = vector.broadcast %add3A_1236 : i32 to vector<16xi32>
    %add3A_1238 = arith.addi %iota3A, %add3A_1237 : vector<16xi32>
    %mul3A_1239 = arith.constant 100000 : i32
    %mul3A_1240 = vector.broadcast %mul3A_1239 : i32 to vector<16xi32>
    %mul3A_1241 = arith.muli %add3A_1238, %mul3A_1240 : vector<16xi32>
    %add3A_1242 = arith.addi %mul3A_1241, %gather3A_1224 : vector<16xi32>
    %swap3A_1243 = arith.constant 13 : i32
    %swap3A_1244 = arith.index_cast %swap3A_1243 : i32 to index
    %swap3A_1245 = arith.constant 16 : index
    %swap3A_1246 = tpu.vector_load %arg6[%swap3A_1244, %swap3A_1245] {strides = array<i32>} : memref<16x128xi32, #tpu.memory_space<vmem>>, vector<16xi32>,
    tpu.vector_store %arg6[%swap3A_1244, %swap3A_1245], %add3A_1242 {strides = array<i32>} : memref<16x128xi32, #tpu.memory_space<vmem>>, vector<16xi32>,
    %add3A_1247 = arith.constant 32 : i32
    %add3A_1248 = vector.broadcast %add3A_1247 : i32 to vector<16xi32>
    %add3A_1249 = arith.addi %iota3A, %add3A_1248 : vector<16xi32>
    %mul3A_1250 = arith.constant 100000 : i32
    %mul3A_1251 = vector.broadcast %mul3A_1250 : i32 to vector<16xi32>
    %mul3A_1252 = arith.muli %add3A_1249, %mul3A_1251 : vector<16xi32>
    %add3A_1253 = arith.addi %mul3A_1252, %gather3A_1224 : vector<16xi32>
    %swap3A_1254 = arith.constant 13 : i32
    %swap3A_1255 = arith.index_cast %swap3A_1254 : i32 to index
    %swap3A_1256 = arith.constant 32 : index
    %swap3A_1257 = tpu.vector_load %arg6[%swap3A_1255, %swap3A_1256] {strides = array<i32>} : memref<16x128xi32, #tpu.memory_space<vmem>>, vector<16xi32>,
    tpu.vector_store %arg6[%swap3A_1255, %swap3A_1256], %add3A_1253 {strides = array<i32>} : memref<16x128xi32, #tpu.memory_space<vmem>>, vector<16xi32>,
    %add3A_1258 = arith.constant 48 : i32
    %add3A_1259 = vector.broadcast %add3A_1258 : i32 to vector<16xi32>
    %add3A_1260 = arith.addi %iota3A, %add3A_1259 : vector<16xi32>
    %mul3A_1261 = arith.constant 100000 : i32
    %mul3A_1262 = vector.broadcast %mul3A_1261 : i32 to vector<16xi32>
    %mul3A_1263 = arith.muli %add3A_1260, %mul3A_1262 : vector<16xi32>
    %add3A_1264 = arith.addi %mul3A_1263, %gather3A_1224 : vector<16xi32>
    %swap3A_1265 = arith.constant 13 : i32
    %swap3A_1266 = arith.index_cast %swap3A_1265 : i32 to index
    %swap3A_1267 = arith.constant 48 : index
    %swap3A_1268 = tpu.vector_load %arg6[%swap3A_1266, %swap3A_1267] {strides = array<i32>} : memref<16x128xi32, #tpu.memory_space<vmem>>, vector<16xi32>,
    tpu.vector_store %arg6[%swap3A_1266, %swap3A_1267], %add3A_1264 {strides = array<i32>} : memref<16x128xi32, #tpu.memory_space<vmem>>, vector<16xi32>,
    %broadcast_in_dim3A_1269 = arith.constant 35 : i32
    %broadcast_in_dim3A_1270 = vector.broadcast %broadcast_in_dim3A_1269 : i32 to vector<16xi32>
    %gather3A_1271 = tpu.vector_load_idx %arg5[%broadcast_in_dim3A_1270] : memref<40xi32, #tpu.memory_space<vmem>>[vector<16xi32>], vector<16xi32>,
    %add3A_1272 = arith.constant 0 : i32
    %add3A_1273 = vector.broadcast %add3A_1272 : i32 to vector<16xi32>
    %add3A_1274 = arith.addi %iota3A, %add3A_1273 : vector<16xi32>
    %mul3A_1275 = arith.constant 100000 : i32
    %mul3A_1276 = vector.broadcast %mul3A_1275 : i32 to vector<16xi32>
    %mul3A_1277 = arith.muli %add3A_1274, %mul3A_1276 : vector<16xi32>
    %add3A_1278 = arith.addi %mul3A_1277, %gather3A_1271 : vector<16xi32>
    %swap3A_1279 = arith.constant 13 : i32
    %swap3A_1280 = arith.index_cast %swap3A_1279 : i32 to index
    %swap3A_1281 = arith.constant 64 : index
    %swap3A_1282 = tpu.vector_load %arg6[%swap3A_1280, %swap3A_1281] {strides = array<i32>} : memref<16x128xi32, #tpu.memory_space<vmem>>, vector<16xi32>,
    tpu.vector_store %arg6[%swap3A_1280, %swap3A_1281], %add3A_1278 {strides = array<i32>} : memref<16x128xi32, #tpu.memory_space<vmem>>, vector<16xi32>,
    %add3A_1283 = arith.constant 16 : i32
    %add3A_1284 = vector.broadcast %add3A_1283 : i32 to vector<16xi32>
    %add3A_1285 = arith.addi %iota3A, %add3A_1284 : vector<16xi32>
    %mul3A_1286 = arith.constant 100000 : i32
    %mul3A_1287 = vector.broadcast %mul3A_1286 : i32 to vector<16xi32>
    %mul3A_1288 = arith.muli %add3A_1285, %mul3A_1287 : vector<16xi32>
    %add3A_1289 = arith.addi %mul3A_1288, %gather3A_1271 : vector<16xi32>
    %swap3A_1290 = arith.constant 13 : i32
    %swap3A_1291 = arith.index_cast %swap3A_1290 : i32 to index
    %swap3A_1292 = arith.constant 80 : index
    %swap3A_1293 = tpu.vector_load %arg6[%swap3A_1291, %swap3A_1292] {strides = array<i32>} : memref<16x128xi32, #tpu.memory_space<vmem>>, vector<16xi32>,
    tpu.vector_store %arg6[%swap3A_1291, %swap3A_1292], %add3A_1289 {strides = array<i32>} : memref<16x128xi32, #tpu.memory_space<vmem>>, vector<16xi32>,
    %add3A_1294 = arith.constant 32 : i32
    %add3A_1295 = vector.broadcast %add3A_1294 : i32 to vector<16xi32>
    %add3A_1296 = arith.addi %iota3A, %add3A_1295 : vector<16xi32>
    %mul3A_1297 = arith.constant 100000 : i32
    %mul3A_1298 = vector.broadcast %mul3A_1297 : i32 to vector<16xi32>
    %mul3A_1299 = arith.muli %add3A_1296, %mul3A_1298 : vector<16xi32>
    %add3A_1300 = arith.addi %mul3A_1299, %gather3A_1271 : vector<16xi32>
    %swap3A_1301 = arith.constant 13 : i32
    %swap3A_1302 = arith.index_cast %swap3A_1301 : i32 to index
    %swap3A_1303 = arith.constant 96 : index
    %swap3A_1304 = tpu.vector_load %arg6[%swap3A_1302, %swap3A_1303] {strides = array<i32>} : memref<16x128xi32, #tpu.memory_space<vmem>>, vector<16xi32>,
    tpu.vector_store %arg6[%swap3A_1302, %swap3A_1303], %add3A_1300 {strides = array<i32>} : memref<16x128xi32, #tpu.memory_space<vmem>>, vector<16xi32>,
    %add3A_1305 = arith.constant 48 : i32
    %add3A_1306 = vector.broadcast %add3A_1305 : i32 to vector<16xi32>
    %add3A_1307 = arith.addi %iota3A, %add3A_1306 : vector<16xi32>
    %mul3A_1308 = arith.constant 100000 : i32
    %mul3A_1309 = vector.broadcast %mul3A_1308 : i32 to vector<16xi32>
    %mul3A_1310 = arith.muli %add3A_1307, %mul3A_1309 : vector<16xi32>
    %add3A_1311 = arith.addi %mul3A_1310, %gather3A_1271 : vector<16xi32>
    %swap3A_1312 = arith.constant 13 : i32
    %swap3A_1313 = arith.index_cast %swap3A_1312 : i32 to index
    %swap3A_1314 = arith.constant 112 : index
    %swap3A_1315 = tpu.vector_load %arg6[%swap3A_1313, %swap3A_1314] {strides = array<i32>} : memref<16x128xi32, #tpu.memory_space<vmem>>, vector<16xi32>,
    tpu.vector_store %arg6[%swap3A_1313, %swap3A_1314], %add3A_1311 {strides = array<i32>} : memref<16x128xi32, #tpu.memory_space<vmem>>, vector<16xi32>,
    %broadcast_in_dim3A_1316 = arith.constant 36 : i32
    %broadcast_in_dim3A_1317 = vector.broadcast %broadcast_in_dim3A_1316 : i32 to vector<16xi32>
    %gather3A_1318 = tpu.vector_load_idx %arg5[%broadcast_in_dim3A_1317] : memref<40xi32, #tpu.memory_space<vmem>>[vector<16xi32>], vector<16xi32>,
    %add3A_1319 = arith.constant 0 : i32
    %add3A_1320 = vector.broadcast %add3A_1319 : i32 to vector<16xi32>
    %add3A_1321 = arith.addi %iota3A, %add3A_1320 : vector<16xi32>
    %mul3A_1322 = arith.constant 100000 : i32
    %mul3A_1323 = vector.broadcast %mul3A_1322 : i32 to vector<16xi32>
    %mul3A_1324 = arith.muli %add3A_1321, %mul3A_1323 : vector<16xi32>
    %add3A_1325 = arith.addi %mul3A_1324, %gather3A_1318 : vector<16xi32>
    %swap3A_1326 = arith.constant 14 : i32
    %swap3A_1327 = arith.index_cast %swap3A_1326 : i32 to index
    %swap3A_1328 = arith.constant 0 : index
    %swap3A_1329 = tpu.vector_load %arg6[%swap3A_1327, %swap3A_1328] {strides = array<i32>} : memref<16x128xi32, #tpu.memory_space<vmem>>, vector<16xi32>,
    tpu.vector_store %arg6[%swap3A_1327, %swap3A_1328], %add3A_1325 {strides = array<i32>} : memref<16x128xi32, #tpu.memory_space<vmem>>, vector<16xi32>,
    %add3A_1330 = arith.constant 16 : i32
    %add3A_1331 = vector.broadcast %add3A_1330 : i32 to vector<16xi32>
    %add3A_1332 = arith.addi %iota3A, %add3A_1331 : vector<16xi32>
    %mul3A_1333 = arith.constant 100000 : i32
    %mul3A_1334 = vector.broadcast %mul3A_1333 : i32 to vector<16xi32>
    %mul3A_1335 = arith.muli %add3A_1332, %mul3A_1334 : vector<16xi32>
    %add3A_1336 = arith.addi %mul3A_1335, %gather3A_1318 : vector<16xi32>
    %swap3A_1337 = arith.constant 14 : i32
    %swap3A_1338 = arith.index_cast %swap3A_1337 : i32 to index
    %swap3A_1339 = arith.constant 16 : index
    %swap3A_1340 = tpu.vector_load %arg6[%swap3A_1338, %swap3A_1339] {strides = array<i32>} : memref<16x128xi32, #tpu.memory_space<vmem>>, vector<16xi32>,
    tpu.vector_store %arg6[%swap3A_1338, %swap3A_1339], %add3A_1336 {strides = array<i32>} : memref<16x128xi32, #tpu.memory_space<vmem>>, vector<16xi32>,
    %add3A_1341 = arith.constant 32 : i32
    %add3A_1342 = vector.broadcast %add3A_1341 : i32 to vector<16xi32>
    %add3A_1343 = arith.addi %iota3A, %add3A_1342 : vector<16xi32>
    %mul3A_1344 = arith.constant 100000 : i32
    %mul3A_1345 = vector.broadcast %mul3A_1344 : i32 to vector<16xi32>
    %mul3A_1346 = arith.muli %add3A_1343, %mul3A_1345 : vector<16xi32>
    %add3A_1347 = arith.addi %mul3A_1346, %gather3A_1318 : vector<16xi32>
    %swap3A_1348 = arith.constant 14 : i32
    %swap3A_1349 = arith.index_cast %swap3A_1348 : i32 to index
    %swap3A_1350 = arith.constant 32 : index
    %swap3A_1351 = tpu.vector_load %arg6[%swap3A_1349, %swap3A_1350] {strides = array<i32>} : memref<16x128xi32, #tpu.memory_space<vmem>>, vector<16xi32>,
    tpu.vector_store %arg6[%swap3A_1349, %swap3A_1350], %add3A_1347 {strides = array<i32>} : memref<16x128xi32, #tpu.memory_space<vmem>>, vector<16xi32>,
    %add3A_1352 = arith.constant 48 : i32
    %add3A_1353 = vector.broadcast %add3A_1352 : i32 to vector<16xi32>
    %add3A_1354 = arith.addi %iota3A, %add3A_1353 : vector<16xi32>
    %mul3A_1355 = arith.constant 100000 : i32
    %mul3A_1356 = vector.broadcast %mul3A_1355 : i32 to vector<16xi32>
    %mul3A_1357 = arith.muli %add3A_1354, %mul3A_1356 : vector<16xi32>
    %add3A_1358 = arith.addi %mul3A_1357, %gather3A_1318 : vector<16xi32>
    %swap3A_1359 = arith.constant 14 : i32
    %swap3A_1360 = arith.index_cast %swap3A_1359 : i32 to index
    %swap3A_1361 = arith.constant 48 : index
    %swap3A_1362 = tpu.vector_load %arg6[%swap3A_1360, %swap3A_1361] {strides = array<i32>} : memref<16x128xi32, #tpu.memory_space<vmem>>, vector<16xi32>,
    tpu.vector_store %arg6[%swap3A_1360, %swap3A_1361], %add3A_1358 {strides = array<i32>} : memref<16x128xi32, #tpu.memory_space<vmem>>, vector<16xi32>,
    %broadcast_in_dim3A_1363 = arith.constant 37 : i32
    %broadcast_in_dim3A_1364 = vector.broadcast %broadcast_in_dim3A_1363 : i32 to vector<16xi32>
    %gather3A_1365 = tpu.vector_load_idx %arg5[%broadcast_in_dim3A_1364] : memref<40xi32, #tpu.memory_space<vmem>>[vector<16xi32>], vector<16xi32>,
    %add3A_1366 = arith.constant 0 : i32
    %add3A_1367 = vector.broadcast %add3A_1366 : i32 to vector<16xi32>
    %add3A_1368 = arith.addi %iota3A, %add3A_1367 : vector<16xi32>
    %mul3A_1369 = arith.constant 100000 : i32
    %mul3A_1370 = vector.broadcast %mul3A_1369 : i32 to vector<16xi32>
    %mul3A_1371 = arith.muli %add3A_1368, %mul3A_1370 : vector<16xi32>
    %add3A_1372 = arith.addi %mul3A_1371, %gather3A_1365 : vector<16xi32>
    %swap3A_1373 = arith.constant 14 : i32
    %swap3A_1374 = arith.index_cast %swap3A_1373 : i32 to index
    %swap3A_1375 = arith.constant 64 : index
    %swap3A_1376 = tpu.vector_load %arg6[%swap3A_1374, %swap3A_1375] {strides = array<i32>} : memref<16x128xi32, #tpu.memory_space<vmem>>, vector<16xi32>,
    tpu.vector_store %arg6[%swap3A_1374, %swap3A_1375], %add3A_1372 {strides = array<i32>} : memref<16x128xi32, #tpu.memory_space<vmem>>, vector<16xi32>,
    %add3A_1377 = arith.constant 16 : i32
    %add3A_1378 = vector.broadcast %add3A_1377 : i32 to vector<16xi32>
    %add3A_1379 = arith.addi %iota3A, %add3A_1378 : vector<16xi32>
    %mul3A_1380 = arith.constant 100000 : i32
    %mul3A_1381 = vector.broadcast %mul3A_1380 : i32 to vector<16xi32>
    %mul3A_1382 = arith.muli %add3A_1379, %mul3A_1381 : vector<16xi32>
    %add3A_1383 = arith.addi %mul3A_1382, %gather3A_1365 : vector<16xi32>
    %swap3A_1384 = arith.constant 14 : i32
    %swap3A_1385 = arith.index_cast %swap3A_1384 : i32 to index
    %swap3A_1386 = arith.constant 80 : index
    %swap3A_1387 = tpu.vector_load %arg6[%swap3A_1385, %swap3A_1386] {strides = array<i32>} : memref<16x128xi32, #tpu.memory_space<vmem>>, vector<16xi32>,
    tpu.vector_store %arg6[%swap3A_1385, %swap3A_1386], %add3A_1383 {strides = array<i32>} : memref<16x128xi32, #tpu.memory_space<vmem>>, vector<16xi32>,
    %add3A_1388 = arith.constant 32 : i32
    %add3A_1389 = vector.broadcast %add3A_1388 : i32 to vector<16xi32>
    %add3A_1390 = arith.addi %iota3A, %add3A_1389 : vector<16xi32>
    %mul3A_1391 = arith.constant 100000 : i32
    %mul3A_1392 = vector.broadcast %mul3A_1391 : i32 to vector<16xi32>
    %mul3A_1393 = arith.muli %add3A_1390, %mul3A_1392 : vector<16xi32>
    %add3A_1394 = arith.addi %mul3A_1393, %gather3A_1365 : vector<16xi32>
    %swap3A_1395 = arith.constant 14 : i32
    %swap3A_1396 = arith.index_cast %swap3A_1395 : i32 to index
    %swap3A_1397 = arith.constant 96 : index
    %swap3A_1398 = tpu.vector_load %arg6[%swap3A_1396, %swap3A_1397] {strides = array<i32>} : memref<16x128xi32, #tpu.memory_space<vmem>>, vector<16xi32>,
    tpu.vector_store %arg6[%swap3A_1396, %swap3A_1397], %add3A_1394 {strides = array<i32>} : memref<16x128xi32, #tpu.memory_space<vmem>>, vector<16xi32>,
    %add3A_1399 = arith.constant 48 : i32
    %add3A_1400 = vector.broadcast %add3A_1399 : i32 to vector<16xi32>
    %add3A_1401 = arith.addi %iota3A, %add3A_1400 : vector<16xi32>
    %mul3A_1402 = arith.constant 100000 : i32
    %mul3A_1403 = vector.broadcast %mul3A_1402 : i32 to vector<16xi32>
    %mul3A_1404 = arith.muli %add3A_1401, %mul3A_1403 : vector<16xi32>
    %add3A_1405 = arith.addi %mul3A_1404, %gather3A_1365 : vector<16xi32>
    %swap3A_1406 = arith.constant 14 : i32
    %swap3A_1407 = arith.index_cast %swap3A_1406 : i32 to index
    %swap3A_1408 = arith.constant 112 : index
    %swap3A_1409 = tpu.vector_load %arg6[%swap3A_1407, %swap3A_1408] {strides = array<i32>} : memref<16x128xi32, #tpu.memory_space<vmem>>, vector<16xi32>,
    tpu.vector_store %arg6[%swap3A_1407, %swap3A_1408], %add3A_1405 {strides = array<i32>} : memref<16x128xi32, #tpu.memory_space<vmem>>, vector<16xi32>,
    %broadcast_in_dim3A_1410 = arith.constant 38 : i32
    %broadcast_in_dim3A_1411 = vector.broadcast %broadcast_in_dim3A_1410 : i32 to vector<16xi32>
    %gather3A_1412 = tpu.vector_load_idx %arg5[%broadcast_in_dim3A_1411] : memref<40xi32, #tpu.memory_space<vmem>>[vector<16xi32>], vector<16xi32>,
    %add3A_1413 = arith.constant 0 : i32
    %add3A_1414 = vector.broadcast %add3A_1413 : i32 to vector<16xi32>
    %add3A_1415 = arith.addi %iota3A, %add3A_1414 : vector<16xi32>
    %mul3A_1416 = arith.constant 100000 : i32
    %mul3A_1417 = vector.broadcast %mul3A_1416 : i32 to vector<16xi32>
    %mul3A_1418 = arith.muli %add3A_1415, %mul3A_1417 : vector<16xi32>
    %add3A_1419 = arith.addi %mul3A_1418, %gather3A_1412 : vector<16xi32>
    %swap3A_1420 = arith.constant 15 : i32
    %swap3A_1421 = arith.index_cast %swap3A_1420 : i32 to index
    %swap3A_1422 = arith.constant 0 : index
    %swap3A_1423 = tpu.vector_load %arg6[%swap3A_1421, %swap3A_1422] {strides = array<i32>} : memref<16x128xi32, #tpu.memory_space<vmem>>, vector<16xi32>,
    tpu.vector_store %arg6[%swap3A_1421, %swap3A_1422], %add3A_1419 {strides = array<i32>} : memref<16x128xi32, #tpu.memory_space<vmem>>, vector<16xi32>,
    %add3A_1424 = arith.constant 16 : i32
    %add3A_1425 = vector.broadcast %add3A_1424 : i32 to vector<16xi32>
    %add3A_1426 = arith.addi %iota3A, %add3A_1425 : vector<16xi32>
    %mul3A_1427 = arith.constant 100000 : i32
    %mul3A_1428 = vector.broadcast %mul3A_1427 : i32 to vector<16xi32>
    %mul3A_1429 = arith.muli %add3A_1426, %mul3A_1428 : vector<16xi32>
    %add3A_1430 = arith.addi %mul3A_1429, %gather3A_1412 : vector<16xi32>
    %swap3A_1431 = arith.constant 15 : i32
    %swap3A_1432 = arith.index_cast %swap3A_1431 : i32 to index
    %swap3A_1433 = arith.constant 16 : index
    %swap3A_1434 = tpu.vector_load %arg6[%swap3A_1432, %swap3A_1433] {strides = array<i32>} : memref<16x128xi32, #tpu.memory_space<vmem>>, vector<16xi32>,
    tpu.vector_store %arg6[%swap3A_1432, %swap3A_1433], %add3A_1430 {strides = array<i32>} : memref<16x128xi32, #tpu.memory_space<vmem>>, vector<16xi32>,
    %add3A_1435 = arith.constant 32 : i32
    %add3A_1436 = vector.broadcast %add3A_1435 : i32 to vector<16xi32>
    %add3A_1437 = arith.addi %iota3A, %add3A_1436 : vector<16xi32>
    %mul3A_1438 = arith.constant 100000 : i32
    %mul3A_1439 = vector.broadcast %mul3A_1438 : i32 to vector<16xi32>
    %mul3A_1440 = arith.muli %add3A_1437, %mul3A_1439 : vector<16xi32>
    %add3A_1441 = arith.addi %mul3A_1440, %gather3A_1412 : vector<16xi32>
    %swap3A_1442 = arith.constant 15 : i32
    %swap3A_1443 = arith.index_cast %swap3A_1442 : i32 to index
    %swap3A_1444 = arith.constant 32 : index
    %swap3A_1445 = tpu.vector_load %arg6[%swap3A_1443, %swap3A_1444] {strides = array<i32>} : memref<16x128xi32, #tpu.memory_space<vmem>>, vector<16xi32>,
    tpu.vector_store %arg6[%swap3A_1443, %swap3A_1444], %add3A_1441 {strides = array<i32>} : memref<16x128xi32, #tpu.memory_space<vmem>>, vector<16xi32>,
    %add3A_1446 = arith.constant 48 : i32
    %add3A_1447 = vector.broadcast %add3A_1446 : i32 to vector<16xi32>
    %add3A_1448 = arith.addi %iota3A, %add3A_1447 : vector<16xi32>
    %mul3A_1449 = arith.constant 100000 : i32
    %mul3A_1450 = vector.broadcast %mul3A_1449 : i32 to vector<16xi32>
    %mul3A_1451 = arith.muli %add3A_1448, %mul3A_1450 : vector<16xi32>
    %add3A_1452 = arith.addi %mul3A_1451, %gather3A_1412 : vector<16xi32>
    %swap3A_1453 = arith.constant 15 : i32
    %swap3A_1454 = arith.index_cast %swap3A_1453 : i32 to index
    %swap3A_1455 = arith.constant 48 : index
    %swap3A_1456 = tpu.vector_load %arg6[%swap3A_1454, %swap3A_1455] {strides = array<i32>} : memref<16x128xi32, #tpu.memory_space<vmem>>, vector<16xi32>,
    tpu.vector_store %arg6[%swap3A_1454, %swap3A_1455], %add3A_1452 {strides = array<i32>} : memref<16x128xi32, #tpu.memory_space<vmem>>, vector<16xi32>,
    %broadcast_in_dim3A_1457 = arith.constant 39 : i32
    %broadcast_in_dim3A_1458 = vector.broadcast %broadcast_in_dim3A_1457 : i32 to vector<16xi32>
    %gather3A_1459 = tpu.vector_load_idx %arg5[%broadcast_in_dim3A_1458] : memref<40xi32, #tpu.memory_space<vmem>>[vector<16xi32>], vector<16xi32>,
    %add3A_1460 = arith.constant 0 : i32
    %add3A_1461 = vector.broadcast %add3A_1460 : i32 to vector<16xi32>
    %add3A_1462 = arith.addi %iota3A, %add3A_1461 : vector<16xi32>
    %mul3A_1463 = arith.constant 100000 : i32
    %mul3A_1464 = vector.broadcast %mul3A_1463 : i32 to vector<16xi32>
    %mul3A_1465 = arith.muli %add3A_1462, %mul3A_1464 : vector<16xi32>
    %add3A_1466 = arith.addi %mul3A_1465, %gather3A_1459 : vector<16xi32>
    %swap3A_1467 = arith.constant 15 : i32
    %swap3A_1468 = arith.index_cast %swap3A_1467 : i32 to index
    %swap3A_1469 = arith.constant 64 : index
    %swap3A_1470 = tpu.vector_load %arg6[%swap3A_1468, %swap3A_1469] {strides = array<i32>} : memref<16x128xi32, #tpu.memory_space<vmem>>, vector<16xi32>,
    tpu.vector_store %arg6[%swap3A_1468, %swap3A_1469], %add3A_1466 {strides = array<i32>} : memref<16x128xi32, #tpu.memory_space<vmem>>, vector<16xi32>,
    %add3A_1471 = arith.constant 16 : i32
    %add3A_1472 = vector.broadcast %add3A_1471 : i32 to vector<16xi32>
    %add3A_1473 = arith.addi %iota3A, %add3A_1472 : vector<16xi32>
    %mul3A_1474 = arith.constant 100000 : i32
    %mul3A_1475 = vector.broadcast %mul3A_1474 : i32 to vector<16xi32>
    %mul3A_1476 = arith.muli %add3A_1473, %mul3A_1475 : vector<16xi32>
    %add3A_1477 = arith.addi %mul3A_1476, %gather3A_1459 : vector<16xi32>
    %swap3A_1478 = arith.constant 15 : i32
    %swap3A_1479 = arith.index_cast %swap3A_1478 : i32 to index
    %swap3A_1480 = arith.constant 80 : index
    %swap3A_1481 = tpu.vector_load %arg6[%swap3A_1479, %swap3A_1480] {strides = array<i32>} : memref<16x128xi32, #tpu.memory_space<vmem>>, vector<16xi32>,
    tpu.vector_store %arg6[%swap3A_1479, %swap3A_1480], %add3A_1477 {strides = array<i32>} : memref<16x128xi32, #tpu.memory_space<vmem>>, vector<16xi32>,
    %add3A_1482 = arith.constant 32 : i32
    %add3A_1483 = vector.broadcast %add3A_1482 : i32 to vector<16xi32>
    %add3A_1484 = arith.addi %iota3A, %add3A_1483 : vector<16xi32>
    %mul3A_1485 = arith.constant 100000 : i32
    %mul3A_1486 = vector.broadcast %mul3A_1485 : i32 to vector<16xi32>
    %mul3A_1487 = arith.muli %add3A_1484, %mul3A_1486 : vector<16xi32>
    %add3A_1488 = arith.addi %mul3A_1487, %gather3A_1459 : vector<16xi32>
    %swap3A_1489 = arith.constant 15 : i32
    %swap3A_1490 = arith.index_cast %swap3A_1489 : i32 to index
    %swap3A_1491 = arith.constant 96 : index
    %swap3A_1492 = tpu.vector_load %arg6[%swap3A_1490, %swap3A_1491] {strides = array<i32>} : memref<16x128xi32, #tpu.memory_space<vmem>>, vector<16xi32>,
    tpu.vector_store %arg6[%swap3A_1490, %swap3A_1491], %add3A_1488 {strides = array<i32>} : memref<16x128xi32, #tpu.memory_space<vmem>>, vector<16xi32>,
    %add3A_1493 = arith.constant 48 : i32
    %add3A_1494 = vector.broadcast %add3A_1493 : i32 to vector<16xi32>
    %add3A_1495 = arith.addi %iota3A, %add3A_1494 : vector<16xi32>
    %mul3A_1496 = arith.constant 100000 : i32
    %mul3A_1497 = vector.broadcast %mul3A_1496 : i32 to vector<16xi32>
    %mul3A_1498 = arith.muli %add3A_1495, %mul3A_1497 : vector<16xi32>
    %add3A_1499 = arith.addi %mul3A_1498, %gather3A_1459 : vector<16xi32>
    %swap3A_1500 = arith.constant 15 : i32
    %swap3A_1501 = arith.index_cast %swap3A_1500 : i32 to index
    %swap3A_1502 = arith.constant 112 : index
    %swap3A_1503 = tpu.vector_load %arg6[%swap3A_1501, %swap3A_1502] {strides = array<i32>} : memref<16x128xi32, #tpu.memory_space<vmem>>, vector<16xi32>,
    tpu.vector_store %arg6[%swap3A_1501, %swap3A_1502], %add3A_1499 {strides = array<i32>} : memref<16x128xi32, #tpu.memory_space<vmem>>, vector<16xi32>,
    %dma_start3A = arith.constant 0 : i32
    %dma_start3A_1504 = arith.constant 0 : i32
    %dma_start3A_1505 = arith.constant 0 : i32
    %dma_start3A_1506 = tpu.memref_slice %arg7[%dma_start3A_1504, %dma_start3A_1505] : memref<16x128xf32, #tpu.memory_space<vmem>> -> memref<1x128xf32, #tpu.memory_space<vmem>>
    %dma_start3A_1507 = tpu.memref_squeeze %dma_start3A_1506 : memref<1x128xf32, #tpu.memory_space<vmem>> -> memref<128xf32, #tpu.memory_space<vmem>>
    %dma_start3A_1508 = arith.constant 0 : i32
    %dma_start3A_1509 = tpu.memref_slice %arg6[%dma_start3A, %dma_start3A_1508] : memref<16x128xi32, #tpu.memory_space<vmem>> -> memref<1x128xi32, #tpu.memory_space<vmem>>
    %dma_start3A_1510 = tpu.memref_squeeze %dma_start3A_1509 : memref<1x128xi32, #tpu.memory_space<vmem>> -> memref<128xi32, #tpu.memory_space<vmem>>
    %dma_start3A_1511 = arith.constant 0 : i32
    %dma_start3A_1512 = tpu.memref_slice %arg3[%dma_start3A_1511] : memref<6400000xf32, #tpu.memory_space<hbm>> -> memref<6400000xf32, #tpu.memory_space<hbm>>
    tpu.enqueue_indirect_dma source(%dma_start3A_1512 : memref<6400000xf32, #tpu.memory_space<hbm>>) target(%dma_start3A_1507 : memref<128xf32, #tpu.memory_space<vmem>>) offsets(%dma_start3A_1510 : memref<128xi32, #tpu.memory_space<vmem>>) semaphore(%arg8 : memref<!tpu.dma_semaphore, #tpu.memory_space<semaphore_mem>>)
    %dma_start3A_1513 = arith.constant 0 : i32
    %dma_start3A_1514 = arith.constant 0 : i32
    %dma_start3A_1515 = arith.constant 0 : i32
    %dma_start3A_1516 = tpu.memref_slice %arg7[%dma_start3A_1514, %dma_start3A_1515] : memref<16x128xf32, #tpu.memory_space<vmem>> -> memref<1x128xf32, #tpu.memory_space<vmem>>
    %dma_start3A_1517 = tpu.memref_squeeze %dma_start3A_1516 : memref<1x128xf32, #tpu.memory_space<vmem>> -> memref<128xf32, #tpu.memory_space<vmem>>
    %dma_start3A_1518 = arith.constant 0 : i32
    %dma_start3A_1519 = tpu.memref_slice %arg6[%dma_start3A_1513, %dma_start3A_1518] : memref<16x128xi32, #tpu.memory_space<vmem>> -> memref<1x128xi32, #tpu.memory_space<vmem>>
    %dma_start3A_1520 = tpu.memref_squeeze %dma_start3A_1519 : memref<1x128xi32, #tpu.memory_space<vmem>> -> memref<128xi32, #tpu.memory_space<vmem>>
    %dma_start3A_1521 = arith.constant 0 : i32
    %dma_start3A_1522 = tpu.memref_slice %arg3[%dma_start3A_1521] : memref<6400000xf32, #tpu.memory_space<hbm>> -> memref<6400000xf32, #tpu.memory_space<hbm>>
    tpu.enqueue_indirect_dma source(%dma_start3A_1522 : memref<6400000xf32, #tpu.memory_space<hbm>>) target(%dma_start3A_1517 : memref<128xf32, #tpu.memory_space<vmem>>) offsets(%dma_start3A_1520 : memref<128xi32, #tpu.memory_space<vmem>>) semaphore(%arg8 : memref<!tpu.dma_semaphore, #tpu.memory_space<semaphore_mem>>)
    %dma_start3A_1523 = arith.constant 1 : i32
    %dma_start3A_1524 = arith.constant 1 : i32
    %dma_start3A_1525 = arith.constant 0 : i32
    %dma_start3A_1526 = tpu.memref_slice %arg7[%dma_start3A_1524, %dma_start3A_1525] : memref<16x128xf32, #tpu.memory_space<vmem>> -> memref<1x128xf32, #tpu.memory_space<vmem>>
    %dma_start3A_1527 = tpu.memref_squeeze %dma_start3A_1526 : memref<1x128xf32, #tpu.memory_space<vmem>> -> memref<128xf32, #tpu.memory_space<vmem>>
    %dma_start3A_1528 = arith.constant 0 : i32
    %dma_start3A_1529 = tpu.memref_slice %arg6[%dma_start3A_1523, %dma_start3A_1528] : memref<16x128xi32, #tpu.memory_space<vmem>> -> memref<1x128xi32, #tpu.memory_space<vmem>>
    %dma_start3A_1530 = tpu.memref_squeeze %dma_start3A_1529 : memref<1x128xi32, #tpu.memory_space<vmem>> -> memref<128xi32, #tpu.memory_space<vmem>>
    %dma_start3A_1531 = arith.constant 0 : i32
    %dma_start3A_1532 = tpu.memref_slice %arg3[%dma_start3A_1531] : memref<6400000xf32, #tpu.memory_space<hbm>> -> memref<6400000xf32, #tpu.memory_space<hbm>>
    tpu.enqueue_indirect_dma source(%dma_start3A_1532 : memref<6400000xf32, #tpu.memory_space<hbm>>) target(%dma_start3A_1527 : memref<128xf32, #tpu.memory_space<vmem>>) offsets(%dma_start3A_1530 : memref<128xi32, #tpu.memory_space<vmem>>) semaphore(%arg8 : memref<!tpu.dma_semaphore, #tpu.memory_space<semaphore_mem>>)
    %dma_start3A_1533 = arith.constant 1 : i32
    %dma_start3A_1534 = arith.constant 1 : i32
    %dma_start3A_1535 = arith.constant 0 : i32
    %dma_start3A_1536 = tpu.memref_slice %arg7[%dma_start3A_1534, %dma_start3A_1535] : memref<16x128xf32, #tpu.memory_space<vmem>> -> memref<1x128xf32, #tpu.memory_space<vmem>>
    %dma_start3A_1537 = tpu.memref_squeeze %dma_start3A_1536 : memref<1x128xf32, #tpu.memory_space<vmem>> -> memref<128xf32, #tpu.memory_space<vmem>>
    %dma_start3A_1538 = arith.constant 0 : i32
    %dma_start3A_1539 = tpu.memref_slice %arg6[%dma_start3A_1533, %dma_start3A_1538] : memref<16x128xi32, #tpu.memory_space<vmem>> -> memref<1x128xi32, #tpu.memory_space<vmem>>
    %dma_start3A_1540 = tpu.memref_squeeze %dma_start3A_1539 : memref<1x128xi32, #tpu.memory_space<vmem>> -> memref<128xi32, #tpu.memory_space<vmem>>
    %dma_start3A_1541 = arith.constant 0 : i32
    %dma_start3A_1542 = tpu.memref_slice %arg3[%dma_start3A_1541] : memref<6400000xf32, #tpu.memory_space<hbm>> -> memref<6400000xf32, #tpu.memory_space<hbm>>
    tpu.enqueue_indirect_dma source(%dma_start3A_1542 : memref<6400000xf32, #tpu.memory_space<hbm>>) target(%dma_start3A_1537 : memref<128xf32, #tpu.memory_space<vmem>>) offsets(%dma_start3A_1540 : memref<128xi32, #tpu.memory_space<vmem>>) semaphore(%arg8 : memref<!tpu.dma_semaphore, #tpu.memory_space<semaphore_mem>>)
    %dma_start3A_1543 = arith.constant 2 : i32
    %dma_start3A_1544 = arith.constant 2 : i32
    %dma_start3A_1545 = arith.constant 0 : i32
    %dma_start3A_1546 = tpu.memref_slice %arg7[%dma_start3A_1544, %dma_start3A_1545] : memref<16x128xf32, #tpu.memory_space<vmem>> -> memref<1x128xf32, #tpu.memory_space<vmem>>
    %dma_start3A_1547 = tpu.memref_squeeze %dma_start3A_1546 : memref<1x128xf32, #tpu.memory_space<vmem>> -> memref<128xf32, #tpu.memory_space<vmem>>
    %dma_start3A_1548 = arith.constant 0 : i32
    %dma_start3A_1549 = tpu.memref_slice %arg6[%dma_start3A_1543, %dma_start3A_1548] : memref<16x128xi32, #tpu.memory_space<vmem>> -> memref<1x128xi32, #tpu.memory_space<vmem>>
    %dma_start3A_1550 = tpu.memref_squeeze %dma_start3A_1549 : memref<1x128xi32, #tpu.memory_space<vmem>> -> memref<128xi32, #tpu.memory_space<vmem>>
    %dma_start3A_1551 = arith.constant 0 : i32
    %dma_start3A_1552 = tpu.memref_slice %arg3[%dma_start3A_1551] : memref<6400000xf32, #tpu.memory_space<hbm>> -> memref<6400000xf32, #tpu.memory_space<hbm>>
    tpu.enqueue_indirect_dma source(%dma_start3A_1552 : memref<6400000xf32, #tpu.memory_space<hbm>>) target(%dma_start3A_1547 : memref<128xf32, #tpu.memory_space<vmem>>) offsets(%dma_start3A_1550 : memref<128xi32, #tpu.memory_space<vmem>>) semaphore(%arg8 : memref<!tpu.dma_semaphore, #tpu.memory_space<semaphore_mem>>)
    %dma_start3A_1553 = arith.constant 2 : i32
    %dma_start3A_1554 = arith.constant 2 : i32
    %dma_start3A_1555 = arith.constant 0 : i32
    %dma_start3A_1556 = tpu.memref_slice %arg7[%dma_start3A_1554, %dma_start3A_1555] : memref<16x128xf32, #tpu.memory_space<vmem>> -> memref<1x128xf32, #tpu.memory_space<vmem>>
    %dma_start3A_1557 = tpu.memref_squeeze %dma_start3A_1556 : memref<1x128xf32, #tpu.memory_space<vmem>> -> memref<128xf32, #tpu.memory_space<vmem>>
    %dma_start3A_1558 = arith.constant 0 : i32
    %dma_start3A_1559 = tpu.memref_slice %arg6[%dma_start3A_1553, %dma_start3A_1558] : memref<16x128xi32, #tpu.memory_space<vmem>> -> memref<1x128xi32, #tpu.memory_space<vmem>>
    %dma_start3A_1560 = tpu.memref_squeeze %dma_start3A_1559 : memref<1x128xi32, #tpu.memory_space<vmem>> -> memref<128xi32, #tpu.memory_space<vmem>>
    %dma_start3A_1561 = arith.constant 0 : i32
    %dma_start3A_1562 = tpu.memref_slice %arg3[%dma_start3A_1561] : memref<6400000xf32, #tpu.memory_space<hbm>> -> memref<6400000xf32, #tpu.memory_space<hbm>>
    tpu.enqueue_indirect_dma source(%dma_start3A_1562 : memref<6400000xf32, #tpu.memory_space<hbm>>) target(%dma_start3A_1557 : memref<128xf32, #tpu.memory_space<vmem>>) offsets(%dma_start3A_1560 : memref<128xi32, #tpu.memory_space<vmem>>) semaphore(%arg8 : memref<!tpu.dma_semaphore, #tpu.memory_space<semaphore_mem>>)
    %dma_start3A_1563 = arith.constant 3 : i32
    %dma_start3A_1564 = arith.constant 3 : i32
    %dma_start3A_1565 = arith.constant 0 : i32
    %dma_start3A_1566 = tpu.memref_slice %arg7[%dma_start3A_1564, %dma_start3A_1565] : memref<16x128xf32, #tpu.memory_space<vmem>> -> memref<1x128xf32, #tpu.memory_space<vmem>>
    %dma_start3A_1567 = tpu.memref_squeeze %dma_start3A_1566 : memref<1x128xf32, #tpu.memory_space<vmem>> -> memref<128xf32, #tpu.memory_space<vmem>>
    %dma_start3A_1568 = arith.constant 0 : i32
    %dma_start3A_1569 = tpu.memref_slice %arg6[%dma_start3A_1563, %dma_start3A_1568] : memref<16x128xi32, #tpu.memory_space<vmem>> -> memref<1x128xi32, #tpu.memory_space<vmem>>
    %dma_start3A_1570 = tpu.memref_squeeze %dma_start3A_1569 : memref<1x128xi32, #tpu.memory_space<vmem>> -> memref<128xi32, #tpu.memory_space<vmem>>
    %dma_start3A_1571 = arith.constant 0 : i32
    %dma_start3A_1572 = tpu.memref_slice %arg3[%dma_start3A_1571] : memref<6400000xf32, #tpu.memory_space<hbm>> -> memref<6400000xf32, #tpu.memory_space<hbm>>
    tpu.enqueue_indirect_dma source(%dma_start3A_1572 : memref<6400000xf32, #tpu.memory_space<hbm>>) target(%dma_start3A_1567 : memref<128xf32, #tpu.memory_space<vmem>>) offsets(%dma_start3A_1570 : memref<128xi32, #tpu.memory_space<vmem>>) semaphore(%arg8 : memref<!tpu.dma_semaphore, #tpu.memory_space<semaphore_mem>>)
    %dma_start3A_1573 = arith.constant 3 : i32
    %dma_start3A_1574 = arith.constant 3 : i32
    %dma_start3A_1575 = arith.constant 0 : i32
    %dma_start3A_1576 = tpu.memref_slice %arg7[%dma_start3A_1574, %dma_start3A_1575] : memref<16x128xf32, #tpu.memory_space<vmem>> -> memref<1x128xf32, #tpu.memory_space<vmem>>
    %dma_start3A_1577 = tpu.memref_squeeze %dma_start3A_1576 : memref<1x128xf32, #tpu.memory_space<vmem>> -> memref<128xf32, #tpu.memory_space<vmem>>
    %dma_start3A_1578 = arith.constant 0 : i32
    %dma_start3A_1579 = tpu.memref_slice %arg6[%dma_start3A_1573, %dma_start3A_1578] : memref<16x128xi32, #tpu.memory_space<vmem>> -> memref<1x128xi32, #tpu.memory_space<vmem>>
    %dma_start3A_1580 = tpu.memref_squeeze %dma_start3A_1579 : memref<1x128xi32, #tpu.memory_space<vmem>> -> memref<128xi32, #tpu.memory_space<vmem>>
    %dma_start3A_1581 = arith.constant 0 : i32
    %dma_start3A_1582 = tpu.memref_slice %arg3[%dma_start3A_1581] : memref<6400000xf32, #tpu.memory_space<hbm>> -> memref<6400000xf32, #tpu.memory_space<hbm>>
    tpu.enqueue_indirect_dma source(%dma_start3A_1582 : memref<6400000xf32, #tpu.memory_space<hbm>>) target(%dma_start3A_1577 : memref<128xf32, #tpu.memory_space<vmem>>) offsets(%dma_start3A_1580 : memref<128xi32, #tpu.memory_space<vmem>>) semaphore(%arg8 : memref<!tpu.dma_semaphore, #tpu.memory_space<semaphore_mem>>)
    %dma_start3A_1583 = arith.constant 4 : i32
    %dma_start3A_1584 = arith.constant 4 : i32
    %dma_start3A_1585 = arith.constant 0 : i32
    %dma_start3A_1586 = tpu.memref_slice %arg7[%dma_start3A_1584, %dma_start3A_1585] : memref<16x128xf32, #tpu.memory_space<vmem>> -> memref<1x128xf32, #tpu.memory_space<vmem>>
    %dma_start3A_1587 = tpu.memref_squeeze %dma_start3A_1586 : memref<1x128xf32, #tpu.memory_space<vmem>> -> memref<128xf32, #tpu.memory_space<vmem>>
    %dma_start3A_1588 = arith.constant 0 : i32
    %dma_start3A_1589 = tpu.memref_slice %arg6[%dma_start3A_1583, %dma_start3A_1588] : memref<16x128xi32, #tpu.memory_space<vmem>> -> memref<1x128xi32, #tpu.memory_space<vmem>>
    %dma_start3A_1590 = tpu.memref_squeeze %dma_start3A_1589 : memref<1x128xi32, #tpu.memory_space<vmem>> -> memref<128xi32, #tpu.memory_space<vmem>>
    %dma_start3A_1591 = arith.constant 0 : i32
    %dma_start3A_1592 = tpu.memref_slice %arg3[%dma_start3A_1591] : memref<6400000xf32, #tpu.memory_space<hbm>> -> memref<6400000xf32, #tpu.memory_space<hbm>>
    tpu.enqueue_indirect_dma source(%dma_start3A_1592 : memref<6400000xf32, #tpu.memory_space<hbm>>) target(%dma_start3A_1587 : memref<128xf32, #tpu.memory_space<vmem>>) offsets(%dma_start3A_1590 : memref<128xi32, #tpu.memory_space<vmem>>) semaphore(%arg8 : memref<!tpu.dma_semaphore, #tpu.memory_space<semaphore_mem>>)
    %dma_start3A_1593 = arith.constant 4 : i32
    %dma_start3A_1594 = arith.constant 4 : i32
    %dma_start3A_1595 = arith.constant 0 : i32
    %dma_start3A_1596 = tpu.memref_slice %arg7[%dma_start3A_1594, %dma_start3A_1595] : memref<16x128xf32, #tpu.memory_space<vmem>> -> memref<1x128xf32, #tpu.memory_space<vmem>>
    %dma_start3A_1597 = tpu.memref_squeeze %dma_start3A_1596 : memref<1x128xf32, #tpu.memory_space<vmem>> -> memref<128xf32, #tpu.memory_space<vmem>>
    %dma_start3A_1598 = arith.constant 0 : i32
    %dma_start3A_1599 = tpu.memref_slice %arg6[%dma_start3A_1593, %dma_start3A_1598] : memref<16x128xi32, #tpu.memory_space<vmem>> -> memref<1x128xi32, #tpu.memory_space<vmem>>
    %dma_start3A_1600 = tpu.memref_squeeze %dma_start3A_1599 : memref<1x128xi32, #tpu.memory_space<vmem>> -> memref<128xi32, #tpu.memory_space<vmem>>
    %dma_start3A_1601 = arith.constant 0 : i32
    %dma_start3A_1602 = tpu.memref_slice %arg3[%dma_start3A_1601] : memref<6400000xf32, #tpu.memory_space<hbm>> -> memref<6400000xf32, #tpu.memory_space<hbm>>
    tpu.enqueue_indirect_dma source(%dma_start3A_1602 : memref<6400000xf32, #tpu.memory_space<hbm>>) target(%dma_start3A_1597 : memref<128xf32, #tpu.memory_space<vmem>>) offsets(%dma_start3A_1600 : memref<128xi32, #tpu.memory_space<vmem>>) semaphore(%arg8 : memref<!tpu.dma_semaphore, #tpu.memory_space<semaphore_mem>>)
    %dma_start3A_1603 = arith.constant 5 : i32
    %dma_start3A_1604 = arith.constant 5 : i32
    %dma_start3A_1605 = arith.constant 0 : i32
    %dma_start3A_1606 = tpu.memref_slice %arg7[%dma_start3A_1604, %dma_start3A_1605] : memref<16x128xf32, #tpu.memory_space<vmem>> -> memref<1x128xf32, #tpu.memory_space<vmem>>
    %dma_start3A_1607 = tpu.memref_squeeze %dma_start3A_1606 : memref<1x128xf32, #tpu.memory_space<vmem>> -> memref<128xf32, #tpu.memory_space<vmem>>
    %dma_start3A_1608 = arith.constant 0 : i32
    %dma_start3A_1609 = tpu.memref_slice %arg6[%dma_start3A_1603, %dma_start3A_1608] : memref<16x128xi32, #tpu.memory_space<vmem>> -> memref<1x128xi32, #tpu.memory_space<vmem>>
    %dma_start3A_1610 = tpu.memref_squeeze %dma_start3A_1609 : memref<1x128xi32, #tpu.memory_space<vmem>> -> memref<128xi32, #tpu.memory_space<vmem>>
    %dma_start3A_1611 = arith.constant 0 : i32
    %dma_start3A_1612 = tpu.memref_slice %arg3[%dma_start3A_1611] : memref<6400000xf32, #tpu.memory_space<hbm>> -> memref<6400000xf32, #tpu.memory_space<hbm>>
    tpu.enqueue_indirect_dma source(%dma_start3A_1612 : memref<6400000xf32, #tpu.memory_space<hbm>>) target(%dma_start3A_1607 : memref<128xf32, #tpu.memory_space<vmem>>) offsets(%dma_start3A_1610 : memref<128xi32, #tpu.memory_space<vmem>>) semaphore(%arg8 : memref<!tpu.dma_semaphore, #tpu.memory_space<semaphore_mem>>)
    %dma_start3A_1613 = arith.constant 5 : i32
    %dma_start3A_1614 = arith.constant 5 : i32
    %dma_start3A_1615 = arith.constant 0 : i32
    %dma_start3A_1616 = tpu.memref_slice %arg7[%dma_start3A_1614, %dma_start3A_1615] : memref<16x128xf32, #tpu.memory_space<vmem>> -> memref<1x128xf32, #tpu.memory_space<vmem>>
    %dma_start3A_1617 = tpu.memref_squeeze %dma_start3A_1616 : memref<1x128xf32, #tpu.memory_space<vmem>> -> memref<128xf32, #tpu.memory_space<vmem>>
    %dma_start3A_1618 = arith.constant 0 : i32
    %dma_start3A_1619 = tpu.memref_slice %arg6[%dma_start3A_1613, %dma_start3A_1618] : memref<16x128xi32, #tpu.memory_space<vmem>> -> memref<1x128xi32, #tpu.memory_space<vmem>>
    %dma_start3A_1620 = tpu.memref_squeeze %dma_start3A_1619 : memref<1x128xi32, #tpu.memory_space<vmem>> -> memref<128xi32, #tpu.memory_space<vmem>>
    %dma_start3A_1621 = arith.constant 0 : i32
    %dma_start3A_1622 = tpu.memref_slice %arg3[%dma_start3A_1621] : memref<6400000xf32, #tpu.memory_space<hbm>> -> memref<6400000xf32, #tpu.memory_space<hbm>>
    tpu.enqueue_indirect_dma source(%dma_start3A_1622 : memref<6400000xf32, #tpu.memory_space<hbm>>) target(%dma_start3A_1617 : memref<128xf32, #tpu.memory_space<vmem>>) offsets(%dma_start3A_1620 : memref<128xi32, #tpu.memory_space<vmem>>) semaphore(%arg8 : memref<!tpu.dma_semaphore, #tpu.memory_space<semaphore_mem>>)
    %dma_start3A_1623 = arith.constant 6 : i32
    %dma_start3A_1624 = arith.constant 6 : i32
    %dma_start3A_1625 = arith.constant 0 : i32
    %dma_start3A_1626 = tpu.memref_slice %arg7[%dma_start3A_1624, %dma_start3A_1625] : memref<16x128xf32, #tpu.memory_space<vmem>> -> memref<1x128xf32, #tpu.memory_space<vmem>>
    %dma_start3A_1627 = tpu.memref_squeeze %dma_start3A_1626 : memref<1x128xf32, #tpu.memory_space<vmem>> -> memref<128xf32, #tpu.memory_space<vmem>>
    %dma_start3A_1628 = arith.constant 0 : i32
    %dma_start3A_1629 = tpu.memref_slice %arg6[%dma_start3A_1623, %dma_start3A_1628] : memref<16x128xi32, #tpu.memory_space<vmem>> -> memref<1x128xi32, #tpu.memory_space<vmem>>
    %dma_start3A_1630 = tpu.memref_squeeze %dma_start3A_1629 : memref<1x128xi32, #tpu.memory_space<vmem>> -> memref<128xi32, #tpu.memory_space<vmem>>
    %dma_start3A_1631 = arith.constant 0 : i32
    %dma_start3A_1632 = tpu.memref_slice %arg3[%dma_start3A_1631] : memref<6400000xf32, #tpu.memory_space<hbm>> -> memref<6400000xf32, #tpu.memory_space<hbm>>
    tpu.enqueue_indirect_dma source(%dma_start3A_1632 : memref<6400000xf32, #tpu.memory_space<hbm>>) target(%dma_start3A_1627 : memref<128xf32, #tpu.memory_space<vmem>>) offsets(%dma_start3A_1630 : memref<128xi32, #tpu.memory_space<vmem>>) semaphore(%arg8 : memref<!tpu.dma_semaphore, #tpu.memory_space<semaphore_mem>>)
    %dma_start3A_1633 = arith.constant 6 : i32
    %dma_start3A_1634 = arith.constant 6 : i32
    %dma_start3A_1635 = arith.constant 0 : i32
    %dma_start3A_1636 = tpu.memref_slice %arg7[%dma_start3A_1634, %dma_start3A_1635] : memref<16x128xf32, #tpu.memory_space<vmem>> -> memref<1x128xf32, #tpu.memory_space<vmem>>
    %dma_start3A_1637 = tpu.memref_squeeze %dma_start3A_1636 : memref<1x128xf32, #tpu.memory_space<vmem>> -> memref<128xf32, #tpu.memory_space<vmem>>
    %dma_start3A_1638 = arith.constant 0 : i32
    %dma_start3A_1639 = tpu.memref_slice %arg6[%dma_start3A_1633, %dma_start3A_1638] : memref<16x128xi32, #tpu.memory_space<vmem>> -> memref<1x128xi32, #tpu.memory_space<vmem>>
    %dma_start3A_1640 = tpu.memref_squeeze %dma_start3A_1639 : memref<1x128xi32, #tpu.memory_space<vmem>> -> memref<128xi32, #tpu.memory_space<vmem>>
    %dma_start3A_1641 = arith.constant 0 : i32
    %dma_start3A_1642 = tpu.memref_slice %arg3[%dma_start3A_1641] : memref<6400000xf32, #tpu.memory_space<hbm>> -> memref<6400000xf32, #tpu.memory_space<hbm>>
    tpu.enqueue_indirect_dma source(%dma_start3A_1642 : memref<6400000xf32, #tpu.memory_space<hbm>>) target(%dma_start3A_1637 : memref<128xf32, #tpu.memory_space<vmem>>) offsets(%dma_start3A_1640 : memref<128xi32, #tpu.memory_space<vmem>>) semaphore(%arg8 : memref<!tpu.dma_semaphore, #tpu.memory_space<semaphore_mem>>)
    %dma_start3A_1643 = arith.constant 7 : i32
    %dma_start3A_1644 = arith.constant 7 : i32
    %dma_start3A_1645 = arith.constant 0 : i32
    %dma_start3A_1646 = tpu.memref_slice %arg7[%dma_start3A_1644, %dma_start3A_1645] : memref<16x128xf32, #tpu.memory_space<vmem>> -> memref<1x128xf32, #tpu.memory_space<vmem>>
    %dma_start3A_1647 = tpu.memref_squeeze %dma_start3A_1646 : memref<1x128xf32, #tpu.memory_space<vmem>> -> memref<128xf32, #tpu.memory_space<vmem>>
    %dma_start3A_1648 = arith.constant 0 : i32
    %dma_start3A_1649 = tpu.memref_slice %arg6[%dma_start3A_1643, %dma_start3A_1648] : memref<16x128xi32, #tpu.memory_space<vmem>> -> memref<1x128xi32, #tpu.memory_space<vmem>>
    %dma_start3A_1650 = tpu.memref_squeeze %dma_start3A_1649 : memref<1x128xi32, #tpu.memory_space<vmem>> -> memref<128xi32, #tpu.memory_space<vmem>>
    %dma_start3A_1651 = arith.constant 0 : i32
    %dma_start3A_1652 = tpu.memref_slice %arg3[%dma_start3A_1651] : memref<6400000xf32, #tpu.memory_space<hbm>> -> memref<6400000xf32, #tpu.memory_space<hbm>>
    tpu.enqueue_indirect_dma source(%dma_start3A_1652 : memref<6400000xf32, #tpu.memory_space<hbm>>) target(%dma_start3A_1647 : memref<128xf32, #tpu.memory_space<vmem>>) offsets(%dma_start3A_1650 : memref<128xi32, #tpu.memory_space<vmem>>) semaphore(%arg8 : memref<!tpu.dma_semaphore, #tpu.memory_space<semaphore_mem>>)
    %dma_start3A_1653 = arith.constant 7 : i32
    %dma_start3A_1654 = arith.constant 7 : i32
    %dma_start3A_1655 = arith.constant 0 : i32
    %dma_start3A_1656 = tpu.memref_slice %arg7[%dma_start3A_1654, %dma_start3A_1655] : memref<16x128xf32, #tpu.memory_space<vmem>> -> memref<1x128xf32, #tpu.memory_space<vmem>>
    %dma_start3A_1657 = tpu.memref_squeeze %dma_start3A_1656 : memref<1x128xf32, #tpu.memory_space<vmem>> -> memref<128xf32, #tpu.memory_space<vmem>>
    %dma_start3A_1658 = arith.constant 0 : i32
    %dma_start3A_1659 = tpu.memref_slice %arg6[%dma_start3A_1653, %dma_start3A_1658] : memref<16x128xi32, #tpu.memory_space<vmem>> -> memref<1x128xi32, #tpu.memory_space<vmem>>
    %dma_start3A_1660 = tpu.memref_squeeze %dma_start3A_1659 : memref<1x128xi32, #tpu.memory_space<vmem>> -> memref<128xi32, #tpu.memory_space<vmem>>
    %dma_start3A_1661 = arith.constant 0 : i32
    %dma_start3A_1662 = tpu.memref_slice %arg3[%dma_start3A_1661] : memref<6400000xf32, #tpu.memory_space<hbm>> -> memref<6400000xf32, #tpu.memory_space<hbm>>
    tpu.enqueue_indirect_dma source(%dma_start3A_1662 : memref<6400000xf32, #tpu.memory_space<hbm>>) target(%dma_start3A_1657 : memref<128xf32, #tpu.memory_space<vmem>>) offsets(%dma_start3A_1660 : memref<128xi32, #tpu.memory_space<vmem>>) semaphore(%arg8 : memref<!tpu.dma_semaphore, #tpu.memory_space<semaphore_mem>>)
    %dma_start3A_1663 = arith.constant 8 : i32
    %dma_start3A_1664 = arith.constant 8 : i32
    %dma_start3A_1665 = arith.constant 0 : i32
    %dma_start3A_1666 = tpu.memref_slice %arg7[%dma_start3A_1664, %dma_start3A_1665] : memref<16x128xf32, #tpu.memory_space<vmem>> -> memref<1x128xf32, #tpu.memory_space<vmem>>
    %dma_start3A_1667 = tpu.memref_squeeze %dma_start3A_1666 : memref<1x128xf32, #tpu.memory_space<vmem>> -> memref<128xf32, #tpu.memory_space<vmem>>
    %dma_start3A_1668 = arith.constant 0 : i32
    %dma_start3A_1669 = tpu.memref_slice %arg6[%dma_start3A_1663, %dma_start3A_1668] : memref<16x128xi32, #tpu.memory_space<vmem>> -> memref<1x128xi32, #tpu.memory_space<vmem>>
    %dma_start3A_1670 = tpu.memref_squeeze %dma_start3A_1669 : memref<1x128xi32, #tpu.memory_space<vmem>> -> memref<128xi32, #tpu.memory_space<vmem>>
    %dma_start3A_1671 = arith.constant 0 : i32
    %dma_start3A_1672 = tpu.memref_slice %arg3[%dma_start3A_1671] : memref<6400000xf32, #tpu.memory_space<hbm>> -> memref<6400000xf32, #tpu.memory_space<hbm>>
    tpu.enqueue_indirect_dma source(%dma_start3A_1672 : memref<6400000xf32, #tpu.memory_space<hbm>>) target(%dma_start3A_1667 : memref<128xf32, #tpu.memory_space<vmem>>) offsets(%dma_start3A_1670 : memref<128xi32, #tpu.memory_space<vmem>>) semaphore(%arg8 : memref<!tpu.dma_semaphore, #tpu.memory_space<semaphore_mem>>)
    %dma_start3A_1673 = arith.constant 8 : i32
    %dma_start3A_1674 = arith.constant 8 : i32
    %dma_start3A_1675 = arith.constant 0 : i32
    %dma_start3A_1676 = tpu.memref_slice %arg7[%dma_start3A_1674, %dma_start3A_1675] : memref<16x128xf32, #tpu.memory_space<vmem>> -> memref<1x128xf32, #tpu.memory_space<vmem>>
    %dma_start3A_1677 = tpu.memref_squeeze %dma_start3A_1676 : memref<1x128xf32, #tpu.memory_space<vmem>> -> memref<128xf32, #tpu.memory_space<vmem>>
    %dma_start3A_1678 = arith.constant 0 : i32
    %dma_start3A_1679 = tpu.memref_slice %arg6[%dma_start3A_1673, %dma_start3A_1678] : memref<16x128xi32, #tpu.memory_space<vmem>> -> memref<1x128xi32, #tpu.memory_space<vmem>>
    %dma_start3A_1680 = tpu.memref_squeeze %dma_start3A_1679 : memref<1x128xi32, #tpu.memory_space<vmem>> -> memref<128xi32, #tpu.memory_space<vmem>>
    %dma_start3A_1681 = arith.constant 0 : i32
    %dma_start3A_1682 = tpu.memref_slice %arg3[%dma_start3A_1681] : memref<6400000xf32, #tpu.memory_space<hbm>> -> memref<6400000xf32, #tpu.memory_space<hbm>>
    tpu.enqueue_indirect_dma source(%dma_start3A_1682 : memref<6400000xf32, #tpu.memory_space<hbm>>) target(%dma_start3A_1677 : memref<128xf32, #tpu.memory_space<vmem>>) offsets(%dma_start3A_1680 : memref<128xi32, #tpu.memory_space<vmem>>) semaphore(%arg8 : memref<!tpu.dma_semaphore, #tpu.memory_space<semaphore_mem>>)
    %dma_start3A_1683 = arith.constant 9 : i32
    %dma_start3A_1684 = arith.constant 9 : i32
    %dma_start3A_1685 = arith.constant 0 : i32
    %dma_start3A_1686 = tpu.memref_slice %arg7[%dma_start3A_1684, %dma_start3A_1685] : memref<16x128xf32, #tpu.memory_space<vmem>> -> memref<1x128xf32, #tpu.memory_space<vmem>>
    %dma_start3A_1687 = tpu.memref_squeeze %dma_start3A_1686 : memref<1x128xf32, #tpu.memory_space<vmem>> -> memref<128xf32, #tpu.memory_space<vmem>>
    %dma_start3A_1688 = arith.constant 0 : i32
    %dma_start3A_1689 = tpu.memref_slice %arg6[%dma_start3A_1683, %dma_start3A_1688] : memref<16x128xi32, #tpu.memory_space<vmem>> -> memref<1x128xi32, #tpu.memory_space<vmem>>
    %dma_start3A_1690 = tpu.memref_squeeze %dma_start3A_1689 : memref<1x128xi32, #tpu.memory_space<vmem>> -> memref<128xi32, #tpu.memory_space<vmem>>
    %dma_start3A_1691 = arith.constant 0 : i32
    %dma_start3A_1692 = tpu.memref_slice %arg3[%dma_start3A_1691] : memref<6400000xf32, #tpu.memory_space<hbm>> -> memref<6400000xf32, #tpu.memory_space<hbm>>
    tpu.enqueue_indirect_dma source(%dma_start3A_1692 : memref<6400000xf32, #tpu.memory_space<hbm>>) target(%dma_start3A_1687 : memref<128xf32, #tpu.memory_space<vmem>>) offsets(%dma_start3A_1690 : memref<128xi32, #tpu.memory_space<vmem>>) semaphore(%arg8 : memref<!tpu.dma_semaphore, #tpu.memory_space<semaphore_mem>>)
    %dma_start3A_1693 = arith.constant 9 : i32
    %dma_start3A_1694 = arith.constant 9 : i32
    %dma_start3A_1695 = arith.constant 0 : i32
    %dma_start3A_1696 = tpu.memref_slice %arg7[%dma_start3A_1694, %dma_start3A_1695] : memref<16x128xf32, #tpu.memory_space<vmem>> -> memref<1x128xf32, #tpu.memory_space<vmem>>
    %dma_start3A_1697 = tpu.memref_squeeze %dma_start3A_1696 : memref<1x128xf32, #tpu.memory_space<vmem>> -> memref<128xf32, #tpu.memory_space<vmem>>
    %dma_start3A_1698 = arith.constant 0 : i32
    %dma_start3A_1699 = tpu.memref_slice %arg6[%dma_start3A_1693, %dma_start3A_1698] : memref<16x128xi32, #tpu.memory_space<vmem>> -> memref<1x128xi32, #tpu.memory_space<vmem>>
    %dma_start3A_1700 = tpu.memref_squeeze %dma_start3A_1699 : memref<1x128xi32, #tpu.memory_space<vmem>> -> memref<128xi32, #tpu.memory_space<vmem>>
    %dma_start3A_1701 = arith.constant 0 : i32
    %dma_start3A_1702 = tpu.memref_slice %arg3[%dma_start3A_1701] : memref<6400000xf32, #tpu.memory_space<hbm>> -> memref<6400000xf32, #tpu.memory_space<hbm>>
    tpu.enqueue_indirect_dma source(%dma_start3A_1702 : memref<6400000xf32, #tpu.memory_space<hbm>>) target(%dma_start3A_1697 : memref<128xf32, #tpu.memory_space<vmem>>) offsets(%dma_start3A_1700 : memref<128xi32, #tpu.memory_space<vmem>>) semaphore(%arg8 : memref<!tpu.dma_semaphore, #tpu.memory_space<semaphore_mem>>)
    %dma_start3A_1703 = arith.constant 10 : i32
    %dma_start3A_1704 = arith.constant 10 : i32
    %dma_start3A_1705 = arith.constant 0 : i32
    %dma_start3A_1706 = tpu.memref_slice %arg7[%dma_start3A_1704, %dma_start3A_1705] : memref<16x128xf32, #tpu.memory_space<vmem>> -> memref<1x128xf32, #tpu.memory_space<vmem>>
    %dma_start3A_1707 = tpu.memref_squeeze %dma_start3A_1706 : memref<1x128xf32, #tpu.memory_space<vmem>> -> memref<128xf32, #tpu.memory_space<vmem>>
    %dma_start3A_1708 = arith.constant 0 : i32
    %dma_start3A_1709 = tpu.memref_slice %arg6[%dma_start3A_1703, %dma_start3A_1708] : memref<16x128xi32, #tpu.memory_space<vmem>> -> memref<1x128xi32, #tpu.memory_space<vmem>>
    %dma_start3A_1710 = tpu.memref_squeeze %dma_start3A_1709 : memref<1x128xi32, #tpu.memory_space<vmem>> -> memref<128xi32, #tpu.memory_space<vmem>>
    %dma_start3A_1711 = arith.constant 0 : i32
    %dma_start3A_1712 = tpu.memref_slice %arg3[%dma_start3A_1711] : memref<6400000xf32, #tpu.memory_space<hbm>> -> memref<6400000xf32, #tpu.memory_space<hbm>>
    tpu.enqueue_indirect_dma source(%dma_start3A_1712 : memref<6400000xf32, #tpu.memory_space<hbm>>) target(%dma_start3A_1707 : memref<128xf32, #tpu.memory_space<vmem>>) offsets(%dma_start3A_1710 : memref<128xi32, #tpu.memory_space<vmem>>) semaphore(%arg8 : memref<!tpu.dma_semaphore, #tpu.memory_space<semaphore_mem>>)
    %dma_start3A_1713 = arith.constant 10 : i32
    %dma_start3A_1714 = arith.constant 10 : i32
    %dma_start3A_1715 = arith.constant 0 : i32
    %dma_start3A_1716 = tpu.memref_slice %arg7[%dma_start3A_1714, %dma_start3A_1715] : memref<16x128xf32, #tpu.memory_space<vmem>> -> memref<1x128xf32, #tpu.memory_space<vmem>>
    %dma_start3A_1717 = tpu.memref_squeeze %dma_start3A_1716 : memref<1x128xf32, #tpu.memory_space<vmem>> -> memref<128xf32, #tpu.memory_space<vmem>>
    %dma_start3A_1718 = arith.constant 0 : i32
    %dma_start3A_1719 = tpu.memref_slice %arg6[%dma_start3A_1713, %dma_start3A_1718] : memref<16x128xi32, #tpu.memory_space<vmem>> -> memref<1x128xi32, #tpu.memory_space<vmem>>
    %dma_start3A_1720 = tpu.memref_squeeze %dma_start3A_1719 : memref<1x128xi32, #tpu.memory_space<vmem>> -> memref<128xi32, #tpu.memory_space<vmem>>
    %dma_start3A_1721 = arith.constant 0 : i32
    %dma_start3A_1722 = tpu.memref_slice %arg3[%dma_start3A_1721] : memref<6400000xf32, #tpu.memory_space<hbm>> -> memref<6400000xf32, #tpu.memory_space<hbm>>
    tpu.enqueue_indirect_dma source(%dma_start3A_1722 : memref<6400000xf32, #tpu.memory_space<hbm>>) target(%dma_start3A_1717 : memref<128xf32, #tpu.memory_space<vmem>>) offsets(%dma_start3A_1720 : memref<128xi32, #tpu.memory_space<vmem>>) semaphore(%arg8 : memref<!tpu.dma_semaphore, #tpu.memory_space<semaphore_mem>>)
    %dma_start3A_1723 = arith.constant 11 : i32
    %dma_start3A_1724 = arith.constant 11 : i32
    %dma_start3A_1725 = arith.constant 0 : i32
    %dma_start3A_1726 = tpu.memref_slice %arg7[%dma_start3A_1724, %dma_start3A_1725] : memref<16x128xf32, #tpu.memory_space<vmem>> -> memref<1x128xf32, #tpu.memory_space<vmem>>
    %dma_start3A_1727 = tpu.memref_squeeze %dma_start3A_1726 : memref<1x128xf32, #tpu.memory_space<vmem>> -> memref<128xf32, #tpu.memory_space<vmem>>
    %dma_start3A_1728 = arith.constant 0 : i32
    %dma_start3A_1729 = tpu.memref_slice %arg6[%dma_start3A_1723, %dma_start3A_1728] : memref<16x128xi32, #tpu.memory_space<vmem>> -> memref<1x128xi32, #tpu.memory_space<vmem>>
    %dma_start3A_1730 = tpu.memref_squeeze %dma_start3A_1729 : memref<1x128xi32, #tpu.memory_space<vmem>> -> memref<128xi32, #tpu.memory_space<vmem>>
    %dma_start3A_1731 = arith.constant 0 : i32
    %dma_start3A_1732 = tpu.memref_slice %arg3[%dma_start3A_1731] : memref<6400000xf32, #tpu.memory_space<hbm>> -> memref<6400000xf32, #tpu.memory_space<hbm>>
    tpu.enqueue_indirect_dma source(%dma_start3A_1732 : memref<6400000xf32, #tpu.memory_space<hbm>>) target(%dma_start3A_1727 : memref<128xf32, #tpu.memory_space<vmem>>) offsets(%dma_start3A_1730 : memref<128xi32, #tpu.memory_space<vmem>>) semaphore(%arg8 : memref<!tpu.dma_semaphore, #tpu.memory_space<semaphore_mem>>)
    %dma_start3A_1733 = arith.constant 11 : i32
    %dma_start3A_1734 = arith.constant 11 : i32
    %dma_start3A_1735 = arith.constant 0 : i32
    %dma_start3A_1736 = tpu.memref_slice %arg7[%dma_start3A_1734, %dma_start3A_1735] : memref<16x128xf32, #tpu.memory_space<vmem>> -> memref<1x128xf32, #tpu.memory_space<vmem>>
    %dma_start3A_1737 = tpu.memref_squeeze %dma_start3A_1736 : memref<1x128xf32, #tpu.memory_space<vmem>> -> memref<128xf32, #tpu.memory_space<vmem>>
    %dma_start3A_1738 = arith.constant 0 : i32
    %dma_start3A_1739 = tpu.memref_slice %arg6[%dma_start3A_1733, %dma_start3A_1738] : memref<16x128xi32, #tpu.memory_space<vmem>> -> memref<1x128xi32, #tpu.memory_space<vmem>>
    %dma_start3A_1740 = tpu.memref_squeeze %dma_start3A_1739 : memref<1x128xi32, #tpu.memory_space<vmem>> -> memref<128xi32, #tpu.memory_space<vmem>>
    %dma_start3A_1741 = arith.constant 0 : i32
    %dma_start3A_1742 = tpu.memref_slice %arg3[%dma_start3A_1741] : memref<6400000xf32, #tpu.memory_space<hbm>> -> memref<6400000xf32, #tpu.memory_space<hbm>>
    tpu.enqueue_indirect_dma source(%dma_start3A_1742 : memref<6400000xf32, #tpu.memory_space<hbm>>) target(%dma_start3A_1737 : memref<128xf32, #tpu.memory_space<vmem>>) offsets(%dma_start3A_1740 : memref<128xi32, #tpu.memory_space<vmem>>) semaphore(%arg8 : memref<!tpu.dma_semaphore, #tpu.memory_space<semaphore_mem>>)
    %dma_start3A_1743 = arith.constant 12 : i32
    %dma_start3A_1744 = arith.constant 12 : i32
    %dma_start3A_1745 = arith.constant 0 : i32
    %dma_start3A_1746 = tpu.memref_slice %arg7[%dma_start3A_1744, %dma_start3A_1745] : memref<16x128xf32, #tpu.memory_space<vmem>> -> memref<1x128xf32, #tpu.memory_space<vmem>>
    %dma_start3A_1747 = tpu.memref_squeeze %dma_start3A_1746 : memref<1x128xf32, #tpu.memory_space<vmem>> -> memref<128xf32, #tpu.memory_space<vmem>>
    %dma_start3A_1748 = arith.constant 0 : i32
    %dma_start3A_1749 = tpu.memref_slice %arg6[%dma_start3A_1743, %dma_start3A_1748] : memref<16x128xi32, #tpu.memory_space<vmem>> -> memref<1x128xi32, #tpu.memory_space<vmem>>
    %dma_start3A_1750 = tpu.memref_squeeze %dma_start3A_1749 : memref<1x128xi32, #tpu.memory_space<vmem>> -> memref<128xi32, #tpu.memory_space<vmem>>
    %dma_start3A_1751 = arith.constant 0 : i32
    %dma_start3A_1752 = tpu.memref_slice %arg3[%dma_start3A_1751] : memref<6400000xf32, #tpu.memory_space<hbm>> -> memref<6400000xf32, #tpu.memory_space<hbm>>
    tpu.enqueue_indirect_dma source(%dma_start3A_1752 : memref<6400000xf32, #tpu.memory_space<hbm>>) target(%dma_start3A_1747 : memref<128xf32, #tpu.memory_space<vmem>>) offsets(%dma_start3A_1750 : memref<128xi32, #tpu.memory_space<vmem>>) semaphore(%arg8 : memref<!tpu.dma_semaphore, #tpu.memory_space<semaphore_mem>>)
    %dma_start3A_1753 = arith.constant 12 : i32
    %dma_start3A_1754 = arith.constant 12 : i32
    %dma_start3A_1755 = arith.constant 0 : i32
    %dma_start3A_1756 = tpu.memref_slice %arg7[%dma_start3A_1754, %dma_start3A_1755] : memref<16x128xf32, #tpu.memory_space<vmem>> -> memref<1x128xf32, #tpu.memory_space<vmem>>
    %dma_start3A_1757 = tpu.memref_squeeze %dma_start3A_1756 : memref<1x128xf32, #tpu.memory_space<vmem>> -> memref<128xf32, #tpu.memory_space<vmem>>
    %dma_start3A_1758 = arith.constant 0 : i32
    %dma_start3A_1759 = tpu.memref_slice %arg6[%dma_start3A_1753, %dma_start3A_1758] : memref<16x128xi32, #tpu.memory_space<vmem>> -> memref<1x128xi32, #tpu.memory_space<vmem>>
    %dma_start3A_1760 = tpu.memref_squeeze %dma_start3A_1759 : memref<1x128xi32, #tpu.memory_space<vmem>> -> memref<128xi32, #tpu.memory_space<vmem>>
    %dma_start3A_1761 = arith.constant 0 : i32
    %dma_start3A_1762 = tpu.memref_slice %arg3[%dma_start3A_1761] : memref<6400000xf32, #tpu.memory_space<hbm>> -> memref<6400000xf32, #tpu.memory_space<hbm>>
    tpu.enqueue_indirect_dma source(%dma_start3A_1762 : memref<6400000xf32, #tpu.memory_space<hbm>>) target(%dma_start3A_1757 : memref<128xf32, #tpu.memory_space<vmem>>) offsets(%dma_start3A_1760 : memref<128xi32, #tpu.memory_space<vmem>>) semaphore(%arg8 : memref<!tpu.dma_semaphore, #tpu.memory_space<semaphore_mem>>)
    %dma_start3A_1763 = arith.constant 13 : i32
    %dma_start3A_1764 = arith.constant 13 : i32
    %dma_start3A_1765 = arith.constant 0 : i32
    %dma_start3A_1766 = tpu.memref_slice %arg7[%dma_start3A_1764, %dma_start3A_1765] : memref<16x128xf32, #tpu.memory_space<vmem>> -> memref<1x128xf32, #tpu.memory_space<vmem>>
    %dma_start3A_1767 = tpu.memref_squeeze %dma_start3A_1766 : memref<1x128xf32, #tpu.memory_space<vmem>> -> memref<128xf32, #tpu.memory_space<vmem>>
    %dma_start3A_1768 = arith.constant 0 : i32
    %dma_start3A_1769 = tpu.memref_slice %arg6[%dma_start3A_1763, %dma_start3A_1768] : memref<16x128xi32, #tpu.memory_space<vmem>> -> memref<1x128xi32, #tpu.memory_space<vmem>>
    %dma_start3A_1770 = tpu.memref_squeeze %dma_start3A_1769 : memref<1x128xi32, #tpu.memory_space<vmem>> -> memref<128xi32, #tpu.memory_space<vmem>>
    %dma_start3A_1771 = arith.constant 0 : i32
    %dma_start3A_1772 = tpu.memref_slice %arg3[%dma_start3A_1771] : memref<6400000xf32, #tpu.memory_space<hbm>> -> memref<6400000xf32, #tpu.memory_space<hbm>>
    tpu.enqueue_indirect_dma source(%dma_start3A_1772 : memref<6400000xf32, #tpu.memory_space<hbm>>) target(%dma_start3A_1767 : memref<128xf32, #tpu.memory_space<vmem>>) offsets(%dma_start3A_1770 : memref<128xi32, #tpu.memory_space<vmem>>) semaphore(%arg8 : memref<!tpu.dma_semaphore, #tpu.memory_space<semaphore_mem>>)
    %dma_start3A_1773 = arith.constant 13 : i32
    %dma_start3A_1774 = arith.constant 13 : i32
    %dma_start3A_1775 = arith.constant 0 : i32
    %dma_start3A_1776 = tpu.memref_slice %arg7[%dma_start3A_1774, %dma_start3A_1775] : memref<16x128xf32, #tpu.memory_space<vmem>> -> memref<1x128xf32, #tpu.memory_space<vmem>>
    %dma_start3A_1777 = tpu.memref_squeeze %dma_start3A_1776 : memref<1x128xf32, #tpu.memory_space<vmem>> -> memref<128xf32, #tpu.memory_space<vmem>>
    %dma_start3A_1778 = arith.constant 0 : i32
    %dma_start3A_1779 = tpu.memref_slice %arg6[%dma_start3A_1773, %dma_start3A_1778] : memref<16x128xi32, #tpu.memory_space<vmem>> -> memref<1x128xi32, #tpu.memory_space<vmem>>
    %dma_start3A_1780 = tpu.memref_squeeze %dma_start3A_1779 : memref<1x128xi32, #tpu.memory_space<vmem>> -> memref<128xi32, #tpu.memory_space<vmem>>
    %dma_start3A_1781 = arith.constant 0 : i32
    %dma_start3A_1782 = tpu.memref_slice %arg3[%dma_start3A_1781] : memref<6400000xf32, #tpu.memory_space<hbm>> -> memref<6400000xf32, #tpu.memory_space<hbm>>
    tpu.enqueue_indirect_dma source(%dma_start3A_1782 : memref<6400000xf32, #tpu.memory_space<hbm>>) target(%dma_start3A_1777 : memref<128xf32, #tpu.memory_space<vmem>>) offsets(%dma_start3A_1780 : memref<128xi32, #tpu.memory_space<vmem>>) semaphore(%arg8 : memref<!tpu.dma_semaphore, #tpu.memory_space<semaphore_mem>>)
    %dma_start3A_1783 = arith.constant 14 : i32
    %dma_start3A_1784 = arith.constant 14 : i32
    %dma_start3A_1785 = arith.constant 0 : i32
    %dma_start3A_1786 = tpu.memref_slice %arg7[%dma_start3A_1784, %dma_start3A_1785] : memref<16x128xf32, #tpu.memory_space<vmem>> -> memref<1x128xf32, #tpu.memory_space<vmem>>
    %dma_start3A_1787 = tpu.memref_squeeze %dma_start3A_1786 : memref<1x128xf32, #tpu.memory_space<vmem>> -> memref<128xf32, #tpu.memory_space<vmem>>
    %dma_start3A_1788 = arith.constant 0 : i32
    %dma_start3A_1789 = tpu.memref_slice %arg6[%dma_start3A_1783, %dma_start3A_1788] : memref<16x128xi32, #tpu.memory_space<vmem>> -> memref<1x128xi32, #tpu.memory_space<vmem>>
    %dma_start3A_1790 = tpu.memref_squeeze %dma_start3A_1789 : memref<1x128xi32, #tpu.memory_space<vmem>> -> memref<128xi32, #tpu.memory_space<vmem>>
    %dma_start3A_1791 = arith.constant 0 : i32
    %dma_start3A_1792 = tpu.memref_slice %arg3[%dma_start3A_1791] : memref<6400000xf32, #tpu.memory_space<hbm>> -> memref<6400000xf32, #tpu.memory_space<hbm>>
    tpu.enqueue_indirect_dma source(%dma_start3A_1792 : memref<6400000xf32, #tpu.memory_space<hbm>>) target(%dma_start3A_1787 : memref<128xf32, #tpu.memory_space<vmem>>) offsets(%dma_start3A_1790 : memref<128xi32, #tpu.memory_space<vmem>>) semaphore(%arg8 : memref<!tpu.dma_semaphore, #tpu.memory_space<semaphore_mem>>)
    %dma_start3A_1793 = arith.constant 14 : i32
    %dma_start3A_1794 = arith.constant 14 : i32
    %dma_start3A_1795 = arith.constant 0 : i32
    %dma_start3A_1796 = tpu.memref_slice %arg7[%dma_start3A_1794, %dma_start3A_1795] : memref<16x128xf32, #tpu.memory_space<vmem>> -> memref<1x128xf32, #tpu.memory_space<vmem>>
    %dma_start3A_1797 = tpu.memref_squeeze %dma_start3A_1796 : memref<1x128xf32, #tpu.memory_space<vmem>> -> memref<128xf32, #tpu.memory_space<vmem>>
    %dma_start3A_1798 = arith.constant 0 : i32
    %dma_start3A_1799 = tpu.memref_slice %arg6[%dma_start3A_1793, %dma_start3A_1798] : memref<16x128xi32, #tpu.memory_space<vmem>> -> memref<1x128xi32, #tpu.memory_space<vmem>>
    %dma_start3A_1800 = tpu.memref_squeeze %dma_start3A_1799 : memref<1x128xi32, #tpu.memory_space<vmem>> -> memref<128xi32, #tpu.memory_space<vmem>>
    %dma_start3A_1801 = arith.constant 0 : i32
    %dma_start3A_1802 = tpu.memref_slice %arg3[%dma_start3A_1801] : memref<6400000xf32, #tpu.memory_space<hbm>> -> memref<6400000xf32, #tpu.memory_space<hbm>>
    tpu.enqueue_indirect_dma source(%dma_start3A_1802 : memref<6400000xf32, #tpu.memory_space<hbm>>) target(%dma_start3A_1797 : memref<128xf32, #tpu.memory_space<vmem>>) offsets(%dma_start3A_1800 : memref<128xi32, #tpu.memory_space<vmem>>) semaphore(%arg8 : memref<!tpu.dma_semaphore, #tpu.memory_space<semaphore_mem>>)
    %dma_start3A_1803 = arith.constant 15 : i32
    %dma_start3A_1804 = arith.constant 15 : i32
    %dma_start3A_1805 = arith.constant 0 : i32
    %dma_start3A_1806 = tpu.memref_slice %arg7[%dma_start3A_1804, %dma_start3A_1805] : memref<16x128xf32, #tpu.memory_space<vmem>> -> memref<1x128xf32, #tpu.memory_space<vmem>>
    %dma_start3A_1807 = tpu.memref_squeeze %dma_start3A_1806 : memref<1x128xf32, #tpu.memory_space<vmem>> -> memref<128xf32, #tpu.memory_space<vmem>>
    %dma_start3A_1808 = arith.constant 0 : i32
    %dma_start3A_1809 = tpu.memref_slice %arg6[%dma_start3A_1803, %dma_start3A_1808] : memref<16x128xi32, #tpu.memory_space<vmem>> -> memref<1x128xi32, #tpu.memory_space<vmem>>
    %dma_start3A_1810 = tpu.memref_squeeze %dma_start3A_1809 : memref<1x128xi32, #tpu.memory_space<vmem>> -> memref<128xi32, #tpu.memory_space<vmem>>
    %dma_start3A_1811 = arith.constant 0 : i32
    %dma_start3A_1812 = tpu.memref_slice %arg3[%dma_start3A_1811] : memref<6400000xf32, #tpu.memory_space<hbm>> -> memref<6400000xf32, #tpu.memory_space<hbm>>
    tpu.enqueue_indirect_dma source(%dma_start3A_1812 : memref<6400000xf32, #tpu.memory_space<hbm>>) target(%dma_start3A_1807 : memref<128xf32, #tpu.memory_space<vmem>>) offsets(%dma_start3A_1810 : memref<128xi32, #tpu.memory_space<vmem>>) semaphore(%arg8 : memref<!tpu.dma_semaphore, #tpu.memory_space<semaphore_mem>>)
    %dma_start3A_1813 = arith.constant 15 : i32
    %dma_start3A_1814 = arith.constant 15 : i32
    %dma_start3A_1815 = arith.constant 0 : i32
    %dma_start3A_1816 = tpu.memref_slice %arg7[%dma_start3A_1814, %dma_start3A_1815] : memref<16x128xf32, #tpu.memory_space<vmem>> -> memref<1x128xf32, #tpu.memory_space<vmem>>
    %dma_start3A_1817 = tpu.memref_squeeze %dma_start3A_1816 : memref<1x128xf32, #tpu.memory_space<vmem>> -> memref<128xf32, #tpu.memory_space<vmem>>
    %dma_start3A_1818 = arith.constant 0 : i32
    %dma_start3A_1819 = tpu.memref_slice %arg6[%dma_start3A_1813, %dma_start3A_1818] : memref<16x128xi32, #tpu.memory_space<vmem>> -> memref<1x128xi32, #tpu.memory_space<vmem>>
    %dma_start3A_1820 = tpu.memref_squeeze %dma_start3A_1819 : memref<1x128xi32, #tpu.memory_space<vmem>> -> memref<128xi32, #tpu.memory_space<vmem>>
    %dma_start3A_1821 = arith.constant 0 : i32
    %dma_start3A_1822 = tpu.memref_slice %arg3[%dma_start3A_1821] : memref<6400000xf32, #tpu.memory_space<hbm>> -> memref<6400000xf32, #tpu.memory_space<hbm>>
    tpu.enqueue_indirect_dma source(%dma_start3A_1822 : memref<6400000xf32, #tpu.memory_space<hbm>>) target(%dma_start3A_1817 : memref<128xf32, #tpu.memory_space<vmem>>) offsets(%dma_start3A_1820 : memref<128xi32, #tpu.memory_space<vmem>>) semaphore(%arg8 : memref<!tpu.dma_semaphore, #tpu.memory_space<semaphore_mem>>)
    %dma_start3A_1823 = arith.constant 0 : i32
    %dma_start3A_1824 = arith.constant 0 : i32
    %dma_start3A_1825 = arith.constant 0 : i32
    %dma_start3A_1826 = tpu.memref_slice %arg7[%dma_start3A_1824, %dma_start3A_1825] : memref<16x128xf32, #tpu.memory_space<vmem>> -> memref<1x128xf32, #tpu.memory_space<vmem>>
    %dma_start3A_1827 = tpu.memref_squeeze %dma_start3A_1826 : memref<1x128xf32, #tpu.memory_space<vmem>> -> memref<128xf32, #tpu.memory_space<vmem>>
    %dma_start3A_1828 = arith.constant 0 : i32
    %dma_start3A_1829 = tpu.memref_slice %arg6[%dma_start3A_1823, %dma_start3A_1828] : memref<16x128xi32, #tpu.memory_space<vmem>> -> memref<1x128xi32, #tpu.memory_space<vmem>>
    %dma_start3A_1830 = tpu.memref_squeeze %dma_start3A_1829 : memref<1x128xi32, #tpu.memory_space<vmem>> -> memref<128xi32, #tpu.memory_space<vmem>>
    %dma_start3A_1831 = arith.constant 0 : i32
    %dma_start3A_1832 = tpu.memref_slice %arg3[%dma_start3A_1831] : memref<6400000xf32, #tpu.memory_space<hbm>> -> memref<6400000xf32, #tpu.memory_space<hbm>>
    tpu.enqueue_indirect_dma source(%dma_start3A_1832 : memref<6400000xf32, #tpu.memory_space<hbm>>) target(%dma_start3A_1827 : memref<128xf32, #tpu.memory_space<vmem>>) offsets(%dma_start3A_1830 : memref<128xi32, #tpu.memory_space<vmem>>) semaphore(%arg8 : memref<!tpu.dma_semaphore, #tpu.memory_space<semaphore_mem>>)
    %dma_wait3A = arith.constant 0 : i32
    %dma_wait3A_1833 = arith.constant 0 : i32
    %dma_wait3A_1834 = arith.constant 0 : i32
    %dma_wait3A_1835 = tpu.memref_slice %arg7[%dma_wait3A_1833, %dma_wait3A_1834] : memref<16x128xf32, #tpu.memory_space<vmem>> -> memref<1x128xf32, #tpu.memory_space<vmem>>
    %dma_wait3A_1836 = tpu.memref_squeeze %dma_wait3A_1835 : memref<1x128xf32, #tpu.memory_space<vmem>> -> memref<128xf32, #tpu.memory_space<vmem>>
    %dma_wait3A_1837 = arith.constant 0 : i32
    %dma_wait3A_1838 = tpu.memref_slice %arg6[%dma_wait3A, %dma_wait3A_1837] : memref<16x128xi32, #tpu.memory_space<vmem>> -> memref<1x128xi32, #tpu.memory_space<vmem>>
    %dma_wait3A_1839 = tpu.memref_squeeze %dma_wait3A_1838 : memref<1x128xi32, #tpu.memory_space<vmem>> -> memref<128xi32, #tpu.memory_space<vmem>>
    %dma_wait3A_1840 = arith.constant 0 : i32
    %dma_wait3A_1841 = tpu.memref_slice %arg3[%dma_wait3A_1840] : memref<6400000xf32, #tpu.memory_space<hbm>> -> memref<6400000xf32, #tpu.memory_space<hbm>>
    tpu.wait_indirect_dma semaphore(%arg8 : memref<!tpu.dma_semaphore, #tpu.memory_space<semaphore_mem>>) src(%dma_wait3A_1841 : memref<6400000xf32, #tpu.memory_space<hbm>>) dst(%dma_wait3A_1836 : memref<128xf32, #tpu.memory_space<vmem>>)
    %dma_start3A_1842 = arith.constant 1 : i32
    %dma_start3A_1843 = arith.constant 1 : i32
    %dma_start3A_1844 = arith.constant 0 : i32
    %dma_start3A_1845 = tpu.memref_slice %arg7[%dma_start3A_1843, %dma_start3A_1844] : memref<16x128xf32, #tpu.memory_space<vmem>> -> memref<1x128xf32, #tpu.memory_space<vmem>>
    %dma_start3A_1846 = tpu.memref_squeeze %dma_start3A_1845 : memref<1x128xf32, #tpu.memory_space<vmem>> -> memref<128xf32, #tpu.memory_space<vmem>>
    %dma_start3A_1847 = arith.constant 0 : i32
    %dma_start3A_1848 = tpu.memref_slice %arg6[%dma_start3A_1842, %dma_start3A_1847] : memref<16x128xi32, #tpu.memory_space<vmem>> -> memref<1x128xi32, #tpu.memory_space<vmem>>
    %dma_start3A_1849 = tpu.memref_squeeze %dma_start3A_1848 : memref<1x128xi32, #tpu.memory_space<vmem>> -> memref<128xi32, #tpu.memory_space<vmem>>
    %dma_start3A_1850 = arith.constant 0 : i32
    %dma_start3A_1851 = tpu.memref_slice %arg3[%dma_start3A_1850] : memref<6400000xf32, #tpu.memory_space<hbm>> -> memref<6400000xf32, #tpu.memory_space<hbm>>
    tpu.enqueue_indirect_dma source(%dma_start3A_1851 : memref<6400000xf32, #tpu.memory_space<hbm>>) target(%dma_start3A_1846 : memref<128xf32, #tpu.memory_space<vmem>>) offsets(%dma_start3A_1849 : memref<128xi32, #tpu.memory_space<vmem>>) semaphore(%arg8 : memref<!tpu.dma_semaphore, #tpu.memory_space<semaphore_mem>>)
    %dma_wait3A_1852 = arith.constant 1 : i32
    %dma_wait3A_1853 = arith.constant 1 : i32
    %dma_wait3A_1854 = arith.constant 0 : i32
    %dma_wait3A_1855 = tpu.memref_slice %arg7[%dma_wait3A_1853, %dma_wait3A_1854] : memref<16x128xf32, #tpu.memory_space<vmem>> -> memref<1x128xf32, #tpu.memory_space<vmem>>
    %dma_wait3A_1856 = tpu.memref_squeeze %dma_wait3A_1855 : memref<1x128xf32, #tpu.memory_space<vmem>> -> memref<128xf32, #tpu.memory_space<vmem>>
    %dma_wait3A_1857 = arith.constant 0 : i32
    %dma_wait3A_1858 = tpu.memref_slice %arg6[%dma_wait3A_1852, %dma_wait3A_1857] : memref<16x128xi32, #tpu.memory_space<vmem>> -> memref<1x128xi32, #tpu.memory_space<vmem>>
    %dma_wait3A_1859 = tpu.memref_squeeze %dma_wait3A_1858 : memref<1x128xi32, #tpu.memory_space<vmem>> -> memref<128xi32, #tpu.memory_space<vmem>>
    %dma_wait3A_1860 = arith.constant 0 : i32
    %dma_wait3A_1861 = tpu.memref_slice %arg3[%dma_wait3A_1860] : memref<6400000xf32, #tpu.memory_space<hbm>> -> memref<6400000xf32, #tpu.memory_space<hbm>>
    tpu.wait_indirect_dma semaphore(%arg8 : memref<!tpu.dma_semaphore, #tpu.memory_space<semaphore_mem>>) src(%dma_wait3A_1861 : memref<6400000xf32, #tpu.memory_space<hbm>>) dst(%dma_wait3A_1856 : memref<128xf32, #tpu.memory_space<vmem>>)
    %dma_start3A_1862 = arith.constant 2 : i32
    %dma_start3A_1863 = arith.constant 2 : i32
    %dma_start3A_1864 = arith.constant 0 : i32
    %dma_start3A_1865 = tpu.memref_slice %arg7[%dma_start3A_1863, %dma_start3A_1864] : memref<16x128xf32, #tpu.memory_space<vmem>> -> memref<1x128xf32, #tpu.memory_space<vmem>>
    %dma_start3A_1866 = tpu.memref_squeeze %dma_start3A_1865 : memref<1x128xf32, #tpu.memory_space<vmem>> -> memref<128xf32, #tpu.memory_space<vmem>>
    %dma_start3A_1867 = arith.constant 0 : i32
    %dma_start3A_1868 = tpu.memref_slice %arg6[%dma_start3A_1862, %dma_start3A_1867] : memref<16x128xi32, #tpu.memory_space<vmem>> -> memref<1x128xi32, #tpu.memory_space<vmem>>
    %dma_start3A_1869 = tpu.memref_squeeze %dma_start3A_1868 : memref<1x128xi32, #tpu.memory_space<vmem>> -> memref<128xi32, #tpu.memory_space<vmem>>
    %dma_start3A_1870 = arith.constant 0 : i32
    %dma_start3A_1871 = tpu.memref_slice %arg3[%dma_start3A_1870] : memref<6400000xf32, #tpu.memory_space<hbm>> -> memref<6400000xf32, #tpu.memory_space<hbm>>
    tpu.enqueue_indirect_dma source(%dma_start3A_1871 : memref<6400000xf32, #tpu.memory_space<hbm>>) target(%dma_start3A_1866 : memref<128xf32, #tpu.memory_space<vmem>>) offsets(%dma_start3A_1869 : memref<128xi32, #tpu.memory_space<vmem>>) semaphore(%arg8 : memref<!tpu.dma_semaphore, #tpu.memory_space<semaphore_mem>>)
    %dma_wait3A_1872 = arith.constant 2 : i32
    %dma_wait3A_1873 = arith.constant 2 : i32
    %dma_wait3A_1874 = arith.constant 0 : i32
    %dma_wait3A_1875 = tpu.memref_slice %arg7[%dma_wait3A_1873, %dma_wait3A_1874] : memref<16x128xf32, #tpu.memory_space<vmem>> -> memref<1x128xf32, #tpu.memory_space<vmem>>
    %dma_wait3A_1876 = tpu.memref_squeeze %dma_wait3A_1875 : memref<1x128xf32, #tpu.memory_space<vmem>> -> memref<128xf32, #tpu.memory_space<vmem>>
    %dma_wait3A_1877 = arith.constant 0 : i32
    %dma_wait3A_1878 = tpu.memref_slice %arg6[%dma_wait3A_1872, %dma_wait3A_1877] : memref<16x128xi32, #tpu.memory_space<vmem>> -> memref<1x128xi32, #tpu.memory_space<vmem>>
    %dma_wait3A_1879 = tpu.memref_squeeze %dma_wait3A_1878 : memref<1x128xi32, #tpu.memory_space<vmem>> -> memref<128xi32, #tpu.memory_space<vmem>>
    %dma_wait3A_1880 = arith.constant 0 : i32
    %dma_wait3A_1881 = tpu.memref_slice %arg3[%dma_wait3A_1880] : memref<6400000xf32, #tpu.memory_space<hbm>> -> memref<6400000xf32, #tpu.memory_space<hbm>>
    tpu.wait_indirect_dma semaphore(%arg8 : memref<!tpu.dma_semaphore, #tpu.memory_space<semaphore_mem>>) src(%dma_wait3A_1881 : memref<6400000xf32, #tpu.memory_space<hbm>>) dst(%dma_wait3A_1876 : memref<128xf32, #tpu.memory_space<vmem>>)
    %dma_start3A_1882 = arith.constant 3 : i32
    %dma_start3A_1883 = arith.constant 3 : i32
    %dma_start3A_1884 = arith.constant 0 : i32
    %dma_start3A_1885 = tpu.memref_slice %arg7[%dma_start3A_1883, %dma_start3A_1884] : memref<16x128xf32, #tpu.memory_space<vmem>> -> memref<1x128xf32, #tpu.memory_space<vmem>>
    %dma_start3A_1886 = tpu.memref_squeeze %dma_start3A_1885 : memref<1x128xf32, #tpu.memory_space<vmem>> -> memref<128xf32, #tpu.memory_space<vmem>>
    %dma_start3A_1887 = arith.constant 0 : i32
    %dma_start3A_1888 = tpu.memref_slice %arg6[%dma_start3A_1882, %dma_start3A_1887] : memref<16x128xi32, #tpu.memory_space<vmem>> -> memref<1x128xi32, #tpu.memory_space<vmem>>
    %dma_start3A_1889 = tpu.memref_squeeze %dma_start3A_1888 : memref<1x128xi32, #tpu.memory_space<vmem>> -> memref<128xi32, #tpu.memory_space<vmem>>
    %dma_start3A_1890 = arith.constant 0 : i32
    %dma_start3A_1891 = tpu.memref_slice %arg3[%dma_start3A_1890] : memref<6400000xf32, #tpu.memory_space<hbm>> -> memref<6400000xf32, #tpu.memory_space<hbm>>
    tpu.enqueue_indirect_dma source(%dma_start3A_1891 : memref<6400000xf32, #tpu.memory_space<hbm>>) target(%dma_start3A_1886 : memref<128xf32, #tpu.memory_space<vmem>>) offsets(%dma_start3A_1889 : memref<128xi32, #tpu.memory_space<vmem>>) semaphore(%arg8 : memref<!tpu.dma_semaphore, #tpu.memory_space<semaphore_mem>>)
    %dma_wait3A_1892 = arith.constant 3 : i32
    %dma_wait3A_1893 = arith.constant 3 : i32
    %dma_wait3A_1894 = arith.constant 0 : i32
    %dma_wait3A_1895 = tpu.memref_slice %arg7[%dma_wait3A_1893, %dma_wait3A_1894] : memref<16x128xf32, #tpu.memory_space<vmem>> -> memref<1x128xf32, #tpu.memory_space<vmem>>
    %dma_wait3A_1896 = tpu.memref_squeeze %dma_wait3A_1895 : memref<1x128xf32, #tpu.memory_space<vmem>> -> memref<128xf32, #tpu.memory_space<vmem>>
    %dma_wait3A_1897 = arith.constant 0 : i32
    %dma_wait3A_1898 = tpu.memref_slice %arg6[%dma_wait3A_1892, %dma_wait3A_1897] : memref<16x128xi32, #tpu.memory_space<vmem>> -> memref<1x128xi32, #tpu.memory_space<vmem>>
    %dma_wait3A_1899 = tpu.memref_squeeze %dma_wait3A_1898 : memref<1x128xi32, #tpu.memory_space<vmem>> -> memref<128xi32, #tpu.memory_space<vmem>>
    %dma_wait3A_1900 = arith.constant 0 : i32
    %dma_wait3A_1901 = tpu.memref_slice %arg3[%dma_wait3A_1900] : memref<6400000xf32, #tpu.memory_space<hbm>> -> memref<6400000xf32, #tpu.memory_space<hbm>>
    tpu.wait_indirect_dma semaphore(%arg8 : memref<!tpu.dma_semaphore, #tpu.memory_space<semaphore_mem>>) src(%dma_wait3A_1901 : memref<6400000xf32, #tpu.memory_space<hbm>>) dst(%dma_wait3A_1896 : memref<128xf32, #tpu.memory_space<vmem>>)
    %dma_start3A_1902 = arith.constant 4 : i32
    %dma_start3A_1903 = arith.constant 4 : i32
    %dma_start3A_1904 = arith.constant 0 : i32
    %dma_start3A_1905 = tpu.memref_slice %arg7[%dma_start3A_1903, %dma_start3A_1904] : memref<16x128xf32, #tpu.memory_space<vmem>> -> memref<1x128xf32, #tpu.memory_space<vmem>>
    %dma_start3A_1906 = tpu.memref_squeeze %dma_start3A_1905 : memref<1x128xf32, #tpu.memory_space<vmem>> -> memref<128xf32, #tpu.memory_space<vmem>>
    %dma_start3A_1907 = arith.constant 0 : i32
    %dma_start3A_1908 = tpu.memref_slice %arg6[%dma_start3A_1902, %dma_start3A_1907] : memref<16x128xi32, #tpu.memory_space<vmem>> -> memref<1x128xi32, #tpu.memory_space<vmem>>
    %dma_start3A_1909 = tpu.memref_squeeze %dma_start3A_1908 : memref<1x128xi32, #tpu.memory_space<vmem>> -> memref<128xi32, #tpu.memory_space<vmem>>
    %dma_start3A_1910 = arith.constant 0 : i32
    %dma_start3A_1911 = tpu.memref_slice %arg3[%dma_start3A_1910] : memref<6400000xf32, #tpu.memory_space<hbm>> -> memref<6400000xf32, #tpu.memory_space<hbm>>
    tpu.enqueue_indirect_dma source(%dma_start3A_1911 : memref<6400000xf32, #tpu.memory_space<hbm>>) target(%dma_start3A_1906 : memref<128xf32, #tpu.memory_space<vmem>>) offsets(%dma_start3A_1909 : memref<128xi32, #tpu.memory_space<vmem>>) semaphore(%arg8 : memref<!tpu.dma_semaphore, #tpu.memory_space<semaphore_mem>>)
    %dma_wait3A_1912 = arith.constant 4 : i32
    %dma_wait3A_1913 = arith.constant 4 : i32
    %dma_wait3A_1914 = arith.constant 0 : i32
    %dma_wait3A_1915 = tpu.memref_slice %arg7[%dma_wait3A_1913, %dma_wait3A_1914] : memref<16x128xf32, #tpu.memory_space<vmem>> -> memref<1x128xf32, #tpu.memory_space<vmem>>
    %dma_wait3A_1916 = tpu.memref_squeeze %dma_wait3A_1915 : memref<1x128xf32, #tpu.memory_space<vmem>> -> memref<128xf32, #tpu.memory_space<vmem>>
    %dma_wait3A_1917 = arith.constant 0 : i32
    %dma_wait3A_1918 = tpu.memref_slice %arg6[%dma_wait3A_1912, %dma_wait3A_1917] : memref<16x128xi32, #tpu.memory_space<vmem>> -> memref<1x128xi32, #tpu.memory_space<vmem>>
    %dma_wait3A_1919 = tpu.memref_squeeze %dma_wait3A_1918 : memref<1x128xi32, #tpu.memory_space<vmem>> -> memref<128xi32, #tpu.memory_space<vmem>>
    %dma_wait3A_1920 = arith.constant 0 : i32
    %dma_wait3A_1921 = tpu.memref_slice %arg3[%dma_wait3A_1920] : memref<6400000xf32, #tpu.memory_space<hbm>> -> memref<6400000xf32, #tpu.memory_space<hbm>>
    tpu.wait_indirect_dma semaphore(%arg8 : memref<!tpu.dma_semaphore, #tpu.memory_space<semaphore_mem>>) src(%dma_wait3A_1921 : memref<6400000xf32, #tpu.memory_space<hbm>>) dst(%dma_wait3A_1916 : memref<128xf32, #tpu.memory_space<vmem>>)
    %dma_start3A_1922 = arith.constant 5 : i32
    %dma_start3A_1923 = arith.constant 5 : i32
    %dma_start3A_1924 = arith.constant 0 : i32
    %dma_start3A_1925 = tpu.memref_slice %arg7[%dma_start3A_1923, %dma_start3A_1924] : memref<16x128xf32, #tpu.memory_space<vmem>> -> memref<1x128xf32, #tpu.memory_space<vmem>>
    %dma_start3A_1926 = tpu.memref_squeeze %dma_start3A_1925 : memref<1x128xf32, #tpu.memory_space<vmem>> -> memref<128xf32, #tpu.memory_space<vmem>>
    %dma_start3A_1927 = arith.constant 0 : i32
    %dma_start3A_1928 = tpu.memref_slice %arg6[%dma_start3A_1922, %dma_start3A_1927] : memref<16x128xi32, #tpu.memory_space<vmem>> -> memref<1x128xi32, #tpu.memory_space<vmem>>
    %dma_start3A_1929 = tpu.memref_squeeze %dma_start3A_1928 : memref<1x128xi32, #tpu.memory_space<vmem>> -> memref<128xi32, #tpu.memory_space<vmem>>
    %dma_start3A_1930 = arith.constant 0 : i32
    %dma_start3A_1931 = tpu.memref_slice %arg3[%dma_start3A_1930] : memref<6400000xf32, #tpu.memory_space<hbm>> -> memref<6400000xf32, #tpu.memory_space<hbm>>
    tpu.enqueue_indirect_dma source(%dma_start3A_1931 : memref<6400000xf32, #tpu.memory_space<hbm>>) target(%dma_start3A_1926 : memref<128xf32, #tpu.memory_space<vmem>>) offsets(%dma_start3A_1929 : memref<128xi32, #tpu.memory_space<vmem>>) semaphore(%arg8 : memref<!tpu.dma_semaphore, #tpu.memory_space<semaphore_mem>>)
    %dma_wait3A_1932 = arith.constant 5 : i32
    %dma_wait3A_1933 = arith.constant 5 : i32
    %dma_wait3A_1934 = arith.constant 0 : i32
    %dma_wait3A_1935 = tpu.memref_slice %arg7[%dma_wait3A_1933, %dma_wait3A_1934] : memref<16x128xf32, #tpu.memory_space<vmem>> -> memref<1x128xf32, #tpu.memory_space<vmem>>
    %dma_wait3A_1936 = tpu.memref_squeeze %dma_wait3A_1935 : memref<1x128xf32, #tpu.memory_space<vmem>> -> memref<128xf32, #tpu.memory_space<vmem>>
    %dma_wait3A_1937 = arith.constant 0 : i32
    %dma_wait3A_1938 = tpu.memref_slice %arg6[%dma_wait3A_1932, %dma_wait3A_1937] : memref<16x128xi32, #tpu.memory_space<vmem>> -> memref<1x128xi32, #tpu.memory_space<vmem>>
    %dma_wait3A_1939 = tpu.memref_squeeze %dma_wait3A_1938 : memref<1x128xi32, #tpu.memory_space<vmem>> -> memref<128xi32, #tpu.memory_space<vmem>>
    %dma_wait3A_1940 = arith.constant 0 : i32
    %dma_wait3A_1941 = tpu.memref_slice %arg3[%dma_wait3A_1940] : memref<6400000xf32, #tpu.memory_space<hbm>> -> memref<6400000xf32, #tpu.memory_space<hbm>>
    tpu.wait_indirect_dma semaphore(%arg8 : memref<!tpu.dma_semaphore, #tpu.memory_space<semaphore_mem>>) src(%dma_wait3A_1941 : memref<6400000xf32, #tpu.memory_space<hbm>>) dst(%dma_wait3A_1936 : memref<128xf32, #tpu.memory_space<vmem>>)
    %dma_start3A_1942 = arith.constant 6 : i32
    %dma_start3A_1943 = arith.constant 6 : i32
    %dma_start3A_1944 = arith.constant 0 : i32
    %dma_start3A_1945 = tpu.memref_slice %arg7[%dma_start3A_1943, %dma_start3A_1944] : memref<16x128xf32, #tpu.memory_space<vmem>> -> memref<1x128xf32, #tpu.memory_space<vmem>>
    %dma_start3A_1946 = tpu.memref_squeeze %dma_start3A_1945 : memref<1x128xf32, #tpu.memory_space<vmem>> -> memref<128xf32, #tpu.memory_space<vmem>>
    %dma_start3A_1947 = arith.constant 0 : i32
    %dma_start3A_1948 = tpu.memref_slice %arg6[%dma_start3A_1942, %dma_start3A_1947] : memref<16x128xi32, #tpu.memory_space<vmem>> -> memref<1x128xi32, #tpu.memory_space<vmem>>
    %dma_start3A_1949 = tpu.memref_squeeze %dma_start3A_1948 : memref<1x128xi32, #tpu.memory_space<vmem>> -> memref<128xi32, #tpu.memory_space<vmem>>
    %dma_start3A_1950 = arith.constant 0 : i32
    %dma_start3A_1951 = tpu.memref_slice %arg3[%dma_start3A_1950] : memref<6400000xf32, #tpu.memory_space<hbm>> -> memref<6400000xf32, #tpu.memory_space<hbm>>
    tpu.enqueue_indirect_dma source(%dma_start3A_1951 : memref<6400000xf32, #tpu.memory_space<hbm>>) target(%dma_start3A_1946 : memref<128xf32, #tpu.memory_space<vmem>>) offsets(%dma_start3A_1949 : memref<128xi32, #tpu.memory_space<vmem>>) semaphore(%arg8 : memref<!tpu.dma_semaphore, #tpu.memory_space<semaphore_mem>>)
    %dma_wait3A_1952 = arith.constant 6 : i32
    %dma_wait3A_1953 = arith.constant 6 : i32
    %dma_wait3A_1954 = arith.constant 0 : i32
    %dma_wait3A_1955 = tpu.memref_slice %arg7[%dma_wait3A_1953, %dma_wait3A_1954] : memref<16x128xf32, #tpu.memory_space<vmem>> -> memref<1x128xf32, #tpu.memory_space<vmem>>
    %dma_wait3A_1956 = tpu.memref_squeeze %dma_wait3A_1955 : memref<1x128xf32, #tpu.memory_space<vmem>> -> memref<128xf32, #tpu.memory_space<vmem>>
    %dma_wait3A_1957 = arith.constant 0 : i32
    %dma_wait3A_1958 = tpu.memref_slice %arg6[%dma_wait3A_1952, %dma_wait3A_1957] : memref<16x128xi32, #tpu.memory_space<vmem>> -> memref<1x128xi32, #tpu.memory_space<vmem>>
    %dma_wait3A_1959 = tpu.memref_squeeze %dma_wait3A_1958 : memref<1x128xi32, #tpu.memory_space<vmem>> -> memref<128xi32, #tpu.memory_space<vmem>>
    %dma_wait3A_1960 = arith.constant 0 : i32
    %dma_wait3A_1961 = tpu.memref_slice %arg3[%dma_wait3A_1960] : memref<6400000xf32, #tpu.memory_space<hbm>> -> memref<6400000xf32, #tpu.memory_space<hbm>>
    tpu.wait_indirect_dma semaphore(%arg8 : memref<!tpu.dma_semaphore, #tpu.memory_space<semaphore_mem>>) src(%dma_wait3A_1961 : memref<6400000xf32, #tpu.memory_space<hbm>>) dst(%dma_wait3A_1956 : memref<128xf32, #tpu.memory_space<vmem>>)
    %dma_start3A_1962 = arith.constant 7 : i32
    %dma_start3A_1963 = arith.constant 7 : i32
    %dma_start3A_1964 = arith.constant 0 : i32
    %dma_start3A_1965 = tpu.memref_slice %arg7[%dma_start3A_1963, %dma_start3A_1964] : memref<16x128xf32, #tpu.memory_space<vmem>> -> memref<1x128xf32, #tpu.memory_space<vmem>>
    %dma_start3A_1966 = tpu.memref_squeeze %dma_start3A_1965 : memref<1x128xf32, #tpu.memory_space<vmem>> -> memref<128xf32, #tpu.memory_space<vmem>>
    %dma_start3A_1967 = arith.constant 0 : i32
    %dma_start3A_1968 = tpu.memref_slice %arg6[%dma_start3A_1962, %dma_start3A_1967] : memref<16x128xi32, #tpu.memory_space<vmem>> -> memref<1x128xi32, #tpu.memory_space<vmem>>
    %dma_start3A_1969 = tpu.memref_squeeze %dma_start3A_1968 : memref<1x128xi32, #tpu.memory_space<vmem>> -> memref<128xi32, #tpu.memory_space<vmem>>
    %dma_start3A_1970 = arith.constant 0 : i32
    %dma_start3A_1971 = tpu.memref_slice %arg3[%dma_start3A_1970] : memref<6400000xf32, #tpu.memory_space<hbm>> -> memref<6400000xf32, #tpu.memory_space<hbm>>
    tpu.enqueue_indirect_dma source(%dma_start3A_1971 : memref<6400000xf32, #tpu.memory_space<hbm>>) target(%dma_start3A_1966 : memref<128xf32, #tpu.memory_space<vmem>>) offsets(%dma_start3A_1969 : memref<128xi32, #tpu.memory_space<vmem>>) semaphore(%arg8 : memref<!tpu.dma_semaphore, #tpu.memory_space<semaphore_mem>>)
    %dma_wait3A_1972 = arith.constant 7 : i32
    %dma_wait3A_1973 = arith.constant 7 : i32
    %dma_wait3A_1974 = arith.constant 0 : i32
    %dma_wait3A_1975 = tpu.memref_slice %arg7[%dma_wait3A_1973, %dma_wait3A_1974] : memref<16x128xf32, #tpu.memory_space<vmem>> -> memref<1x128xf32, #tpu.memory_space<vmem>>
    %dma_wait3A_1976 = tpu.memref_squeeze %dma_wait3A_1975 : memref<1x128xf32, #tpu.memory_space<vmem>> -> memref<128xf32, #tpu.memory_space<vmem>>
    %dma_wait3A_1977 = arith.constant 0 : i32
    %dma_wait3A_1978 = tpu.memref_slice %arg6[%dma_wait3A_1972, %dma_wait3A_1977] : memref<16x128xi32, #tpu.memory_space<vmem>> -> memref<1x128xi32, #tpu.memory_space<vmem>>
    %dma_wait3A_1979 = tpu.memref_squeeze %dma_wait3A_1978 : memref<1x128xi32, #tpu.memory_space<vmem>> -> memref<128xi32, #tpu.memory_space<vmem>>
    %dma_wait3A_1980 = arith.constant 0 : i32
    %dma_wait3A_1981 = tpu.memref_slice %arg3[%dma_wait3A_1980] : memref<6400000xf32, #tpu.memory_space<hbm>> -> memref<6400000xf32, #tpu.memory_space<hbm>>
    tpu.wait_indirect_dma semaphore(%arg8 : memref<!tpu.dma_semaphore, #tpu.memory_space<semaphore_mem>>) src(%dma_wait3A_1981 : memref<6400000xf32, #tpu.memory_space<hbm>>) dst(%dma_wait3A_1976 : memref<128xf32, #tpu.memory_space<vmem>>)
    %dma_start3A_1982 = arith.constant 8 : i32
    %dma_start3A_1983 = arith.constant 8 : i32
    %dma_start3A_1984 = arith.constant 0 : i32
    %dma_start3A_1985 = tpu.memref_slice %arg7[%dma_start3A_1983, %dma_start3A_1984] : memref<16x128xf32, #tpu.memory_space<vmem>> -> memref<1x128xf32, #tpu.memory_space<vmem>>
    %dma_start3A_1986 = tpu.memref_squeeze %dma_start3A_1985 : memref<1x128xf32, #tpu.memory_space<vmem>> -> memref<128xf32, #tpu.memory_space<vmem>>
    %dma_start3A_1987 = arith.constant 0 : i32
    %dma_start3A_1988 = tpu.memref_slice %arg6[%dma_start3A_1982, %dma_start3A_1987] : memref<16x128xi32, #tpu.memory_space<vmem>> -> memref<1x128xi32, #tpu.memory_space<vmem>>
    %dma_start3A_1989 = tpu.memref_squeeze %dma_start3A_1988 : memref<1x128xi32, #tpu.memory_space<vmem>> -> memref<128xi32, #tpu.memory_space<vmem>>
    %dma_start3A_1990 = arith.constant 0 : i32
    %dma_start3A_1991 = tpu.memref_slice %arg3[%dma_start3A_1990] : memref<6400000xf32, #tpu.memory_space<hbm>> -> memref<6400000xf32, #tpu.memory_space<hbm>>
    tpu.enqueue_indirect_dma source(%dma_start3A_1991 : memref<6400000xf32, #tpu.memory_space<hbm>>) target(%dma_start3A_1986 : memref<128xf32, #tpu.memory_space<vmem>>) offsets(%dma_start3A_1989 : memref<128xi32, #tpu.memory_space<vmem>>) semaphore(%arg8 : memref<!tpu.dma_semaphore, #tpu.memory_space<semaphore_mem>>)
    %dma_wait3A_1992 = arith.constant 8 : i32
    %dma_wait3A_1993 = arith.constant 8 : i32
    %dma_wait3A_1994 = arith.constant 0 : i32
    %dma_wait3A_1995 = tpu.memref_slice %arg7[%dma_wait3A_1993, %dma_wait3A_1994] : memref<16x128xf32, #tpu.memory_space<vmem>> -> memref<1x128xf32, #tpu.memory_space<vmem>>
    %dma_wait3A_1996 = tpu.memref_squeeze %dma_wait3A_1995 : memref<1x128xf32, #tpu.memory_space<vmem>> -> memref<128xf32, #tpu.memory_space<vmem>>
    %dma_wait3A_1997 = arith.constant 0 : i32
    %dma_wait3A_1998 = tpu.memref_slice %arg6[%dma_wait3A_1992, %dma_wait3A_1997] : memref<16x128xi32, #tpu.memory_space<vmem>> -> memref<1x128xi32, #tpu.memory_space<vmem>>
    %dma_wait3A_1999 = tpu.memref_squeeze %dma_wait3A_1998 : memref<1x128xi32, #tpu.memory_space<vmem>> -> memref<128xi32, #tpu.memory_space<vmem>>
    %dma_wait3A_2000 = arith.constant 0 : i32
    %dma_wait3A_2001 = tpu.memref_slice %arg3[%dma_wait3A_2000] : memref<6400000xf32, #tpu.memory_space<hbm>> -> memref<6400000xf32, #tpu.memory_space<hbm>>
    tpu.wait_indirect_dma semaphore(%arg8 : memref<!tpu.dma_semaphore, #tpu.memory_space<semaphore_mem>>) src(%dma_wait3A_2001 : memref<6400000xf32, #tpu.memory_space<hbm>>) dst(%dma_wait3A_1996 : memref<128xf32, #tpu.memory_space<vmem>>)
    %dma_start3A_2002 = arith.constant 9 : i32
    %dma_start3A_2003 = arith.constant 9 : i32
    %dma_start3A_2004 = arith.constant 0 : i32
    %dma_start3A_2005 = tpu.memref_slice %arg7[%dma_start3A_2003, %dma_start3A_2004] : memref<16x128xf32, #tpu.memory_space<vmem>> -> memref<1x128xf32, #tpu.memory_space<vmem>>
    %dma_start3A_2006 = tpu.memref_squeeze %dma_start3A_2005 : memref<1x128xf32, #tpu.memory_space<vmem>> -> memref<128xf32, #tpu.memory_space<vmem>>
    %dma_start3A_2007 = arith.constant 0 : i32
    %dma_start3A_2008 = tpu.memref_slice %arg6[%dma_start3A_2002, %dma_start3A_2007] : memref<16x128xi32, #tpu.memory_space<vmem>> -> memref<1x128xi32, #tpu.memory_space<vmem>>
    %dma_start3A_2009 = tpu.memref_squeeze %dma_start3A_2008 : memref<1x128xi32, #tpu.memory_space<vmem>> -> memref<128xi32, #tpu.memory_space<vmem>>
    %dma_start3A_2010 = arith.constant 0 : i32
    %dma_start3A_2011 = tpu.memref_slice %arg3[%dma_start3A_2010] : memref<6400000xf32, #tpu.memory_space<hbm>> -> memref<6400000xf32, #tpu.memory_space<hbm>>
    tpu.enqueue_indirect_dma source(%dma_start3A_2011 : memref<6400000xf32, #tpu.memory_space<hbm>>) target(%dma_start3A_2006 : memref<128xf32, #tpu.memory_space<vmem>>) offsets(%dma_start3A_2009 : memref<128xi32, #tpu.memory_space<vmem>>) semaphore(%arg8 : memref<!tpu.dma_semaphore, #tpu.memory_space<semaphore_mem>>)
    %dma_wait3A_2012 = arith.constant 9 : i32
    %dma_wait3A_2013 = arith.constant 9 : i32
    %dma_wait3A_2014 = arith.constant 0 : i32
    %dma_wait3A_2015 = tpu.memref_slice %arg7[%dma_wait3A_2013, %dma_wait3A_2014] : memref<16x128xf32, #tpu.memory_space<vmem>> -> memref<1x128xf32, #tpu.memory_space<vmem>>
    %dma_wait3A_2016 = tpu.memref_squeeze %dma_wait3A_2015 : memref<1x128xf32, #tpu.memory_space<vmem>> -> memref<128xf32, #tpu.memory_space<vmem>>
    %dma_wait3A_2017 = arith.constant 0 : i32
    %dma_wait3A_2018 = tpu.memref_slice %arg6[%dma_wait3A_2012, %dma_wait3A_2017] : memref<16x128xi32, #tpu.memory_space<vmem>> -> memref<1x128xi32, #tpu.memory_space<vmem>>
    %dma_wait3A_2019 = tpu.memref_squeeze %dma_wait3A_2018 : memref<1x128xi32, #tpu.memory_space<vmem>> -> memref<128xi32, #tpu.memory_space<vmem>>
    %dma_wait3A_2020 = arith.constant 0 : i32
    %dma_wait3A_2021 = tpu.memref_slice %arg3[%dma_wait3A_2020] : memref<6400000xf32, #tpu.memory_space<hbm>> -> memref<6400000xf32, #tpu.memory_space<hbm>>
    tpu.wait_indirect_dma semaphore(%arg8 : memref<!tpu.dma_semaphore, #tpu.memory_space<semaphore_mem>>) src(%dma_wait3A_2021 : memref<6400000xf32, #tpu.memory_space<hbm>>) dst(%dma_wait3A_2016 : memref<128xf32, #tpu.memory_space<vmem>>)
    %dma_start3A_2022 = arith.constant 10 : i32
    %dma_start3A_2023 = arith.constant 10 : i32
    %dma_start3A_2024 = arith.constant 0 : i32
    %dma_start3A_2025 = tpu.memref_slice %arg7[%dma_start3A_2023, %dma_start3A_2024] : memref<16x128xf32, #tpu.memory_space<vmem>> -> memref<1x128xf32, #tpu.memory_space<vmem>>
    %dma_start3A_2026 = tpu.memref_squeeze %dma_start3A_2025 : memref<1x128xf32, #tpu.memory_space<vmem>> -> memref<128xf32, #tpu.memory_space<vmem>>
    %dma_start3A_2027 = arith.constant 0 : i32
    %dma_start3A_2028 = tpu.memref_slice %arg6[%dma_start3A_2022, %dma_start3A_2027] : memref<16x128xi32, #tpu.memory_space<vmem>> -> memref<1x128xi32, #tpu.memory_space<vmem>>
    %dma_start3A_2029 = tpu.memref_squeeze %dma_start3A_2028 : memref<1x128xi32, #tpu.memory_space<vmem>> -> memref<128xi32, #tpu.memory_space<vmem>>
    %dma_start3A_2030 = arith.constant 0 : i32
    %dma_start3A_2031 = tpu.memref_slice %arg3[%dma_start3A_2030] : memref<6400000xf32, #tpu.memory_space<hbm>> -> memref<6400000xf32, #tpu.memory_space<hbm>>
    tpu.enqueue_indirect_dma source(%dma_start3A_2031 : memref<6400000xf32, #tpu.memory_space<hbm>>) target(%dma_start3A_2026 : memref<128xf32, #tpu.memory_space<vmem>>) offsets(%dma_start3A_2029 : memref<128xi32, #tpu.memory_space<vmem>>) semaphore(%arg8 : memref<!tpu.dma_semaphore, #tpu.memory_space<semaphore_mem>>)
    %dma_wait3A_2032 = arith.constant 10 : i32
    %dma_wait3A_2033 = arith.constant 10 : i32
    %dma_wait3A_2034 = arith.constant 0 : i32
    %dma_wait3A_2035 = tpu.memref_slice %arg7[%dma_wait3A_2033, %dma_wait3A_2034] : memref<16x128xf32, #tpu.memory_space<vmem>> -> memref<1x128xf32, #tpu.memory_space<vmem>>
    %dma_wait3A_2036 = tpu.memref_squeeze %dma_wait3A_2035 : memref<1x128xf32, #tpu.memory_space<vmem>> -> memref<128xf32, #tpu.memory_space<vmem>>
    %dma_wait3A_2037 = arith.constant 0 : i32
    %dma_wait3A_2038 = tpu.memref_slice %arg6[%dma_wait3A_2032, %dma_wait3A_2037] : memref<16x128xi32, #tpu.memory_space<vmem>> -> memref<1x128xi32, #tpu.memory_space<vmem>>
    %dma_wait3A_2039 = tpu.memref_squeeze %dma_wait3A_2038 : memref<1x128xi32, #tpu.memory_space<vmem>> -> memref<128xi32, #tpu.memory_space<vmem>>
    %dma_wait3A_2040 = arith.constant 0 : i32
    %dma_wait3A_2041 = tpu.memref_slice %arg3[%dma_wait3A_2040] : memref<6400000xf32, #tpu.memory_space<hbm>> -> memref<6400000xf32, #tpu.memory_space<hbm>>
    tpu.wait_indirect_dma semaphore(%arg8 : memref<!tpu.dma_semaphore, #tpu.memory_space<semaphore_mem>>) src(%dma_wait3A_2041 : memref<6400000xf32, #tpu.memory_space<hbm>>) dst(%dma_wait3A_2036 : memref<128xf32, #tpu.memory_space<vmem>>)
    %dma_start3A_2042 = arith.constant 11 : i32
    %dma_start3A_2043 = arith.constant 11 : i32
    %dma_start3A_2044 = arith.constant 0 : i32
    %dma_start3A_2045 = tpu.memref_slice %arg7[%dma_start3A_2043, %dma_start3A_2044] : memref<16x128xf32, #tpu.memory_space<vmem>> -> memref<1x128xf32, #tpu.memory_space<vmem>>
    %dma_start3A_2046 = tpu.memref_squeeze %dma_start3A_2045 : memref<1x128xf32, #tpu.memory_space<vmem>> -> memref<128xf32, #tpu.memory_space<vmem>>
    %dma_start3A_2047 = arith.constant 0 : i32
    %dma_start3A_2048 = tpu.memref_slice %arg6[%dma_start3A_2042, %dma_start3A_2047] : memref<16x128xi32, #tpu.memory_space<vmem>> -> memref<1x128xi32, #tpu.memory_space<vmem>>
    %dma_start3A_2049 = tpu.memref_squeeze %dma_start3A_2048 : memref<1x128xi32, #tpu.memory_space<vmem>> -> memref<128xi32, #tpu.memory_space<vmem>>
    %dma_start3A_2050 = arith.constant 0 : i32
    %dma_start3A_2051 = tpu.memref_slice %arg3[%dma_start3A_2050] : memref<6400000xf32, #tpu.memory_space<hbm>> -> memref<6400000xf32, #tpu.memory_space<hbm>>
    tpu.enqueue_indirect_dma source(%dma_start3A_2051 : memref<6400000xf32, #tpu.memory_space<hbm>>) target(%dma_start3A_2046 : memref<128xf32, #tpu.memory_space<vmem>>) offsets(%dma_start3A_2049 : memref<128xi32, #tpu.memory_space<vmem>>) semaphore(%arg8 : memref<!tpu.dma_semaphore, #tpu.memory_space<semaphore_mem>>)
    %dma_wait3A_2052 = arith.constant 11 : i32
    %dma_wait3A_2053 = arith.constant 11 : i32
    %dma_wait3A_2054 = arith.constant 0 : i32
    %dma_wait3A_2055 = tpu.memref_slice %arg7[%dma_wait3A_2053, %dma_wait3A_2054] : memref<16x128xf32, #tpu.memory_space<vmem>> -> memref<1x128xf32, #tpu.memory_space<vmem>>
    %dma_wait3A_2056 = tpu.memref_squeeze %dma_wait3A_2055 : memref<1x128xf32, #tpu.memory_space<vmem>> -> memref<128xf32, #tpu.memory_space<vmem>>
    %dma_wait3A_2057 = arith.constant 0 : i32
    %dma_wait3A_2058 = tpu.memref_slice %arg6[%dma_wait3A_2052, %dma_wait3A_2057] : memref<16x128xi32, #tpu.memory_space<vmem>> -> memref<1x128xi32, #tpu.memory_space<vmem>>
    %dma_wait3A_2059 = tpu.memref_squeeze %dma_wait3A_2058 : memref<1x128xi32, #tpu.memory_space<vmem>> -> memref<128xi32, #tpu.memory_space<vmem>>
    %dma_wait3A_2060 = arith.constant 0 : i32
    %dma_wait3A_2061 = tpu.memref_slice %arg3[%dma_wait3A_2060] : memref<6400000xf32, #tpu.memory_space<hbm>> -> memref<6400000xf32, #tpu.memory_space<hbm>>
    tpu.wait_indirect_dma semaphore(%arg8 : memref<!tpu.dma_semaphore, #tpu.memory_space<semaphore_mem>>) src(%dma_wait3A_2061 : memref<6400000xf32, #tpu.memory_space<hbm>>) dst(%dma_wait3A_2056 : memref<128xf32, #tpu.memory_space<vmem>>)
    %dma_start3A_2062 = arith.constant 12 : i32
    %dma_start3A_2063 = arith.constant 12 : i32
    %dma_start3A_2064 = arith.constant 0 : i32
    %dma_start3A_2065 = tpu.memref_slice %arg7[%dma_start3A_2063, %dma_start3A_2064] : memref<16x128xf32, #tpu.memory_space<vmem>> -> memref<1x128xf32, #tpu.memory_space<vmem>>
    %dma_start3A_2066 = tpu.memref_squeeze %dma_start3A_2065 : memref<1x128xf32, #tpu.memory_space<vmem>> -> memref<128xf32, #tpu.memory_space<vmem>>
    %dma_start3A_2067 = arith.constant 0 : i32
    %dma_start3A_2068 = tpu.memref_slice %arg6[%dma_start3A_2062, %dma_start3A_2067] : memref<16x128xi32, #tpu.memory_space<vmem>> -> memref<1x128xi32, #tpu.memory_space<vmem>>
    %dma_start3A_2069 = tpu.memref_squeeze %dma_start3A_2068 : memref<1x128xi32, #tpu.memory_space<vmem>> -> memref<128xi32, #tpu.memory_space<vmem>>
    %dma_start3A_2070 = arith.constant 0 : i32
    %dma_start3A_2071 = tpu.memref_slice %arg3[%dma_start3A_2070] : memref<6400000xf32, #tpu.memory_space<hbm>> -> memref<6400000xf32, #tpu.memory_space<hbm>>
    tpu.enqueue_indirect_dma source(%dma_start3A_2071 : memref<6400000xf32, #tpu.memory_space<hbm>>) target(%dma_start3A_2066 : memref<128xf32, #tpu.memory_space<vmem>>) offsets(%dma_start3A_2069 : memref<128xi32, #tpu.memory_space<vmem>>) semaphore(%arg8 : memref<!tpu.dma_semaphore, #tpu.memory_space<semaphore_mem>>)
    %dma_wait3A_2072 = arith.constant 12 : i32
    %dma_wait3A_2073 = arith.constant 12 : i32
    %dma_wait3A_2074 = arith.constant 0 : i32
    %dma_wait3A_2075 = tpu.memref_slice %arg7[%dma_wait3A_2073, %dma_wait3A_2074] : memref<16x128xf32, #tpu.memory_space<vmem>> -> memref<1x128xf32, #tpu.memory_space<vmem>>
    %dma_wait3A_2076 = tpu.memref_squeeze %dma_wait3A_2075 : memref<1x128xf32, #tpu.memory_space<vmem>> -> memref<128xf32, #tpu.memory_space<vmem>>
    %dma_wait3A_2077 = arith.constant 0 : i32
    %dma_wait3A_2078 = tpu.memref_slice %arg6[%dma_wait3A_2072, %dma_wait3A_2077] : memref<16x128xi32, #tpu.memory_space<vmem>> -> memref<1x128xi32, #tpu.memory_space<vmem>>
    %dma_wait3A_2079 = tpu.memref_squeeze %dma_wait3A_2078 : memref<1x128xi32, #tpu.memory_space<vmem>> -> memref<128xi32, #tpu.memory_space<vmem>>
    %dma_wait3A_2080 = arith.constant 0 : i32
    %dma_wait3A_2081 = tpu.memref_slice %arg3[%dma_wait3A_2080] : memref<6400000xf32, #tpu.memory_space<hbm>> -> memref<6400000xf32, #tpu.memory_space<hbm>>
    tpu.wait_indirect_dma semaphore(%arg8 : memref<!tpu.dma_semaphore, #tpu.memory_space<semaphore_mem>>) src(%dma_wait3A_2081 : memref<6400000xf32, #tpu.memory_space<hbm>>) dst(%dma_wait3A_2076 : memref<128xf32, #tpu.memory_space<vmem>>)
    %dma_start3A_2082 = arith.constant 13 : i32
    %dma_start3A_2083 = arith.constant 13 : i32
    %dma_start3A_2084 = arith.constant 0 : i32
    %dma_start3A_2085 = tpu.memref_slice %arg7[%dma_start3A_2083, %dma_start3A_2084] : memref<16x128xf32, #tpu.memory_space<vmem>> -> memref<1x128xf32, #tpu.memory_space<vmem>>
    %dma_start3A_2086 = tpu.memref_squeeze %dma_start3A_2085 : memref<1x128xf32, #tpu.memory_space<vmem>> -> memref<128xf32, #tpu.memory_space<vmem>>
    %dma_start3A_2087 = arith.constant 0 : i32
    %dma_start3A_2088 = tpu.memref_slice %arg6[%dma_start3A_2082, %dma_start3A_2087] : memref<16x128xi32, #tpu.memory_space<vmem>> -> memref<1x128xi32, #tpu.memory_space<vmem>>
    %dma_start3A_2089 = tpu.memref_squeeze %dma_start3A_2088 : memref<1x128xi32, #tpu.memory_space<vmem>> -> memref<128xi32, #tpu.memory_space<vmem>>
    %dma_start3A_2090 = arith.constant 0 : i32
    %dma_start3A_2091 = tpu.memref_slice %arg3[%dma_start3A_2090] : memref<6400000xf32, #tpu.memory_space<hbm>> -> memref<6400000xf32, #tpu.memory_space<hbm>>
    tpu.enqueue_indirect_dma source(%dma_start3A_2091 : memref<6400000xf32, #tpu.memory_space<hbm>>) target(%dma_start3A_2086 : memref<128xf32, #tpu.memory_space<vmem>>) offsets(%dma_start3A_2089 : memref<128xi32, #tpu.memory_space<vmem>>) semaphore(%arg8 : memref<!tpu.dma_semaphore, #tpu.memory_space<semaphore_mem>>)
    %dma_wait3A_2092 = arith.constant 13 : i32
    %dma_wait3A_2093 = arith.constant 13 : i32
    %dma_wait3A_2094 = arith.constant 0 : i32
    %dma_wait3A_2095 = tpu.memref_slice %arg7[%dma_wait3A_2093, %dma_wait3A_2094] : memref<16x128xf32, #tpu.memory_space<vmem>> -> memref<1x128xf32, #tpu.memory_space<vmem>>
    %dma_wait3A_2096 = tpu.memref_squeeze %dma_wait3A_2095 : memref<1x128xf32, #tpu.memory_space<vmem>> -> memref<128xf32, #tpu.memory_space<vmem>>
    %dma_wait3A_2097 = arith.constant 0 : i32
    %dma_wait3A_2098 = tpu.memref_slice %arg6[%dma_wait3A_2092, %dma_wait3A_2097] : memref<16x128xi32, #tpu.memory_space<vmem>> -> memref<1x128xi32, #tpu.memory_space<vmem>>
    %dma_wait3A_2099 = tpu.memref_squeeze %dma_wait3A_2098 : memref<1x128xi32, #tpu.memory_space<vmem>> -> memref<128xi32, #tpu.memory_space<vmem>>
    %dma_wait3A_2100 = arith.constant 0 : i32
    %dma_wait3A_2101 = tpu.memref_slice %arg3[%dma_wait3A_2100] : memref<6400000xf32, #tpu.memory_space<hbm>> -> memref<6400000xf32, #tpu.memory_space<hbm>>
    tpu.wait_indirect_dma semaphore(%arg8 : memref<!tpu.dma_semaphore, #tpu.memory_space<semaphore_mem>>) src(%dma_wait3A_2101 : memref<6400000xf32, #tpu.memory_space<hbm>>) dst(%dma_wait3A_2096 : memref<128xf32, #tpu.memory_space<vmem>>)
    %dma_start3A_2102 = arith.constant 14 : i32
    %dma_start3A_2103 = arith.constant 14 : i32
    %dma_start3A_2104 = arith.constant 0 : i32
    %dma_start3A_2105 = tpu.memref_slice %arg7[%dma_start3A_2103, %dma_start3A_2104] : memref<16x128xf32, #tpu.memory_space<vmem>> -> memref<1x128xf32, #tpu.memory_space<vmem>>
    %dma_start3A_2106 = tpu.memref_squeeze %dma_start3A_2105 : memref<1x128xf32, #tpu.memory_space<vmem>> -> memref<128xf32, #tpu.memory_space<vmem>>
    %dma_start3A_2107 = arith.constant 0 : i32
    %dma_start3A_2108 = tpu.memref_slice %arg6[%dma_start3A_2102, %dma_start3A_2107] : memref<16x128xi32, #tpu.memory_space<vmem>> -> memref<1x128xi32, #tpu.memory_space<vmem>>
    %dma_start3A_2109 = tpu.memref_squeeze %dma_start3A_2108 : memref<1x128xi32, #tpu.memory_space<vmem>> -> memref<128xi32, #tpu.memory_space<vmem>>
    %dma_start3A_2110 = arith.constant 0 : i32
    %dma_start3A_2111 = tpu.memref_slice %arg3[%dma_start3A_2110] : memref<6400000xf32, #tpu.memory_space<hbm>> -> memref<6400000xf32, #tpu.memory_space<hbm>>
    tpu.enqueue_indirect_dma source(%dma_start3A_2111 : memref<6400000xf32, #tpu.memory_space<hbm>>) target(%dma_start3A_2106 : memref<128xf32, #tpu.memory_space<vmem>>) offsets(%dma_start3A_2109 : memref<128xi32, #tpu.memory_space<vmem>>) semaphore(%arg8 : memref<!tpu.dma_semaphore, #tpu.memory_space<semaphore_mem>>)
    %dma_wait3A_2112 = arith.constant 14 : i32
    %dma_wait3A_2113 = arith.constant 14 : i32
    %dma_wait3A_2114 = arith.constant 0 : i32
    %dma_wait3A_2115 = tpu.memref_slice %arg7[%dma_wait3A_2113, %dma_wait3A_2114] : memref<16x128xf32, #tpu.memory_space<vmem>> -> memref<1x128xf32, #tpu.memory_space<vmem>>
    %dma_wait3A_2116 = tpu.memref_squeeze %dma_wait3A_2115 : memref<1x128xf32, #tpu.memory_space<vmem>> -> memref<128xf32, #tpu.memory_space<vmem>>
    %dma_wait3A_2117 = arith.constant 0 : i32
    %dma_wait3A_2118 = tpu.memref_slice %arg6[%dma_wait3A_2112, %dma_wait3A_2117] : memref<16x128xi32, #tpu.memory_space<vmem>> -> memref<1x128xi32, #tpu.memory_space<vmem>>
    %dma_wait3A_2119 = tpu.memref_squeeze %dma_wait3A_2118 : memref<1x128xi32, #tpu.memory_space<vmem>> -> memref<128xi32, #tpu.memory_space<vmem>>
    %dma_wait3A_2120 = arith.constant 0 : i32
    %dma_wait3A_2121 = tpu.memref_slice %arg3[%dma_wait3A_2120] : memref<6400000xf32, #tpu.memory_space<hbm>> -> memref<6400000xf32, #tpu.memory_space<hbm>>
    tpu.wait_indirect_dma semaphore(%arg8 : memref<!tpu.dma_semaphore, #tpu.memory_space<semaphore_mem>>) src(%dma_wait3A_2121 : memref<6400000xf32, #tpu.memory_space<hbm>>) dst(%dma_wait3A_2116 : memref<128xf32, #tpu.memory_space<vmem>>)
    %dma_start3A_2122 = arith.constant 15 : i32
    %dma_start3A_2123 = arith.constant 15 : i32
    %dma_start3A_2124 = arith.constant 0 : i32
    %dma_start3A_2125 = tpu.memref_slice %arg7[%dma_start3A_2123, %dma_start3A_2124] : memref<16x128xf32, #tpu.memory_space<vmem>> -> memref<1x128xf32, #tpu.memory_space<vmem>>
    %dma_start3A_2126 = tpu.memref_squeeze %dma_start3A_2125 : memref<1x128xf32, #tpu.memory_space<vmem>> -> memref<128xf32, #tpu.memory_space<vmem>>
    %dma_start3A_2127 = arith.constant 0 : i32
    %dma_start3A_2128 = tpu.memref_slice %arg6[%dma_start3A_2122, %dma_start3A_2127] : memref<16x128xi32, #tpu.memory_space<vmem>> -> memref<1x128xi32, #tpu.memory_space<vmem>>
    %dma_start3A_2129 = tpu.memref_squeeze %dma_start3A_2128 : memref<1x128xi32, #tpu.memory_space<vmem>> -> memref<128xi32, #tpu.memory_space<vmem>>
    %dma_start3A_2130 = arith.constant 0 : i32
    %dma_start3A_2131 = tpu.memref_slice %arg3[%dma_start3A_2130] : memref<6400000xf32, #tpu.memory_space<hbm>> -> memref<6400000xf32, #tpu.memory_space<hbm>>
    tpu.enqueue_indirect_dma source(%dma_start3A_2131 : memref<6400000xf32, #tpu.memory_space<hbm>>) target(%dma_start3A_2126 : memref<128xf32, #tpu.memory_space<vmem>>) offsets(%dma_start3A_2129 : memref<128xi32, #tpu.memory_space<vmem>>) semaphore(%arg8 : memref<!tpu.dma_semaphore, #tpu.memory_space<semaphore_mem>>)
    %dma_wait3A_2132 = arith.constant 15 : i32
    %dma_wait3A_2133 = arith.constant 15 : i32
    %dma_wait3A_2134 = arith.constant 0 : i32
    %dma_wait3A_2135 = tpu.memref_slice %arg7[%dma_wait3A_2133, %dma_wait3A_2134] : memref<16x128xf32, #tpu.memory_space<vmem>> -> memref<1x128xf32, #tpu.memory_space<vmem>>
    %dma_wait3A_2136 = tpu.memref_squeeze %dma_wait3A_2135 : memref<1x128xf32, #tpu.memory_space<vmem>> -> memref<128xf32, #tpu.memory_space<vmem>>
    %dma_wait3A_2137 = arith.constant 0 : i32
    %dma_wait3A_2138 = tpu.memref_slice %arg6[%dma_wait3A_2132, %dma_wait3A_2137] : memref<16x128xi32, #tpu.memory_space<vmem>> -> memref<1x128xi32, #tpu.memory_space<vmem>>
    %dma_wait3A_2139 = tpu.memref_squeeze %dma_wait3A_2138 : memref<1x128xi32, #tpu.memory_space<vmem>> -> memref<128xi32, #tpu.memory_space<vmem>>
    %dma_wait3A_2140 = arith.constant 0 : i32
    %dma_wait3A_2141 = tpu.memref_slice %arg3[%dma_wait3A_2140] : memref<6400000xf32, #tpu.memory_space<hbm>> -> memref<6400000xf32, #tpu.memory_space<hbm>>
    tpu.wait_indirect_dma semaphore(%arg8 : memref<!tpu.dma_semaphore, #tpu.memory_space<semaphore_mem>>) src(%dma_wait3A_2141 : memref<6400000xf32, #tpu.memory_space<hbm>>) dst(%dma_wait3A_2136 : memref<128xf32, #tpu.memory_space<vmem>>)
    %mul3A_2142 = arith.constant 16 : i32
    %mul3A_2143 = arith.muli %add3A, %mul3A_2142 : i32
    "tpu.region"() ({
      %run_scoped3A = tpu.sem_alloc : memref<!tpu.dma_semaphore, #tpu.memory_space<semaphore_mem>>
      %dma_start3A_2144 = arith.constant 0 : i32
      %dma_start3A_2145 = tpu.memref_slice %arg4[%mul3A_2143, %dma_start3A_2144] : memref<512x128xf32, #tpu.memory_space<hbm>> -> memref<16x128xf32, #tpu.memory_space<hbm>>
      %dma_start3A_2146 = arith.constant 0 : i32
      %dma_start3A_2147 = tpu.memref_slice %arg4[%mul3A_2143, %dma_start3A_2146] : memref<512x128xf32, #tpu.memory_space<hbm>> -> memref<16x128xf32, #tpu.memory_space<hbm>>
      tpu.enqueue_dma source(%arg7 : memref<16x128xf32, #tpu.memory_space<vmem>>) target(%dma_start3A_2147 : memref<16x128xf32, #tpu.memory_space<hbm>>) target_semaphore(%run_scoped3A : memref<!tpu.dma_semaphore, #tpu.memory_space<semaphore_mem>>)
      %dma_wait3A_2148 = arith.constant 0 : i32
      %dma_wait3A_2149 = tpu.memref_slice %arg4[%mul3A_2143, %dma_wait3A_2148] : memref<512x128xf32, #tpu.memory_space<hbm>> -> memref<16x128xf32, #tpu.memory_space<hbm>>
      %dma_wait3A_2150 = arith.constant 0 : i32
      %dma_wait3A_2151 = tpu.memref_slice %arg4[%mul3A_2143, %dma_wait3A_2150] : memref<512x128xf32, #tpu.memory_space<hbm>> -> memref<16x128xf32, #tpu.memory_space<hbm>>
      tpu.wait_dma2 semaphore(%run_scoped3A : memref<!tpu.dma_semaphore, #tpu.memory_space<semaphore_mem>>) src(%arg7 : memref<16x128xf32, #tpu.memory_space<vmem>>) dst(%dma_wait3A_2151 : memref<16x128xf32, #tpu.memory_space<hbm>>)
      tpu.yield
    }) : () -> ()
    return
  }
}

module attributes {stable_mosaic.version = 14 : i64} {
  func.func @body(%arg0: i32, %arg1: memref<64x2048xf32, #tpu.memory_space<vmem>>, %arg2: memref<1024x64xf32, #tpu.memory_space<vmem>>, %arg3: memref<2048x1xf32, #tpu.memory_space<vmem>>, %arg4: memref<2048x1024xf32, #tpu.memory_space<vmem>>) attributes {dimension_semantics = [#tpu.dimension_semantics<arbitrary>], iteration_bounds = array<i64: 49>, scalar_prefetch = 0 : i64, scratch_operands = 0 : i64, tpu.core_type = #tpu.core_type<tc>, window_params = [{transform_indices = @transform_0, window_bounds = array<i64: 64, 2048>}, {pipeline_mode = #tpu.pipeline_mode<synchronous>, transform_indices = @transform_1, window_bounds = array<i64: 1024, 64>}, {transform_indices = @transform_2, window_bounds = array<i64: 2048, 1>}, {transform_indices = @transform_3, window_bounds = array<i64: 2048, 1024>}]} {
    %get3A = arith.constant 0 : index
    %get3A_0 = arith.constant 0 : index
    %get3A_1 = vector.load %arg1[%get3A, %get3A_0] : memref<64x2048xf32, #tpu.memory_space<vmem>>, vector<64x2048xf32>
    %get3A_2 = arith.constant 0 : index
    %get3A_3 = arith.constant 0 : index
    %get3A_4 = vector.load %arg2[%get3A_2, %get3A_3] : memref<1024x64xf32, #tpu.memory_space<vmem>>, vector<1024x64xf32>
    %dot_general3A = arith.constant dense<0.000000e+00> : vector<2048x1024xf32>
    %dot_general3A_5 = tpu.matmul %get3A_1, %get3A_4, %dot_general3A {dimension_numbers = #tpu.dot_dimension_numbers<[0], [1], [1], [0], [0, 1, 1, 0], [], []>, transpose_lhs_hint = false} : vector<64x2048xf32>, vector<1024x64xf32>, vector<2048x1024xf32> -> vector<2048x1024xf32>
    %get3A_6 = arith.constant 0 : index
    %get3A_7 = arith.constant 0 : index
    %get3A_8 = vector.load %arg3[%get3A_6, %get3A_7] : memref<2048x1xf32, #tpu.memory_space<vmem>>, vector<2048x1xf32>
    %add3A = vector.broadcast %get3A_8 : vector<2048x1xf32> to vector<2048x1024xf32>
    %add3A_9 = arith.addf %dot_general3A_5, %add3A : vector<2048x1024xf32>
    %swap3A = arith.constant 0 : index
    %swap3A_10 = arith.constant 0 : index
    %swap3A_11 = vector.load %arg4[%swap3A, %swap3A_10] : memref<2048x1024xf32, #tpu.memory_space<vmem>>, vector<2048x1024xf32>
    tpu.vector_store %arg4[%swap3A, %swap3A_10], %add3A_9 {strides = array<i32>} : memref<2048x1024xf32, #tpu.memory_space<vmem>>, vector<2048x1024xf32>,
    return
  }
  func.func @transform_0(%arg0: i32) -> (i32, i32) {
    %c0_i32 = arith.constant 0 : i32
    %c0_i32_0 = arith.constant 0 : i32
    return %c0_i32, %arg0 : i32, i32
  }
  func.func @transform_1(%arg0: i32) -> (i32, i32) {
    %c0_i32 = arith.constant 0 : i32
    %c0_i32_0 = arith.constant 0 : i32
    %c0_i32_1 = arith.constant 0 : i32
    return %c0_i32, %c0_i32_0 : i32, i32
  }
  func.func @transform_2(%arg0: i32) -> (i32, i32) {
    %c0_i32 = arith.constant 0 : i32
    %c0_i32_0 = arith.constant 0 : i32
    return %arg0, %c0_i32 : i32, i32
  }
  func.func @transform_3(%arg0: i32) -> (i32, i32) {
    %c0_i32 = arith.constant 0 : i32
    %c0_i32_0 = arith.constant 0 : i32
    return %arg0, %c0_i32 : i32, i32
  }
}

</mosaic_0001>

<sc_bundles>
// kernel: kernel.4.cloned.1.call-start
scs
__scs_entry_jumppad:
0x0: {  	(pc) =	sbr.rel $0x88, $3  }
0x1: {  	(tag) =	ssettag $0x0;
	lr =	simm.s32 $0x1  }
0x2: {  	[smem:$0x3F9D] =	sst lr;
	_ =	strace $0xD0000000  }
0x3: {  	_ = 	snop  }
0x4: {  	_ = 	snop  }
0x5: {  	_ = 	snop  }
0x6: {  	_ = 	snop  }
0x7: {  	_ = 	snop  }
__scs_overlays_trampoline_lowered:
0x8: {  	[smem:$0x3FAC] =	sst s0  }
0x9: {  	[smem:$0x3FAD] =	sst s1  }
0xa: {  	[smem:$0x3FAE] =	sst s2  }
0xb: {  	[smem:$0x3FAF] =	sst s3  }
0xc: {  	[smem:$0x3FB0] =	sst s4  }
0xd: {  	[smem:$0x3FB1] =	sst s5  }
0xe: {  	[smem:$0x3FB2] =	sst s6  }
0xf: {  	[smem:$0x3FB3] =	sst s7  }
0x10: {  	[smem:$0x3FB4] =	sst s8  }
0x11: {  	[smem:$0x3FB5] =	sst s9;
	s0 =	simm.s32 @!p0 $0x0  }
0x12: {  	s1 =	sld [smem:$0x3F9B];
	s0 =	simm.s32 @p0 $0x1  }
0x13: {  	[smem:$0x3FB6] =	sst s0;
	s0 =	simm.s32 @!p1 $0x0  }
0x14: {  	s2 =	sld [smem:$0x3F9A];
	s0 =	simm.s32 @p1 $0x1  }
0x15: {  	[smem:$0x3FB7] =	sst s0;
	s0 =	simm.s32 @!p2 $0x0  }
0x16: {  	s3 =	sld [smem:$0x3FDB];
	s0 =	simm.s32 @p2 $0x1  }
0x17: {  	s4 =	simm.s32 $0x1BF5;
	[smem:$0x3FB9] =	sst s0  }
0x18: {  	s0 =	sld [smem:$0x3F9C];
	_ =	swait.ge [sflag:s4], $0x0  }
0x19: {  	s7 =	sld [smem:$0x3F9D]  }
0x1a: {  	s8 =	sadd.s32 $0xFFFFE003, lr  }
0x1b: {  	s9 =	sadd.s32 $0xFFFFFEF7, lr;
	s5 =	simm.s32 $0xFFFFFFFF;
	p2 =	slt.u32 s8, $0xFFFFF086  }
0x1c: {  	p1 =	slt.u32 s9, $0xF7A;
	s5 =	simm.s32 @!p2 $0x0  }
0x1d: {  	s5 =	simm.s32 @p1 $0x1;
	p0 =	seq.s32 s7, s2  }
0x1e: {  	s7 =	smul.u32 @!p0 $0xF7A, s2;
	p2 =	seq.s32 @!p0 s5, $0x0  }
0x1f: {  	s9 =	smul.u32 $0xF7A, s1;
	s8 =	simm.s32 @!p0 $0x1BF5;
	p2 =	por !p2, p0  }
0x20: {  	[sflag:s8] =	ssyncset.s32 @!p0 $0xFFFFF086;
	s6 =	sadd.s32 @!p0 s3, s7;
	s7 =	simm.s32 @!p0 $0x108  }
0x21: {  	s3 =	sadd.s32 s3, s9;
	s6 =	sadd.s32 @!p0 $0x88, s6;
	s7 =	simm.s32 @p2 $0x1082  }
0x22: {  	[simem:s7], [sflag:s8] =	dma.local @!p0 [hbm:s6], $0xF7A  }
0x23: {  	s9 =	sor.u32 $0xD0000000, s2;
	s6 =	simm.s32 $0x108;
	_ =	swait.ge @!p0 [sflag:s8], $0x0  }
0x24: {  	s3 =	sadd.s32 $0x88, s3;
	s6 =	simm.s32 @!p1 $0x1082;
	[sflag:s4] =	ssyncset.s32 $0xFFFFF086  }
0x25: {  	[simem:s6], [sflag:s4] =	dma.local [hbm:s3], $0xF7A  }
0x26: {  	[smem:$0x3F9D] =	sst s1;
	(tag) =	ssettag s2;
	_ =	strace s9  }
0x27: {  	s1 =	sld [smem:$0x3FAD]  }
0x28: {  	s2 =	sld [smem:$0x3FAE]  }
0x29: {  	s4 =	sld [smem:$0x3FB0]  }
0x2a: {  	p0 =	seq.s32 s5, $0x0;
	s5 =	sld [smem:$0x3FB1]  }
0x2b: {  	s6 =	sld [smem:$0x3FB2]  }
0x2c: {  	s7 =	sld [smem:$0x3FB3]  }
0x2d: {  	s3 =	simm.s32 $0x108;
	s8 =	sld [smem:$0x3FB4]  }
0x2e: {  	s3 =	simm.s32 @!p0 $0x1082;
	s9 =	sld [smem:$0x3FB5]  }
0x2f: {  	lr =	sadd.s32 s0, s3;
	s0 =	sld [smem:$0x3FAC]  }
0x30: {  	s3 =	sld [smem:$0x3FAF]  }
0x31: {  	[smem:$0x3FB8] =	sst s10  }
0x32: {  	s10 =	sld [smem:$0x3FB6];
	_ =	sdelay $0x3  }
0x33: {  	p0 =	seq.s32 s10, $0x1;
	s10 =	sld [smem:$0x3FB8];
	_ =	sdelay $0x3  }
0x34: {  	[smem:$0x3FB8] =	sst s10  }
0x35: {  	s10 =	sld [smem:$0x3FB7];
	_ =	sdelay $0x3  }
0x36: {  	p1 =	seq.s32 s10, $0x1;
	s10 =	sld [smem:$0x3FB8];
	_ =	sdelay $0x3  }
0x37: {  	[smem:$0x3FB8] =	sst s10  }
0x38: {  	s10 =	sld [smem:$0x3FB9]  }
0x39: {  	_ = 	snop;
	(pc) =	sbr.ind lr, $3  }
0x3a: {  	_ = 	snop  }
0x3b: {  	_ = 	snop  }
0x3c: {  	p2 =	seq.s32 s10, $0x1;
	s10 =	sld [smem:$0x3FB8]  }
0x3d: {  	_ =	shalt  }
0x3e: {  	_ =	shalt  }
0x3f: {  	_ =	shalt  }
0x40: {  	_ =	shalt  }
0x41: {  	_ =	shalt  }
0x42: {  	_ =	shalt  }
0x43: {  	_ =	shalt  }
0x44: {  	_ =	shalt  }
0x45: {  	_ =	shalt  }
0x46: {  	_ =	shalt  }
0x47: {  	_ =	shalt  }
0x48: {  	_ =	shalt  }
0x49: {  	_ =	shalt  }
0x4a: {  	_ =	shalt  }
0x4b: {  	_ =	shalt  }
0x4c: {  	_ =	shalt  }
0x4d: {  	_ =	shalt  }
0x4e: {  	_ =	shalt  }
0x4f: {  	_ =	shalt  }
0x50: {  	_ =	shalt  }
0x51: {  	_ =	shalt  }
0x52: {  	_ =	shalt  }
0x53: {  	_ =	shalt  }
0x54: {  	_ =	shalt  }
0x55: {  	_ =	shalt  }
0x56: {  	_ =	shalt  }
0x57: {  	_ =	shalt  }
0x58: {  	_ =	shalt  }
0x59: {  	_ =	shalt  }
0x5a: {  	_ =	shalt  }
0x5b: {  	_ =	shalt  }
0x5c: {  	_ =	shalt  }
0x5d: {  	_ =	shalt  }
0x5e: {  	_ =	shalt  }
0x5f: {  	_ =	shalt  }
0x60: {  	_ =	shalt  }
0x61: {  	_ =	shalt  }
0x62: {  	_ =	shalt  }
0x63: {  	_ =	shalt  }
0x64: {  	_ =	shalt  }
0x65: {  	_ =	shalt  }
0x66: {  	_ =	shalt  }
0x67: {  	_ =	shalt  }
0x68: {  	_ =	shalt  }
0x69: {  	_ =	shalt  }
0x6a: {  	_ =	shalt  }
0x6b: {  	_ =	shalt  }
0x6c: {  	_ =	shalt  }
0x6d: {  	_ =	shalt  }
0x6e: {  	_ =	shalt  }
0x6f: {  	_ =	shalt  }
0x70: {  	_ =	shalt  }
0x71: {  	_ =	shalt  }
0x72: {  	_ =	shalt  }
0x73: {  	_ =	shalt  }
0x74: {  	_ =	shalt  }
0x75: {  	_ =	shalt  }
0x76: {  	_ =	shalt  }
0x77: {  	_ =	shalt  }
0x78: {  	_ =	shalt  }
0x79: {  	_ =	shalt  }
0x7a: {  	_ =	shalt  }
0x7b: {  	_ =	shalt  }
0x7c: {  	_ =	shalt  }
0x7d: {  	_ =	shalt  }
0x7e: {  	_ =	shalt  }
0x7f: {  	_ =	shalt  }
0x80: {  	_ =	shalt  }
0x81: {  	_ =	shalt  }
0x82: {  	_ =	shalt  }
0x83: {  	_ =	shalt  }
0x84: {  	_ =	shalt  }
0x85: {  	_ =	shalt  }
0x86: {  	_ =	shalt  }
0x87: {  	_ =	shalt  }
.Lfunc_end0:
.L_simem_size_0:
called_computation_lowered:
.L_overlay_start_0:
0x88: {  	s2 =	sld [smem:$0x3FD9]  }
0x89: {  	s3 =	sld [smem:$0x3FFE];
	_ =	sdelay $0x1  }
0x8a: {  	s1 =	srdreg.scid  }
0x8b: {  	s0 =	sand.u32 $0x1, s1  }
0x8c: {  	s17 =	sshll.u32 s0, $0xA;
	s2 =	sadd.s32 s3, s2  }
0x8d: {  	s2 =	sadd.s32 s2, s17  }
0x8e: {  	[smem:$0x3FC4] =	sst s2  }
0x8f: {  	_ = 	snop  }
0x90: {  	s2 =	sld [smem:$0x3FC9]  }
0x91: {  	s18 =	sld [smem:$0x3FD0];
	(tm) =	ssettm $0x1  }
0x92: {  	s4 =	sld [smem:$0x3FFB];
	_ =	sdelay $0x3  }
0x93: {  	_ =	strace s4  }
0x94: {  	s4 =	sld [smem:$0x3FFC];
	_ =	sdelay $0x3  }
0x95: {  	_ =	strace s4  }
0x96: {  	s4 =	sld [smem:$0x3FFD];
	_ =	sdelay $0x3  }
0x97: {  	_ =	strace s4  }
0x98: {  	_ =	strace $0x8FFFFFFF  }
0x99: {  	s19 =	sld [smem:$0x3FDB];
	_ =	sdelay $0x1  }
0x9a: {  	s5 =	simm.s32 $_scs_section_size  }
0x9b: {  	s6 =	simm.s32 $_size__tile_overlayer_lowered;
	s7 =	simm.s32 $_tile_overlayer_lowered  }
0x9c: {  	s22 =	simm.s32 $0x1BFF;
	s21 =	sshll.u32 s7, $0x1;
	s4 =	sadd.s32 s5, s19  }
0x9d: {  	s8 =	simm.s32 $0x0;
	s20 =	sshll.u32 s6, $0x1;
	s6 =	sadd.s32 s21, s4  }
0x9e: {  	[timem:s8], [sflag:s22] =	dma.local [hbm:s6], s20  }
0x9f: {  	_ =	swait.ge [sflag:s22], s20  }
0xa0: {  	s5 =	ssub.s32 $0x0, s20;
	[sflag:s22] =	ssyncset.done $0x0  }
0xa1: {  	[sflag:s22] =	ssyncadd.s32 s5;
	_ =	sdelay $0x1  }
0xa2: {  	s23 =	simm.s32 $0x1B8B  }
0xa3: {  	_ =	swait.ge [sflag:s23], $0x1  }
0xa4: {  	[sflag:s23] =	ssyncset.done $0x0  }
0xa5: {  	s25 =	simm.s32 $0x1B8E;
	s24 =	sld [smem:$0x3FFE];
	[sflag:s23] =	ssyncadd.s32 $0xFFFFFFFF  }
0xa6: {  	s26 =	simm.s32 $execute0_lowered;
	[smem:$0x3FD2] =	sst s25  }
0xa7: {  	s6 =	sshll.u32 s26, $0x1;
	_ =	strace $0x80000046;
	[dreg:$0x1] =	wrdreg $0xFFFFFFFF  }
0xa8: {  	s28 =	simm.s32 $_size_execute0_lowered;
	s4 =	sadd.s32 s4, s6;
	[dreg:$0x0] =	wrdreg $0x0  }
0xa9: {  	s6 =	sshll.u32 s28, $0x1;
	[dreg:$0x2] =	wrdreg s4  }
0xaa: {  	[dreg:$0x3] =	wrdreg s6  }
0xab: {  	[dreg:$0x4] =	wrdreg $0xC0  }
0xac: {  	_ =	task [dreg:s8], $0x5FFFF  }
0xad: {  	[dreg:$0x1] =	wrdreg $0xFFFFFFFF  }
0xae: {  	[dreg:$0x0] =	wrdreg $0x60  }
0xaf: {  	[dreg:$0x2] =	wrdreg s2  }
0xb0: {  	[dreg:$0x3] =	wrdreg s18  }
0xb1: {  	[dreg:$0x4] =	wrdreg s24  }
0xb2: {  	[dreg:$0x5] =	wrdreg $0x9  }
0xb3: {  	_ =	task.clear_ibuf [dreg:s8], $0x6FFFF;
	_ =	strace $0x90000046  }
0xb4: {  	s29 =	simm.s32 $0x9;
	_ =	strace $0x80000048  }
0xb5: {  	_ =	swait.ge [sflag:s29], $0x1  }
0xb6: {  	[sflag:s29] =	ssyncadd.s32 $0xFFFFFFFF  }
0xb7: {  	_ =	strace $0x90000048  }
0xb8: {  	_ =	sfence  }
0xb9: {  	s30 =	sld [smem:$0x0];
	_ =	sdelay $0x2  }
0xba: {  	s31 =	sshll.u32 s1, $0xD;
	s1 =	sshrl.u32 s1, $0x2  }
0xbb: {  	s3 =	sand.u32 $0x4000, s31;
	s1 =	sadd.s32 s1, s30  }
0xbc: {  	s0 =	sor.u32 s3, s0;
	s1 =	sshll.u32 s1, $0x11  }
0xbd: {  	s0 =	sor.u32 s1, s0  }
0xbe: {  	s0 =	sadd.s32 $0x8F2B, s0  }
0xbf: {  	[sflag:s0] =	ssyncadd.remote.s32 $0x1  }
0xc0: {  	_ =	sfence.sel $0xFFFF  }
0xc1: {  	[dreg:$0x0] =	wrdreg $0xFFFFFFFF;
	(pc) =	sbr.abs _section_cstart, $3  }
0xc2: {  	[dreg:$0x1] =	wrdreg $0xFFFFFFFF  }
0xc3: {  	_ =	task.clear_ibuf [dreg:s8], $0x2FFFF;
	_ =	strace $0x9FFFFFFF  }
0xc4: {  	(tm) =	ssettm $0x7FFFFFFF  }
0xc5: {  	_ =	shalt  }
tec
execute0_lowered:
.L_overlay_start_1:
0x0: {  	(tag) =	ssettag $0x1  }
0x1: {  	s0 =	rddreg [dreg:$0x0]  }
0x2: {  	s2 =	rddreg [dreg:$0x1]  }
0x3: {  	s1 =	rddreg [dreg:$0x2];
	s4 =	srdreg.scid  }
0x4: {  	s5 =	stileid.u32;
	s3 =	simm.s32 $0x0;
	s26 =	simm.s32 $0x8  }
0x5: {  	v0 =	vlaneseq.u32;
	s13 =	simm.s32 $0x1;
	s16 =	simm.s32 $0x180;
	s17 =	simm.s32 $0x980  }
0x6: {  	v5 =	vimm.s32 $0x9;
	v6 =	vimm.s32 $0xA;
	v7 =	vimm.s32 $0xB;
	s18 =	simm.s32 $0x200;
	s19 =	simm.s32 $0xA00;
	s20 =	simm.s32 $0x280  }
0x7: {  	v8 =	vimm.s32 $0xC;
	v9 =	vimm.s32 $0xD;
	v10 =	vimm.s32 $0xE;
	s21 =	simm.s32 $0xA80;
	s22 =	simm.s32 $0x300;
	s28 =	simm.s32 $0xC00  }
0x8: {  	v11 =	vimm.s32 $0xF;
	v12 =	vimm.s32 $0x10;
	v13 =	vimm.s32 $0x11;
	s29 =	simm.s32 $0x480;
	s30 =	simm.s32 $0xC80;
	s31 =	simm.s32 $0x500  }
0x9: {  	v14 =	vimm.s32 $0x12;
	v15 =	vimm.s32 $0x13;
	v16 =	vimm.s32 $0x14;
	s8 =	simm.s32 $0xD80;
	s9 =	simm.s32 $0x600;
	s10 =	simm.s32 $0xE00  }
0xa: {  	v17 =	vimm.s32 $0x15;
	v18 =	vimm.s32 $0x16;
	v19 =	vimm.s32 $0x17;
	s11 =	simm.s32 $0x680;
	s4 =	sand.u32 $0x1, s4;
	s5 =	sshll.u32 s5, $0x1  }
0xb: {  	v20 =	vimm.s32 $0x18;
	v21 =	vimm.s32 $0x19;
	v22 =	vimm.s32 $0x1A;
	s12 =	simm.s32 $0xE80;
	[smem:$0x7FF] =	sst s3;
	s5 =	sor.u32 s4, s5  }
0xc: {  	v23 =	vimm.s32 $0x1B;
	v24 =	vimm.s32 $0x1C;
	v25 =	vimm.s32 $0x1D;
	_ =	strace $0x80000047;
	s4 =	ssub.s32 $0x2, s4;
	[dreg:$0x6] =	wrdreg s26  }
0xd: {  	v26 =	vimm.s32 $0x1E;
	v27 =	vimm.s32 $0x1F;
	v28 =	vimm.s32 $0x20;
	s26 =	simm.s32 $0x400;
	s6 =	sshll.u32 s5, $0x8;
	s5 =	sshll.u32 s5, $0x2  }
0xe: {  	v29 =	vimm.s32 $0x21;
	v30 =	vimm.s32 $0x22;
	v0 =	vmul.u32 $0x186A0, v0;
	s23 =	sshrl.u32 s4, $0x1;
	s1 =	sadd.s32 s6, s1;
	s0 =	sadd.s32 s0, s5  }
0xf: {  	v31 =	vimm.s32 $0x23;
	v32 =	vimm.s32 $0x24;
	v33 =	vimm.s32 $0x25;
	s25 =	ssub.s32 s4, s23;
	s6 =	simm.s32 $0x80;
	s23 =	simm.s32 $0xB00  }
0x10: {  	v34 =	vimm.s32 $0x26;
	v35 =	vimm.s32 $0x27;
	v1 =	vadd.s32 $0x186A00, v0;
	[dreg:$0x4] =	wrdreg s0;
	s24 =	sadd.s32 $0x600, s1;
	s4 =	smax.u32 s25, $0x1  }
0x11: {  	v3 =	vimm.s32 $0x8;
	v2 =	vadd.s32 $0x30D400, v0;
	v4 =	vadd.s32 $0x493E00, v0;
	s25 =	simm.s32 $0xB80;
	[dreg:$0x5] =	wrdreg s24;
	s24 =	simm.s32 $0x380  }
.LBB2_1:
0x12: {  	s14 =	rddreg [dreg:$0x4]  }
0x13: {  	s15 =	rddreg [dreg:$0x6];
	s0 =	simm.s32 $0x2  }
0x14: {  	[tilespmem:s15], [sflag:$0x2] =	stream.linear.gather [hbm4b:s14+s3], $0x20, $0x38;
	[tilespmem:$0x1080] =	vst v63  }
0x15: {  	_ =	swait.ge [sflag:s0], $0x20  }
0x16: {  	[sflag:s0] =	ssyncset.done $0x0  }
0x17: {  	[sflag:s0] =	ssyncadd.s32 $0xFFFFFFE0  }
0x18: {  	v36 =	vld.idx.msk [tilespmem:v3+s3+$0x0], $0xffff;
	_ =	sdelay $0x4  }
0x19: {  	v37 =	vadd.s32 v0, v36  }
0x1a: {  	v41 =	vadd.s32 v1, v36;
	[tilespmem:$0x80] =	vst v37  }
0x1b: {  	v42 =	vadd.s32 v2, v36;
	[tilespmem:$0x90] =	vst v41  }
0x1c: {  	v36 =	vadd.s32 v4, v36;
	[tilespmem:$0xA0] =	vst v42  }
0x1d: {  	[tilespmem:$0xB0] =	vst v36  }
0x1e: {  	v36 =	vld.idx.msk [tilespmem:v5+s3+$0x0], $0xffff;
	_ =	sdelay $0x4  }
0x1f: {  	v43 =	vadd.s32 v0, v36  }
0x20: {  	v44 =	vadd.s32 v1, v36;
	[tilespmem:$0xC0] =	vst v43  }
0x21: {  	v45 =	vadd.s32 v2, v36;
	[tilespmem:$0xD0] =	vst v44  }
0x22: {  	v36 =	vadd.s32 v4, v36;
	[tilespmem:$0xE0] =	vst v45  }
0x23: {  	[tilespmem:$0xF0] =	vst v36  }
0x24: {  	v36 =	vld.idx.msk [tilespmem:v6+s3+$0x0], $0xffff;
	_ =	sdelay $0x4  }
0x25: {  	v46 =	vadd.s32 v0, v36  }
0x26: {  	v47 =	vadd.s32 v1, v36;
	[tilespmem:$0x100] =	vst v46  }
0x27: {  	v48 =	vadd.s32 v2, v36;
	[tilespmem:$0x110] =	vst v47  }
0x28: {  	v36 =	vadd.s32 v4, v36;
	[tilespmem:$0x120] =	vst v48  }
0x29: {  	[tilespmem:$0x130] =	vst v36  }
0x2a: {  	v36 =	vld.idx.msk [tilespmem:v7+s3+$0x0], $0xffff;
	_ =	sdelay $0x4  }
0x2b: {  	v49 =	vadd.s32 v0, v36  }
0x2c: {  	v50 =	vadd.s32 v1, v36;
	[tilespmem:$0x140] =	vst v49  }
0x2d: {  	v51 =	vadd.s32 v2, v36;
	[tilespmem:$0x150] =	vst v50  }
0x2e: {  	v36 =	vadd.s32 v4, v36;
	[tilespmem:$0x160] =	vst v51  }
0x2f: {  	[tilespmem:$0x170] =	vst v36  }
0x30: {  	v36 =	vld.idx.msk [tilespmem:v8+s3+$0x0], $0xffff;
	_ =	sdelay $0x4  }
0x31: {  	v52 =	vadd.s32 v0, v36  }
0x32: {  	v53 =	vadd.s32 v1, v36;
	[tilespmem:$0x180] =	vst v52  }
0x33: {  	v54 =	vadd.s32 v2, v36;
	[tilespmem:$0x190] =	vst v53  }
0x34: {  	v36 =	vadd.s32 v4, v36;
	[tilespmem:$0x1A0] =	vst v54  }
0x35: {  	[tilespmem:$0x1B0] =	vst v36  }
0x36: {  	v36 =	vld.idx.msk [tilespmem:v9+s3+$0x0], $0xffff;
	_ =	sdelay $0x4  }
0x37: {  	v55 =	vadd.s32 v0, v36  }
0x38: {  	v56 =	vadd.s32 v1, v36;
	[tilespmem:$0x1C0] =	vst v55  }
0x39: {  	v57 =	vadd.s32 v2, v36;
	[tilespmem:$0x1D0] =	vst v56  }
0x3a: {  	v36 =	vadd.s32 v4, v36;
	[tilespmem:$0x1E0] =	vst v57  }
0x3b: {  	[tilespmem:$0x1F0] =	vst v36  }
0x3c: {  	v36 =	vld.idx.msk [tilespmem:v10+s3+$0x0], $0xffff;
	_ =	sdelay $0x4  }
0x3d: {  	v58 =	vadd.s32 v0, v36  }
0x3e: {  	v59 =	vadd.s32 v1, v36;
	[tilespmem:$0x200] =	vst v58  }
0x3f: {  	v60 =	vadd.s32 v2, v36;
	[tilespmem:$0x210] =	vst v59  }
0x40: {  	v36 =	vadd.s32 v4, v36;
	[tilespmem:$0x220] =	vst v60  }
0x41: {  	[tilespmem:$0x230] =	vst v36  }
0x42: {  	v36 =	vld.idx.msk [tilespmem:v11+s3+$0x0], $0xffff;
	_ =	sdelay $0x4  }
0x43: {  	v61 =	vadd.s32 v0, v36  }
0x44: {  	v62 =	vadd.s32 v1, v36;
	[tilespmem:$0x240] =	vst v61  }
0x45: {  	v63 =	vadd.s32 v2, v36;
	[tilespmem:$0x250] =	vst v62  }
0x46: {  	v36 =	vadd.s32 v4, v36;
	[tilespmem:$0x260] =	vst v63  }
0x47: {  	[tilespmem:$0x270] =	vst v36  }
0x48: {  	v36 =	vld.idx.msk [tilespmem:v12+s3+$0x0], $0xffff;
	_ =	sdelay $0x4  }
0x49: {  	v40 =	vadd.s32 v0, v36  }
0x4a: {  	v41 =	vadd.s32 v1, v36;
	[tilespmem:$0x280] =	vst v40  }
0x4b: {  	v42 =	vadd.s32 v2, v36;
	[tilespmem:$0x290] =	vst v41  }
0x4c: {  	v36 =	vadd.s32 v4, v36;
	[tilespmem:$0x2A0] =	vst v42  }
0x4d: {  	[tilespmem:$0x2B0] =	vst v36  }
0x4e: {  	v36 =	vld.idx.msk [tilespmem:v13+s3+$0x0], $0xffff;
	_ =	sdelay $0x4  }
0x4f: {  	v43 =	vadd.s32 v0, v36  }
0x50: {  	v44 =	vadd.s32 v1, v36;
	[tilespmem:$0x2C0] =	vst v43  }
0x51: {  	v45 =	vadd.s32 v2, v36;
	[tilespmem:$0x2D0] =	vst v44  }
0x52: {  	v36 =	vadd.s32 v4, v36;
	[tilespmem:$0x2E0] =	vst v45  }
0x53: {  	[tilespmem:$0x2F0] =	vst v36  }
0x54: {  	v36 =	vld.idx.msk [tilespmem:v14+s3+$0x0], $0xffff;
	_ =	sdelay $0x4  }
0x55: {  	v46 =	vadd.s32 v0, v36  }
0x56: {  	v47 =	vadd.s32 v1, v36;
	[tilespmem:$0x300] =	vst v46  }
0x57: {  	v48 =	vadd.s32 v2, v36;
	[tilespmem:$0x310] =	vst v47  }
0x58: {  	v36 =	vadd.s32 v4, v36;
	[tilespmem:$0x320] =	vst v48  }
0x59: {  	[tilespmem:$0x330] =	vst v36  }
0x5a: {  	v36 =	vld.idx.msk [tilespmem:v15+s3+$0x0], $0xffff;
	_ =	sdelay $0x4  }
0x5b: {  	v49 =	vadd.s32 v0, v36  }
0x5c: {  	v50 =	vadd.s32 v1, v36;
	[tilespmem:$0x340] =	vst v49  }
0x5d: {  	v51 =	vadd.s32 v2, v36;
	[tilespmem:$0x350] =	vst v50  }
0x5e: {  	v36 =	vadd.s32 v4, v36;
	[tilespmem:$0x360] =	vst v51  }
0x5f: {  	[tilespmem:$0x370] =	vst v36  }
0x60: {  	v36 =	vld.idx.msk [tilespmem:v16+s3+$0x0], $0xffff;
	_ =	sdelay $0x4  }
0x61: {  	v52 =	vadd.s32 v0, v36  }
0x62: {  	v53 =	vadd.s32 v1, v36;
	[tilespmem:$0x380] =	vst v52  }
0x63: {  	v54 =	vadd.s32 v2, v36;
	[tilespmem:$0x390] =	vst v53  }
0x64: {  	v36 =	vadd.s32 v4, v36;
	[tilespmem:$0x3A0] =	vst v54  }
0x65: {  	[tilespmem:$0x3B0] =	vst v36  }
0x66: {  	v36 =	vld.idx.msk [tilespmem:v17+s3+$0x0], $0xffff;
	_ =	sdelay $0x4  }
0x67: {  	v55 =	vadd.s32 v0, v36  }
0x68: {  	v56 =	vadd.s32 v1, v36;
	[tilespmem:$0x3C0] =	vst v55  }
0x69: {  	v57 =	vadd.s32 v2, v36;
	[tilespmem:$0x3D0] =	vst v56  }
0x6a: {  	v36 =	vadd.s32 v4, v36;
	[tilespmem:$0x3E0] =	vst v57  }
0x6b: {  	[tilespmem:$0x3F0] =	vst v36  }
0x6c: {  	v36 =	vld.idx.msk [tilespmem:v18+s3+$0x0], $0xffff;
	_ =	sdelay $0x4  }
0x6d: {  	v58 =	vadd.s32 v0, v36  }
0x6e: {  	v59 =	vadd.s32 v1, v36;
	[tilespmem:$0x400] =	vst v58  }
0x6f: {  	v60 =	vadd.s32 v2, v36;
	[tilespmem:$0x410] =	vst v59  }
0x70: {  	v36 =	vadd.s32 v4, v36;
	[tilespmem:$0x420] =	vst v60  }
0x71: {  	[tilespmem:$0x430] =	vst v36  }
0x72: {  	v36 =	vld.idx.msk [tilespmem:v19+s3+$0x0], $0xffff;
	_ =	sdelay $0x4  }
0x73: {  	v61 =	vadd.s32 v0, v36  }
0x74: {  	v62 =	vadd.s32 v1, v36;
	[tilespmem:$0x440] =	vst v61  }
0x75: {  	v63 =	vadd.s32 v2, v36;
	[tilespmem:$0x450] =	vst v62  }
0x76: {  	v36 =	vadd.s32 v4, v36;
	[tilespmem:$0x460] =	vst v63  }
0x77: {  	[tilespmem:$0x470] =	vst v36  }
0x78: {  	v36 =	vld.idx.msk [tilespmem:v20+s3+$0x0], $0xffff;
	_ =	sdelay $0x4  }
0x79: {  	v40 =	vadd.s32 v0, v36  }
0x7a: {  	v41 =	vadd.s32 v1, v36;
	[tilespmem:$0x480] =	vst v40  }
0x7b: {  	v42 =	vadd.s32 v2, v36;
	[tilespmem:$0x490] =	vst v41  }
0x7c: {  	v36 =	vadd.s32 v4, v36;
	[tilespmem:$0x4A0] =	vst v42  }
0x7d: {  	[tilespmem:$0x4B0] =	vst v36  }
0x7e: {  	v36 =	vld.idx.msk [tilespmem:v21+s3+$0x0], $0xffff;
	_ =	sdelay $0x4  }
0x7f: {  	v43 =	vadd.s32 v0, v36  }
0x80: {  	v44 =	vadd.s32 v1, v36;
	[tilespmem:$0x4C0] =	vst v43  }
0x81: {  	v45 =	vadd.s32 v2, v36;
	[tilespmem:$0x4D0] =	vst v44  }
0x82: {  	v36 =	vadd.s32 v4, v36;
	[tilespmem:$0x4E0] =	vst v45  }
0x83: {  	[tilespmem:$0x4F0] =	vst v36  }
0x84: {  	v36 =	vld.idx.msk [tilespmem:v22+s3+$0x0], $0xffff;
	_ =	sdelay $0x4  }
0x85: {  	v46 =	vadd.s32 v0, v36  }
0x86: {  	v47 =	vadd.s32 v1, v36;
	[tilespmem:$0x500] =	vst v46  }
0x87: {  	v48 =	vadd.s32 v2, v36;
	[tilespmem:$0x510] =	vst v47  }
0x88: {  	v36 =	vadd.s32 v4, v36;
	[tilespmem:$0x520] =	vst v48  }
0x89: {  	[tilespmem:$0x530] =	vst v36  }
0x8a: {  	v36 =	vld.idx.msk [tilespmem:v23+s3+$0x0], $0xffff;
	_ =	sdelay $0x4  }
0x8b: {  	v49 =	vadd.s32 v0, v36  }
0x8c: {  	v50 =	vadd.s32 v1, v36;
	[tilespmem:$0x540] =	vst v49  }
0x8d: {  	v51 =	vadd.s32 v2, v36;
	[tilespmem:$0x550] =	vst v50  }
0x8e: {  	v36 =	vadd.s32 v4, v36;
	[tilespmem:$0x560] =	vst v51  }
0x8f: {  	[tilespmem:$0x570] =	vst v36  }
0x90: {  	v36 =	vld.idx.msk [tilespmem:v24+s3+$0x0], $0xffff;
	_ =	sdelay $0x4  }
0x91: {  	v52 =	vadd.s32 v0, v36  }
0x92: {  	v53 =	vadd.s32 v1, v36;
	[tilespmem:$0x580] =	vst v52  }
0x93: {  	v54 =	vadd.s32 v2, v36;
	[tilespmem:$0x590] =	vst v53  }
0x94: {  	v36 =	vadd.s32 v4, v36;
	[tilespmem:$0x5A0] =	vst v54  }
0x95: {  	[tilespmem:$0x5B0] =	vst v36  }
0x96: {  	v36 =	vld.idx.msk [tilespmem:v25+s3+$0x0], $0xffff;
	_ =	sdelay $0x4  }
0x97: {  	v55 =	vadd.s32 v0, v36  }
0x98: {  	v56 =	vadd.s32 v1, v36;
	[tilespmem:$0x5C0] =	vst v55  }
0x99: {  	v57 =	vadd.s32 v2, v36;
	[tilespmem:$0x5D0] =	vst v56  }
0x9a: {  	v36 =	vadd.s32 v4, v36;
	[tilespmem:$0x5E0] =	vst v57  }
0x9b: {  	[tilespmem:$0x5F0] =	vst v36  }
0x9c: {  	v36 =	vld.idx.msk [tilespmem:v26+s3+$0x0], $0xffff;
	_ =	sdelay $0x4  }
0x9d: {  	v58 =	vadd.s32 v0, v36  }
0x9e: {  	v59 =	vadd.s32 v1, v36;
	[tilespmem:$0x600] =	vst v58  }
0x9f: {  	v60 =	vadd.s32 v2, v36;
	[tilespmem:$0x610] =	vst v59  }
0xa0: {  	v36 =	vadd.s32 v4, v36;
	[tilespmem:$0x620] =	vst v60  }
0xa1: {  	[tilespmem:$0x630] =	vst v36  }
0xa2: {  	v36 =	vld.idx.msk [tilespmem:v27+s3+$0x0], $0xffff;
	_ =	sdelay $0x4  }
0xa3: {  	v61 =	vadd.s32 v0, v36  }
0xa4: {  	v62 =	vadd.s32 v1, v36;
	[tilespmem:$0x640] =	vst v61  }
0xa5: {  	v63 =	vadd.s32 v2, v36;
	[tilespmem:$0x650] =	vst v62  }
0xa6: {  	v36 =	vadd.s32 v4, v36;
	[tilespmem:$0x660] =	vst v63  }
0xa7: {  	[tilespmem:$0x670] =	vst v36  }
0xa8: {  	v36 =	vld.idx.msk [tilespmem:v28+s3+$0x0], $0xffff;
	_ =	sdelay $0x4  }
0xa9: {  	v40 =	vadd.s32 v0, v36  }
0xaa: {  	v41 =	vadd.s32 v1, v36;
	[tilespmem:$0x680] =	vst v40  }
0xab: {  	v42 =	vadd.s32 v2, v36;
	[tilespmem:$0x690] =	vst v41  }
0xac: {  	v36 =	vadd.s32 v4, v36;
	[tilespmem:$0x6A0] =	vst v42  }
0xad: {  	[tilespmem:$0x6B0] =	vst v36  }
0xae: {  	v36 =	vld.idx.msk [tilespmem:v29+s3+$0x0], $0xffff;
	_ =	sdelay $0x4  }
0xaf: {  	v43 =	vadd.s32 v0, v36  }
0xb0: {  	v44 =	vadd.s32 v1, v36;
	[tilespmem:$0x6C0] =	vst v43  }
0xb1: {  	v45 =	vadd.s32 v2, v36;
	[tilespmem:$0x6D0] =	vst v44  }
0xb2: {  	v36 =	vadd.s32 v4, v36;
	[tilespmem:$0x6E0] =	vst v45  }
0xb3: {  	[tilespmem:$0x6F0] =	vst v36  }
0xb4: {  	v36 =	vld.idx.msk [tilespmem:v30+s3+$0x0], $0xffff;
	_ =	sdelay $0x4  }
0xb5: {  	v46 =	vadd.s32 v0, v36  }
0xb6: {  	v47 =	vadd.s32 v1, v36;
	[tilespmem:$0x700] =	vst v46  }
0xb7: {  	v48 =	vadd.s32 v2, v36;
	[tilespmem:$0x710] =	vst v47  }
0xb8: {  	v36 =	vadd.s32 v4, v36;
	[tilespmem:$0x720] =	vst v48  }
0xb9: {  	[tilespmem:$0x730] =	vst v36  }
0xba: {  	v36 =	vld.idx.msk [tilespmem:v31+s3+$0x0], $0xffff;
	_ =	sdelay $0x4  }
0xbb: {  	v49 =	vadd.s32 v0, v36  }
0xbc: {  	v50 =	vadd.s32 v1, v36;
	[tilespmem:$0x740] =	vst v49  }
0xbd: {  	v51 =	vadd.s32 v2, v36;
	[tilespmem:$0x750] =	vst v50  }
0xbe: {  	v36 =	vadd.s32 v4, v36;
	[tilespmem:$0x760] =	vst v51  }
0xbf: {  	[tilespmem:$0x770] =	vst v36  }
0xc0: {  	v36 =	vld.idx.msk [tilespmem:v32+s3+$0x0], $0xffff;
	_ =	sdelay $0x4  }
0xc1: {  	v52 =	vadd.s32 v0, v36  }
0xc2: {  	v53 =	vadd.s32 v1, v36;
	[tilespmem:$0x780] =	vst v52  }
0xc3: {  	v54 =	vadd.s32 v2, v36;
	[tilespmem:$0x790] =	vst v53  }
0xc4: {  	v36 =	vadd.s32 v4, v36;
	[tilespmem:$0x7A0] =	vst v54  }
0xc5: {  	[tilespmem:$0x7B0] =	vst v36  }
0xc6: {  	v36 =	vld.idx.msk [tilespmem:v33+s3+$0x0], $0xffff;
	_ =	sdelay $0x4  }
0xc7: {  	v55 =	vadd.s32 v0, v36  }
0xc8: {  	v56 =	vadd.s32 v1, v36;
	[tilespmem:$0x7C0] =	vst v55  }
0xc9: {  	v57 =	vadd.s32 v2, v36;
	[tilespmem:$0x7D0] =	vst v56  }
0xca: {  	v36 =	vadd.s32 v4, v36;
	[tilespmem:$0x7E0] =	vst v57  }
0xcb: {  	[tilespmem:$0x7F0] =	vst v36  }
0xcc: {  	v36 =	vld.idx.msk [tilespmem:v34+s3+$0x0], $0xffff;
	_ =	sdelay $0x4  }
0xcd: {  	v58 =	vadd.s32 v0, v36  }
0xce: {  	v59 =	vadd.s32 v1, v36;
	[tilespmem:$0x800] =	vst v58  }
0xcf: {  	v60 =	vadd.s32 v2, v36;
	[tilespmem:$0x810] =	vst v59  }
0xd0: {  	v36 =	vadd.s32 v4, v36;
	[tilespmem:$0x820] =	vst v60  }
0xd1: {  	[tilespmem:$0x830] =	vst v36  }
0xd2: {  	v36 =	vld.idx.msk [tilespmem:v35+s3+$0x0], $0xffff;
	_ =	sdelay $0x4  }
0xd3: {  	v61 =	vadd.s32 v0, v36  }
0xd4: {  	v62 =	vadd.s32 v1, v36;
	[tilespmem:$0x840] =	vst v61  }
0xd5: {  	v63 =	vadd.s32 v2, v36;
	[tilespmem:$0x850] =	vst v62  }
0xd6: {  	v36 =	vadd.s32 v4, v36;
	[tilespmem:$0x860] =	vst v63  }
0xd7: {  	s7 =	simm.s32 $0x880;
	[tilespmem:$0x870] =	vst v36  }
0xd8: {  	[tilespmem:s7], [sflag:$0x1] =	stream.indirect.gather [hbm4b:s2+s6], $0x1, s6, s6, $0xb8;
	[tilespmem:$0x1080] =	vst v63  }
0xd9: {  	_ = 	snop  }
0xda: {  	[tilespmem:s7], [sflag:$0x1] =	stream.indirect.gather [hbm4b:s2+s6], $0x1, s6, s6, $0xb8;
	[tilespmem:$0x1080] =	vst v63  }
0xdb: {  	s14 =	simm.s32 $0x100;
	s15 =	simm.s32 $0x900  }
0xdc: {  	[tilespmem:s15], [sflag:$0x1] =	stream.indirect.gather [hbm4b:s2+s6], $0x1, s14, s6, $0xb8;
	[tilespmem:$0x1080] =	vst v63  }
0xdd: {  	_ = 	snop  }
0xde: {  	[tilespmem:s15], [sflag:$0x1] =	stream.indirect.gather [hbm4b:s2+s6], $0x1, s14, s6, $0xb8;
	[tilespmem:$0x1080] =	vst v63  }
0xdf: {  	_ = 	snop  }
0xe0: {  	[tilespmem:s17], [sflag:$0x1] =	stream.indirect.gather [hbm4b:s2+s6], $0x1, s16, s6, $0xb8;
	[tilespmem:$0x1080] =	vst v63  }
0xe1: {  	_ = 	snop  }
0xe2: {  	[tilespmem:s17], [sflag:$0x1] =	stream.indirect.gather [hbm4b:s2+s6], $0x1, s16, s6, $0xb8;
	[tilespmem:$0x1080] =	vst v63  }
0xe3: {  	_ = 	snop  }
0xe4: {  	[tilespmem:s19], [sflag:$0x1] =	stream.indirect.gather [hbm4b:s2+s6], $0x1, s18, s6, $0xb8;
	[tilespmem:$0x1080] =	vst v63  }
0xe5: {  	_ = 	snop  }
0xe6: {  	[tilespmem:s19], [sflag:$0x1] =	stream.indirect.gather [hbm4b:s2+s6], $0x1, s18, s6, $0xb8;
	[tilespmem:$0x1080] =	vst v63  }
0xe7: {  	_ = 	snop  }
0xe8: {  	[tilespmem:s21], [sflag:$0x1] =	stream.indirect.gather [hbm4b:s2+s6], $0x1, s20, s6, $0xb8;
	[tilespmem:$0x1080] =	vst v63  }
0xe9: {  	_ = 	snop  }
0xea: {  	[tilespmem:s21], [sflag:$0x1] =	stream.indirect.gather [hbm4b:s2+s6], $0x1, s20, s6, $0xb8;
	[tilespmem:$0x1080] =	vst v63  }
0xeb: {  	_ = 	snop  }
0xec: {  	[tilespmem:s23], [sflag:$0x1] =	stream.indirect.gather [hbm4b:s2+s6], $0x1, s22, s6, $0xb8;
	[tilespmem:$0x1080] =	vst v63  }
0xed: {  	_ = 	snop  }
0xee: {  	[tilespmem:s23], [sflag:$0x1] =	stream.indirect.gather [hbm4b:s2+s6], $0x1, s22, s6, $0xb8;
	[tilespmem:$0x1080] =	vst v63  }
0xef: {  	_ = 	snop  }
0xf0: {  	[tilespmem:s25], [sflag:$0x1] =	stream.indirect.gather [hbm4b:s2+s6], $0x1, s24, s6, $0xb8;
	[tilespmem:$0x1080] =	vst v63  }
0xf1: {  	_ = 	snop  }
0xf2: {  	[tilespmem:s25], [sflag:$0x1] =	stream.indirect.gather [hbm4b:s2+s6], $0x1, s24, s6, $0xb8;
	[tilespmem:$0x1080] =	vst v63  }
0xf3: {  	_ = 	snop  }
0xf4: {  	[tilespmem:s28], [sflag:$0x1] =	stream.indirect.gather [hbm4b:s2+s6], $0x1, s26, s6, $0xb8;
	[tilespmem:$0x1080] =	vst v63  }
0xf5: {  	_ = 	snop  }
0xf6: {  	[tilespmem:s28], [sflag:$0x1] =	stream.indirect.gather [hbm4b:s2+s6], $0x1, s26, s6, $0xb8;
	[tilespmem:$0x1080] =	vst v63  }
0xf7: {  	_ = 	snop  }
0xf8: {  	[tilespmem:s30], [sflag:$0x1] =	stream.indirect.gather [hbm4b:s2+s6], $0x1, s29, s6, $0xb8;
	[tilespmem:$0x1080] =	vst v63  }
0xf9: {  	_ = 	snop  }
0xfa: {  	[tilespmem:s30], [sflag:$0x1] =	stream.indirect.gather [hbm4b:s2+s6], $0x1, s29, s6, $0xb8;
	[tilespmem:$0x1080] =	vst v63  }
0xfb: {  	s1 =	simm.s32 $0xD00  }
0xfc: {  	[tilespmem:s1], [sflag:$0x1] =	stream.indirect.gather [hbm4b:s2+s6], $0x1, s31, s6, $0xb8;
	[tilespmem:$0x1080] =	vst v63  }
0xfd: {  	_ = 	snop  }
0xfe: {  	[tilespmem:s1], [sflag:$0x1] =	stream.indirect.gather [hbm4b:s2+s6], $0x1, s31, s6, $0xb8;
	[tilespmem:$0x1080] =	vst v63  }
0xff: {  	s5 =	simm.s32 $0x580  }
0x100: {  	[tilespmem:s8], [sflag:$0x1] =	stream.indirect.gather [hbm4b:s2+s6], $0x1, s5, s6, $0xb8;
	[tilespmem:$0x1080] =	vst v63  }
0x101: {  	_ = 	snop  }
0x102: {  	[tilespmem:s8], [sflag:$0x1] =	stream.indirect.gather [hbm4b:s2+s6], $0x1, s5, s6, $0xb8;
	[tilespmem:$0x1080] =	vst v63  }
0x103: {  	_ = 	snop  }
0x104: {  	[tilespmem:s10], [sflag:$0x1] =	stream.indirect.gather [hbm4b:s2+s6], $0x1, s9, s6, $0xb8;
	[tilespmem:$0x1080] =	vst v63  }
0x105: {  	_ = 	snop  }
0x106: {  	[tilespmem:s10], [sflag:$0x1] =	stream.indirect.gather [hbm4b:s2+s6], $0x1, s9, s6, $0xb8;
	[tilespmem:$0x1080] =	vst v63  }
0x107: {  	_ = 	snop  }
0x108: {  	[tilespmem:s12], [sflag:$0x1] =	stream.indirect.gather [hbm4b:s2+s6], $0x1, s11, s6, $0xb8;
	[tilespmem:$0x1080] =	vst v63  }
0x109: {  	_ = 	snop  }
0x10a: {  	[tilespmem:s12], [sflag:$0x1] =	stream.indirect.gather [hbm4b:s2+s6], $0x1, s11, s6, $0xb8;
	[tilespmem:$0x1080] =	vst v63  }
0x10b: {  	s0 =	simm.s32 $0x700;
	s7 =	simm.s32 $0xF00  }
0x10c: {  	[tilespmem:s7], [sflag:$0x1] =	stream.indirect.gather [hbm4b:s2+s6], $0x1, s0, s6, $0xb8;
	[tilespmem:$0x1080] =	vst v63  }
0x10d: {  	_ = 	snop  }
0x10e: {  	[tilespmem:s7], [sflag:$0x1] =	stream.indirect.gather [hbm4b:s2+s6], $0x1, s0, s6, $0xb8;
	[tilespmem:$0x1080] =	vst v63  }
0x10f: {  	s0 =	simm.s32 $0x780;
	s7 =	simm.s32 $0xF80  }
0x110: {  	[tilespmem:s7], [sflag:$0x1] =	stream.indirect.gather [hbm4b:s2+s6], $0x1, s0, s6, $0xb8;
	[tilespmem:$0x1080] =	vst v63  }
0x111: {  	_ = 	snop  }
0x112: {  	[tilespmem:s7], [sflag:$0x1] =	stream.indirect.gather [hbm4b:s2+s6], $0x1, s0, s6, $0xb8;
	[tilespmem:$0x1080] =	vst v63  }
0x113: {  	s7 =	simm.s32 $0x800;
	s0 =	simm.s32 $0x1000  }
0x114: {  	[tilespmem:s0], [sflag:$0x1] =	stream.indirect.gather [hbm4b:s2+s6], $0x1, s7, s6, $0xb8;
	[tilespmem:$0x1080] =	vst v63  }
0x115: {  	_ = 	snop  }
0x116: {  	[tilespmem:s0], [sflag:$0x1] =	stream.indirect.gather [hbm4b:s2+s6], $0x1, s7, s6, $0xb8;
	[tilespmem:$0x1080] =	vst v63  }
0x117: {  	s7 =	simm.s32 $0x880  }
0x118: {  	[tilespmem:s7], [sflag:$0x1] =	stream.indirect.gather [hbm4b:s2+s6], $0x1, s6, s6, $0xb8;
	[tilespmem:$0x1080] =	vst v63  }
0x119: {  	_ =	swait.ge [sflag:s13], $0x80  }
0x11a: {  	[sflag:s13] =	ssyncset.done $0x0  }
0x11b: {  	[sflag:s13] =	ssyncadd.s32 $0xFFFFFF80  }
0x11c: {  	[tilespmem:s15], [sflag:$0x1] =	stream.indirect.gather [hbm4b:s2+s6], $0x1, s14, s6, $0xb8;
	[tilespmem:$0x1080] =	vst v63  }
0x11d: {  	_ =	swait.ge [sflag:s13], $0x80  }
0x11e: {  	[sflag:s13] =	ssyncset.done $0x0  }
0x11f: {  	[sflag:s13] =	ssyncadd.s32 $0xFFFFFF80  }
0x120: {  	[tilespmem:s17], [sflag:$0x1] =	stream.indirect.gather [hbm4b:s2+s6], $0x1, s16, s6, $0xb8;
	[tilespmem:$0x1080] =	vst v63  }
0x121: {  	_ =	swait.ge [sflag:s13], $0x80  }
0x122: {  	[sflag:s13] =	ssyncset.done $0x0  }
0x123: {  	[sflag:s13] =	ssyncadd.s32 $0xFFFFFF80  }
0x124: {  	[tilespmem:s19], [sflag:$0x1] =	stream.indirect.gather [hbm4b:s2+s6], $0x1, s18, s6, $0xb8;
	[tilespmem:$0x1080] =	vst v63  }
0x125: {  	_ =	swait.ge [sflag:s13], $0x80  }
0x126: {  	[sflag:s13] =	ssyncset.done $0x0  }
0x127: {  	[sflag:s13] =	ssyncadd.s32 $0xFFFFFF80  }
0x128: {  	[tilespmem:s21], [sflag:$0x1] =	stream.indirect.gather [hbm4b:s2+s6], $0x1, s20, s6, $0xb8;
	[tilespmem:$0x1080] =	vst v63  }
0x129: {  	_ =	swait.ge [sflag:s13], $0x80  }
0x12a: {  	[sflag:s13] =	ssyncset.done $0x0  }
0x12b: {  	[sflag:s13] =	ssyncadd.s32 $0xFFFFFF80  }
0x12c: {  	[tilespmem:s23], [sflag:$0x1] =	stream.indirect.gather [hbm4b:s2+s6], $0x1, s22, s6, $0xb8;
	[tilespmem:$0x1080] =	vst v63  }
0x12d: {  	_ =	swait.ge [sflag:s13], $0x80  }
0x12e: {  	[sflag:s13] =	ssyncset.done $0x0  }
0x12f: {  	[sflag:s13] =	ssyncadd.s32 $0xFFFFFF80  }
0x130: {  	[tilespmem:s25], [sflag:$0x1] =	stream.indirect.gather [hbm4b:s2+s6], $0x1, s24, s6, $0xb8;
	[tilespmem:$0x1080] =	vst v63  }
0x131: {  	_ =	swait.ge [sflag:s13], $0x80  }
0x132: {  	[sflag:s13] =	ssyncset.done $0x0  }
0x133: {  	[sflag:s13] =	ssyncadd.s32 $0xFFFFFF80  }
0x134: {  	[tilespmem:s28], [sflag:$0x1] =	stream.indirect.gather [hbm4b:s2+s6], $0x1, s26, s6, $0xb8;
	[tilespmem:$0x1080] =	vst v63  }
0x135: {  	_ =	swait.ge [sflag:s13], $0x80  }
0x136: {  	[sflag:s13] =	ssyncset.done $0x0  }
0x137: {  	[sflag:s13] =	ssyncadd.s32 $0xFFFFFF80  }
0x138: {  	[tilespmem:s30], [sflag:$0x1] =	stream.indirect.gather [hbm4b:s2+s6], $0x1, s29, s6, $0xb8;
	[tilespmem:$0x1080] =	vst v63  }
0x139: {  	_ =	swait.ge [sflag:s13], $0x80  }
0x13a: {  	[sflag:s13] =	ssyncset.done $0x0  }
0x13b: {  	[sflag:s13] =	ssyncadd.s32 $0xFFFFFF80  }
0x13c: {  	[tilespmem:s1], [sflag:$0x1] =	stream.indirect.gather [hbm4b:s2+s6], $0x1, s31, s6, $0xb8;
	[tilespmem:$0x1080] =	vst v63  }
0x13d: {  	_ =	swait.ge [sflag:s13], $0x80  }
0x13e: {  	[sflag:s13] =	ssyncset.done $0x0  }
0x13f: {  	[sflag:s13] =	ssyncadd.s32 $0xFFFFFF80  }
0x140: {  	[tilespmem:s8], [sflag:$0x1] =	stream.indirect.gather [hbm4b:s2+s6], $0x1, s5, s6, $0xb8;
	[tilespmem:$0x1080] =	vst v63  }
0x141: {  	_ =	swait.ge [sflag:s13], $0x80  }
0x142: {  	[sflag:s13] =	ssyncset.done $0x0  }
0x143: {  	[sflag:s13] =	ssyncadd.s32 $0xFFFFFF80  }
0x144: {  	[tilespmem:s10], [sflag:$0x1] =	stream.indirect.gather [hbm4b:s2+s6], $0x1, s9, s6, $0xb8;
	[tilespmem:$0x1080] =	vst v63  }
0x145: {  	_ =	swait.ge [sflag:s13], $0x80  }
0x146: {  	[sflag:s13] =	ssyncset.done $0x0  }
0x147: {  	[sflag:s13] =	ssyncadd.s32 $0xFFFFFF80  }
0x148: {  	[tilespmem:s12], [sflag:$0x1] =	stream.indirect.gather [hbm4b:s2+s6], $0x1, s11, s6, $0xb8;
	[tilespmem:$0x1080] =	vst v63  }
0x149: {  	_ =	swait.ge [sflag:s13], $0x80  }
0x14a: {  	[sflag:s13] =	ssyncset.done $0x0  }
0x14b: {  	s14 =	simm.s32 $0x700;
	s15 =	simm.s32 $0xF00;
	[sflag:s13] =	ssyncadd.s32 $0xFFFFFF80  }
0x14c: {  	[tilespmem:s15], [sflag:$0x1] =	stream.indirect.gather [hbm4b:s2+s6], $0x1, s14, s6, $0xb8;
	[tilespmem:$0x1080] =	vst v63  }
0x14d: {  	_ =	swait.ge [sflag:s13], $0x80  }
0x14e: {  	[sflag:s13] =	ssyncset.done $0x0  }
0x14f: {  	s5 =	simm.s32 $0x780;
	s14 =	simm.s32 $0xF80;
	[sflag:s13] =	ssyncadd.s32 $0xFFFFFF80  }
0x150: {  	[tilespmem:s14], [sflag:$0x1] =	stream.indirect.gather [hbm4b:s2+s6], $0x1, s5, s6, $0xb8;
	[tilespmem:$0x1080] =	vst v63  }
0x151: {  	_ =	swait.ge [sflag:s13], $0x80  }
0x152: {  	[sflag:s13] =	ssyncset.done $0x0  }
0x153: {  	s0 =	simm.s32 $0x1000;
	s15 =	simm.s32 $0x800;
	[sflag:s13] =	ssyncadd.s32 $0xFFFFFF80  }
0x154: {  	[tilespmem:s0], [sflag:$0x1] =	stream.indirect.gather [hbm4b:s2+s6], $0x1, s15, s6, $0xb8;
	[tilespmem:$0x1080] =	vst v63  }
0x155: {  	p0 =	sne.s32 s4, $0x1;
	_ =	swait.ge [sflag:s13], $0x80  }
0x156: {  	s7 =	simm.s32 $0x880;
	s14 =	simm.s32 $0x2;
	[sflag:s13] =	ssyncset.done $0x0  }
.Ltmp0:
0x157: {  	s5 =	rddreg [dreg:$0x5];
	[sflag:s13] =	ssyncadd.s32 $0xFFFFFF80;
	(pc) =	sbr.rel @p0 .LBB2_1-.Ltmp0, $4  }
0x158: {  	[hbm4b:s5+s3] =	stream.linear.scatter [tilespmem:s7], [sflag:$0x2], $0x800, $0x38;
	[tilespmem:$0x1080] =	vst v63  }
0x159: {  	_ =	swait.ge [sflag:s14], $0x800  }
0x15a: {  	s15 =	simm.s32 $0x2;
	[sflag:s14] =	ssyncset.done $0x0  }
0x15b: {  	s4 =	sadd.s32 $0xFFFFFFFF, s4;
	[sflag:s15] =	ssyncadd.s32 $0xFFFFF800  }
0x15c: {  	_ =	sfence.sel $0x180000  }
0x15d: {  	[bflag:$0x0] =	sbarrier.arrive $0xFFFF  }
0x15e: {  	_ =	strace $0x90000047  }
0x15f: {  	s0 =	stileid.u32;
	[bflag:$0x2] =	sbarrier.arrive $0xFFFF  }
0x160: {  	p0 =	sne.s32 s0, $0x0;
	s0 =	rddreg [dreg:$0x3]  }
0x161: {  	s0 =	sadd.s32 @!p0 $0x100000, s0  }
0x162: {  	[sflag:s0] =	ssyncadd.tile.s32 @!p0 $0x1;
	_ =	shalt  }
.Lfunc_end2:
_tile_overlayer_lowered:
.L_overlay_start_2:
0x163: {  	(tag) =	ssettag $0x2  }
0x164: {  	s0 =	rddreg [dreg:$0x0];
	s2 =	stileid.u32  }
0x165: {  	s1 =	rddreg [dreg:$0x1];
	p0 =	sne.s32 s2, $0x0  }
0x166: {  	s3 =	rddreg [dreg:$0x2];
	[bflag:$0x3] =	sbarrier.arrive $0xFFFF;
	s2 =	simm.s32 @!p0 $0x1C02  }
0x167: {  	[timem:s3], [sflag:s2] =	dma.local @!p0 [hbm:s0], s1  }
0x168: {  	s0 =	simm.s32 @!p0 $0x2  }
0x169: {  	_ =	swait.ge @!p0 [sflag:s0], s1  }
0x16a: {  	s1 =	ssub.s32 @!p0 $0x0, s1;
	[sflag:s0] =	ssyncset.done @!p0 $0x0  }
0x16b: {  	[sflag:s0] =	ssyncadd.s32 @!p0 s1  }
0x16c: {  	[bflag:$0x3] =	sbarrier.arrive $0xFFFF  }
0x16d: {  	_ =	shalt  }

</sc_bundles>
